<compile_context>
chip_gen: v7x
topology: tpu7x:2x2x1
jax: 0.10.2.dev20260603
libtpu: 0.0.44.dev20260713+nightly
codegen_flags: <defaults>
</compile_context>

<pallas_src>
import functools
import numpy as np
import jax
import jax.numpy as jnp
from jax import lax
from jax.experimental import pallas as pl
from jax.experimental.pallas import tpu as pltpu
from jax.experimental.pallas import tpu_sc as plsc

_K = 4
_A_COEF = 1.0
_B_COEF = 0.01
_DIM = 128
_MNBR = 16
_DD = _DIM // _K
_ZW = _MNBR * _DIM

_F32 = jnp.float32

_BRN = 200
_NRB = _BRN * _MNBR
_C4_NP = np.zeros((_DIM, _K), np.float32)
for _j in range(_DIM):
    _C4_NP[_j, _j // _DD] = 1.0
_G_NP = np.zeros((_NRB, _BRN), np.float32)
for _r in range(_NRB):
    _G_NP[_r, _r // _MNBR] = 1.0


def _sc_gather(table, idx, nrows, chunk, nfire):
    nworkers = 32
    rw = nrows // nworkers
    nch = rw // chunk
    ngrp = nch // nfire
    assert rw * nworkers == nrows and chunk * nch == rw and nfire * ngrp == nch
    dt = table.dtype
    mesh = plsc.VectorSubcoreMesh(core_axis_name="c", subcore_axis_name="s")

    @functools.partial(
        pl.kernel,
        mesh=mesh,
        out_type=jax.ShapeDtypeStruct((nrows, _DIM), dt),
        scratch_types=[
            pltpu.VMEM((rw,), jnp.int32),
            pltpu.VMEM((nfire, chunk, _DIM), dt),
            pltpu.SemaphoreType.DMA,
        ],
    )
    def gk(table_hbm, idx_hbm, out_hbm, idx_v, rows_v, sem_g):
        wid = lax.axis_index("s") * 2 + lax.axis_index("c")
        base = wid * rw
        pltpu.sync_copy(idx_hbm.at[pl.ds(base, rw)], idx_v)

        def grp(g, carry):
            hg = []
            for b in range(nfire):
                off = (g * nfire + b) * chunk
                hg.append(
                    pltpu.async_copy(
                        table_hbm.at[idx_v.at[pl.ds(off, chunk)]],
                        rows_v.at[b],
                        sem_g,
                    )
                )
            for b in range(nfire):
                hg[b].wait()
                off = (g * nfire + b) * chunk
                pltpu.sync_copy(rows_v.at[b], out_hbm.at[pl.ds(base + off, chunk)])
            return carry

        lax.fori_loop(0, ngrp, grp, 0)

    return gk(table, idx)


def _routing_body(z_ref, x_ref, a2_ref, c4_ref, o_ref):
    z = z_ref[...].astype(_F32)
    x = x_ref[...]
    dn = (((1,), (0,)), ((), ()))
    ez = lax.dot_general(z, a2_ref[...], dn, preferred_element_type=_F32)
    ee = jnp.exp(ez)
    s4 = lax.dot_general(z, c4_ref[...], dn, preferred_element_type=_F32)
    cu = ee * s4
    cexp = lax.dot_general(cu, c4_ref[...], (((1,), (1,)), ((), ())),
                           preferred_element_type=_F32)
    p = cexp * z
    foldu = jnp.sum(p.reshape(_BRN, _MNBR, _DIM), axis=1)
    den = jnp.sum(ee.reshape(_BRN, _MNBR), axis=1, keepdims=True)
    o_ref[...] = x + _A_COEF * (foldu / den)


def _routing_call(z_rows, x, a2col):
    n = x.shape[0]
    grid = (n // _BRN,)
    return pl.pallas_call(
        _routing_body,
        grid=grid,
        in_specs=[
            pl.BlockSpec((_NRB, _DIM), lambda i: (i, 0)),
            pl.BlockSpec((_BRN, _DIM), lambda i: (i, 0)),
            pl.BlockSpec((_DIM, 1), lambda i: (0, 0)),
            pl.BlockSpec((_DIM, _K), lambda i: (0, 0)),
        ],
        out_specs=pl.BlockSpec((_BRN, _DIM), lambda i: (i, 0)),
        out_shape=jax.ShapeDtypeStruct((n, _DIM), _F32),
    )(z_rows, x, a2col, jnp.asarray(_C4_NP))


def _pr_body(a_ref, b_ref, pr_ref, pbm_ref):
    prv = jnp.sum(a_ref[...] * b_ref[...], axis=1, keepdims=True)
    pr_ref[...] = prv
    ls = jnp.minimum(prv, 0.0) - jnp.log(1.0 + jnp.exp(-jnp.abs(prv)))
    pbm_ref[...] = jnp.sum(ls, axis=0, keepdims=True) / prv.shape[0]


def _pr_call(a, b):
    nb = a.shape[0]
    return pl.pallas_call(
        _pr_body,
        in_specs=[
            pl.BlockSpec((nb, _DIM), lambda: (0, 0)),
            pl.BlockSpec((nb, _DIM), lambda: (0, 0)),
        ],
        out_specs=[
            pl.BlockSpec((nb, 1), lambda: (0, 0)),
            pl.BlockSpec((1, 1), lambda: (0, 0)),
        ],
        out_shape=[
            jax.ShapeDtypeStruct((nb, 1), _F32),
            jax.ShapeDtypeStruct((1, 1), _F32),
        ],
    )(a, b)


def _kl_part(eb, et, mb):
    um = lax.dot_general(eb, et, (((1,), (1,)), ((), ())),
                         preferred_element_type=_F32)
    th = jnp.tanh(0.5 * um)
    lse = 0.5 + jnp.log(jnp.sum(jnp.exp(0.5 * th), axis=1, keepdims=True))
    r = jnp.sum(mb, axis=1, keepdims=True)
    a = mb / r
    pe = jnp.exp(a)
    s = jnp.sum(pe, axis=1, keepdims=True)
    t1 = jnp.sum(pe * a, axis=1, keepdims=True)
    t2p = jnp.sum(pe * th, axis=1, keepdims=True)
    kl_row = (t1 - 0.5 * t2p) / s - 0.5 - jnp.log(s) + lse
    return jnp.sum(kl_row, axis=0, keepdims=True)


def _kl_body(eb_ref, et_ref, m_ref, o_ref):
    i = pl.program_id(0)
    bs = _kl_part(eb_ref[...], et_ref[...], m_ref[...])

    @pl.when(i == 0)
    def _():
        o_ref[...] = jnp.zeros((1, 1), _F32)

    o_ref[...] += bs


def _kl_call(mat, emb):
    n = emb.shape[0]
    br = 200
    return pl.pallas_call(
        _kl_body,
        grid=(n // br,),
        in_specs=[
            pl.BlockSpec((br, _DIM), lambda i: (i, 0)),
            pl.BlockSpec((n, _DIM), lambda i: (0, 0)),
            pl.BlockSpec((br, n), lambda i: (i, 0)),
        ],
        out_specs=pl.BlockSpec((1, 1), lambda i: (0, 0)),
        out_shape=jax.ShapeDtypeStruct((1, 1), _F32),
    )(emb, emb, mat)


def kernel(neiberm, neibern, u, v, u_weight, v_weight, att, M, N, duser, ditemid):
    mlen = u_weight.shape[0]
    ui_emb = jnp.concatenate([u_weight, v_weight], axis=0)
    nbm = neiberm.reshape(-1).astype(jnp.int32)
    nbn = neibern.reshape(-1).astype(jnp.int32) + mlen

    a2col = att[_DIM:].astype(_F32)
    idx_pieces = [
        nbm[:3200 * _MNBR],
        jnp.concatenate([nbm[3200 * _MNBR:], nbn[:1400 * _MNBR]]),
        nbn[1400 * _MNBR:],
    ]
    node_splits = [3200, 3200, 3600]
    outs = []
    row0 = 0
    for nn, idxp in zip(node_splits, idx_pieces):
        nr = nn * _MNBR
        z_piece = _sc_gather(ui_emb, idxp, nr, 40, 5)
        outs.append(_routing_call(z_piece, ui_emb[row0:row0 + nn], a2col))
        row0 += nn
    out_emb = jnp.concatenate(outs, axis=0)
    user_emb, item_emb = out_emb[:mlen], out_emb[mlen:]

    pidx = jnp.concatenate(
        [duser.astype(jnp.int32), ditemid.astype(jnp.int32) + mlen])
    prrows = _sc_gather(out_emb, pidx, pidx.shape[0], 32, 8)
    nb = duser.shape[0]
    pr2, pbm = _pr_call(prrows[:nb], prrows[nb:])
    pr = pr2[:, 0]

    kl_u = _kl_call(M, user_emb)
    kl_v = _kl_call(N, item_emb)
    loss = -pbm[0, 0] + _B_COEF * kl_u[0, 0] + _B_COEF * kl_v[0, 0]
    return (user_emb, item_emb, loss, pr)

# --- scband reference (transcript-rebuilt; emitter-appended) ---
"""Pipeline reference for scband-bi-disen-4071628997319 (READ-ONLY COPY).

The authoritative reference and input builder live on the scoring server;
editing this copy changes nothing except your own understanding.
"""

import jax, jax.numpy as jnp
import numpy as np

K_CAPS = 4
A_COEF = 1.0
B_COEF = 0.01
ROUTIT = 3
NLAYER = 1
MLEN = 5000
NLEN = 5000
DIM = 128
M_NBR = 16
BATCH = 4096


def routing_conv(x, neighbors, att, k, a, max_iter):
    n, d = x.shape
    m = neighbors.shape[0] // n
    delta_d = d // k
    z_full = jnp.concatenate([x, jnp.zeros((1, d), x.dtype)], axis=0)
    z = z_full[neighbors].reshape(n, m, k, delta_d)
    # vectorized form of the per-(i,j) attention score:
    # e_ij = cat([x[i], z[i,j].flatten()]) @ att  (scalar, broadcast over k)
    ex = x @ att[:d]                       # (n, 1)
    ez = z.reshape(n, m, d) @ att[d:]      # (n, m, 1)
    e = jnp.broadcast_to((ex[:, None, :] + ez)[:, :, None, :], (n, m, k, 1))
    attention = jax.nn.softmax(e, axis=1)
    e_prime = jnp.sum(attention * z, axis=3)   # (n, m, k)
    u = None
    for clus_iter in range(max_iter):
        if u is None:
            p = jnp.zeros((n, m, k), x.dtype)
        else:
            p = jnp.sum(z * u.reshape(n, 1, k, delta_d), axis=3)
        p = jax.nn.softmax(p, axis=2)  # computed in the original code but unused downstream
        u = jnp.sum(z * e_prime[:, :, :, None], axis=1)   # (n, k, delta_d)
        u = a * u + x.reshape(n, k, delta_d)
        if clus_iter < max_iter - 1:
            nrm = jnp.linalg.norm(u, axis=2, keepdims=True)
            u = u / jnp.maximum(nrm, 1e-12)
    return u.reshape(n, d)


def kl_div_sum(logp_x, p_y):
    # matches torch F.kl_div(logp_x, p_y, reduction='sum') = sum(p_y * (log p_y - logp_x))
    return jnp.sum(p_y * (jnp.log(jnp.maximum(p_y, 1e-38)) - logp_x))


def setup_inputs(seed: int = 0) -> dict:
    key = jax.random.key(seed)
    ks = jax.random.split(key, 12)
    neiberm = jax.random.randint(ks[0], (MLEN, M_NBR), 0, MLEN, dtype=jnp.int64 if jax.config.jax_enable_x64 else jnp.int32)
    neibern = jax.random.randint(ks[1], (NLEN, M_NBR), 0, NLEN, dtype=neiberm.dtype)
    u = jax.random.randint(ks[2], (BATCH,), 0, MLEN, dtype=neiberm.dtype)
    v = jax.random.randint(ks[3], (BATCH,), 0, NLEN, dtype=neiberm.dtype)
    u_weight = jax.random.normal(ks[4], (MLEN, DIM), dtype=jnp.float32)
    v_weight = jax.random.normal(ks[5], (NLEN, DIM), dtype=jnp.float32)
    att = jax.random.normal(ks[6], (2 * DIM, 1), dtype=jnp.float32)
    M = jax.random.uniform(ks[7], (MLEN, MLEN), dtype=jnp.float32, minval=1e-3, maxval=1.0)
    N = jax.random.uniform(ks[8], (NLEN, NLEN), dtype=jnp.float32, minval=1e-3, maxval=1.0)
    duser = jax.random.randint(ks[9], (BATCH,), 0, MLEN, dtype=neiberm.dtype)
    ditemid = jax.random.randint(ks[10], (BATCH,), 0, NLEN, dtype=neiberm.dtype)
    return {"neiberm": neiberm, "neibern": neibern, "u": u, "v": v,
            "u_weight": u_weight, "v_weight": v_weight, "att": att,
            "M": M, "N": N, "duser": duser, "ditemid": ditemid}


def reference(neiberm, neibern, u, v, u_weight, v_weight, att, M, N, duser, ditemid):
    mlen = u_weight.shape[0]
    # __init__ row-normalization of M and N
    Mn = M / jnp.sum(M, axis=1, keepdims=True)
    Nn = N / jnp.sum(N, axis=1, keepdims=True)
    ui_emb = jnp.concatenate([u_weight, v_weight], axis=0)
    nbs = jnp.concatenate([neiberm.reshape(-1), neibern.reshape(-1) + mlen], axis=0)
    for _ in range(NLAYER):
        ui_emb = routing_conv(ui_emb, nbs, att, K_CAPS, A_COEF, ROUTIT)
    user_emb, item_emb = ui_emb[:mlen], ui_emb[mlen:]
    pr = jnp.sum(user_emb[duser] * item_emb[ditemid], axis=1)
    positivebatch = jax.nn.log_sigmoid(pr)
    um = user_emb @ user_emb.T
    tu = jax.nn.sigmoid(um)
    logp_x_u = jax.nn.log_softmax(tu, axis=-1)
    p_y_u = jax.nn.softmax(Mn, axis=-1)
    kl_sum_u = kl_div_sum(logp_x_u, p_y_u)
    vm = item_emb @ item_emb.T
    tv = jax.nn.sigmoid(vm)
    logp_x_v = jax.nn.log_softmax(tv, axis=-1)
    p_y_v = jax.nn.softmax(Nn, axis=-1)
    kl_sum_v = kl_div_sum(logp_x_v, p_y_v)
    loss = -jnp.mean(positivebatch) + B_COEF * kl_sum_u + B_COEF * kl_sum_v
    return (user_emb, item_emb, loss, pr)

if __name__ == "__main__":
    import jax
    _d = setup_inputs()
    print(jax.jit(kernel)(*tuple(_d.values())))

</pallas_src>

<mosaic_0001>
#map = affine_map<(d0, d1) -> (0, 0)>
#map1 = affine_map<(d0, d1) -> (0)>
module attributes {stable_mosaic.version = 14 : i64} {
  func.func @gk(%arg0: i32, %arg1: i32, %arg2: memref<10000x128xf32, #tpu.memory_space<hbm>>, %arg3: memref<51200xi32, #tpu.memory_space<hbm>>, %arg4: memref<51200x128xf32, #tpu.memory_space<hbm>>, %arg5: memref<1600xi32, #tpu.memory_space<vmem>>, %arg6: memref<5x40x128xf32, #tpu.memory_space<vmem>>, %arg7: memref<!tpu.dma_semaphore, #tpu.memory_space<semaphore_mem>>) attributes {dimension_semantics = [#tpu.dimension_semantics<core_parallel>, #tpu.dimension_semantics<subcore_parallel>], iteration_bounds = array<i64: 2, 16>, scalar_prefetch = 0 : i64, scratch_operands = 3 : i64, tpu.core_type = #tpu.core_type<sc_vector_subcore>, window_params = [{transform_indices = #map}, {transform_indices = #map1}, {transform_indices = #map}]} {
    %mul3A = arith.constant 2 : i32
    %mul3A_0 = arith.muli %arg1, %mul3A : i32
    %add3A = arith.addi %mul3A_0, %arg0 : i32
    %mul3A_1 = arith.constant 1600 : i32
    %mul3A_2 = arith.muli %add3A, %mul3A_1 : i32
    "tpu.region"() ({
      %run_scoped3A = tpu.sem_alloc : memref<!tpu.dma_semaphore, #tpu.memory_space<semaphore_mem>>
      %dma_start3A = tpu.memref_slice %arg3[%mul3A_2] : memref<51200xi32, #tpu.memory_space<hbm>> -> memref<1600xi32, #tpu.memory_space<hbm>>
      %dma_start3A_8 = tpu.memref_slice %arg3[%mul3A_2] : memref<51200xi32, #tpu.memory_space<hbm>> -> memref<1600xi32, #tpu.memory_space<hbm>>
      tpu.enqueue_dma source(%dma_start3A_8 : memref<1600xi32, #tpu.memory_space<hbm>>) target(%arg5 : memref<1600xi32, #tpu.memory_space<vmem>>) target_semaphore(%run_scoped3A : memref<!tpu.dma_semaphore, #tpu.memory_space<semaphore_mem>>)
      %dma_wait3A = tpu.memref_slice %arg3[%mul3A_2] : memref<51200xi32, #tpu.memory_space<hbm>> -> memref<1600xi32, #tpu.memory_space<hbm>>
      %dma_wait3A_9 = tpu.memref_slice %arg3[%mul3A_2] : memref<51200xi32, #tpu.memory_space<hbm>> -> memref<1600xi32, #tpu.memory_space<hbm>>
      tpu.wait_dma2 semaphore(%run_scoped3A : memref<!tpu.dma_semaphore, #tpu.memory_space<semaphore_mem>>) src(%dma_wait3A_9 : memref<1600xi32, #tpu.memory_space<hbm>>) dst(%arg5 : memref<1600xi32, #tpu.memory_space<vmem>>)
      tpu.yield
    }) : () -> ()
    %scan3A = arith.constant 0 : i32
    %scan3A_3 = arith.constant 0 : i32
    %scan3A_4 = arith.constant 8 : i32
    %scan3A_5 = arith.addi %scan3A_3, %scan3A_4 : i32
    %scan3A_6 = arith.constant 1 : i32
    scf.for %scan3A_8 = %scan3A_3 to %scan3A_5 step %scan3A_6  : i32 {
      %mul3A_9 = arith.constant 5 : i32
      %mul3A_10 = arith.muli %scan3A_8, %mul3A_9 : i32
      %add3A_11 = arith.constant 0 : i32
      %add3A_12 = arith.addi %mul3A_10, %add3A_11 : i32
      %mul3A_13 = arith.constant 40 : i32
      %mul3A_14 = arith.muli %add3A_12, %mul3A_13 : i32
      %dma_start3A = arith.constant 0 : i32
      %dma_start3A_15 = arith.constant 0 : i32
      %dma_start3A_16 = arith.constant 0 : i32
      %dma_start3A_17 = tpu.memref_slice %arg6[%dma_start3A, %dma_start3A_15, %dma_start3A_16] : memref<5x40x128xf32, #tpu.memory_space<vmem>> -> memref<1x40x128xf32, #tpu.memory_space<vmem>>
      %dma_start3A_18 = tpu.memref_squeeze %dma_start3A_17 : memref<1x40x128xf32, #tpu.memory_space<vmem>> -> memref<40x128xf32, #tpu.memory_space<vmem>>
      %dma_start3A_19 = tpu.memref_slice %arg5[%mul3A_14] : memref<1600xi32, #tpu.memory_space<vmem>> -> memref<40xi32, #tpu.memory_space<vmem>>
      %dma_start3A_20 = arith.constant 0 : i32
      %dma_start3A_21 = arith.constant 0 : i32
      %dma_start3A_22 = tpu.memref_slice %arg2[%dma_start3A_20, %dma_start3A_21] : memref<10000x128xf32, #tpu.memory_space<hbm>> -> memref<10000x128xf32, #tpu.memory_space<hbm>>
      tpu.enqueue_indirect_dma source(%dma_start3A_22 : memref<10000x128xf32, #tpu.memory_space<hbm>>) target(%dma_start3A_18 : memref<40x128xf32, #tpu.memory_space<vmem>>) offsets(%dma_start3A_19 : memref<40xi32, #tpu.memory_space<vmem>>) semaphore(%arg7 : memref<!tpu.dma_semaphore, #tpu.memory_space<semaphore_mem>>)
      %mul3A_23 = arith.constant 5 : i32
      %mul3A_24 = arith.muli %scan3A_8, %mul3A_23 : i32
      %add3A_25 = arith.constant 1 : i32
      %add3A_26 = arith.addi %mul3A_24, %add3A_25 : i32
      %mul3A_27 = arith.constant 40 : i32
      %mul3A_28 = arith.muli %add3A_26, %mul3A_27 : i32
      %dma_start3A_29 = arith.constant 1 : i32
      %dma_start3A_30 = arith.constant 0 : i32
      %dma_start3A_31 = arith.constant 0 : i32
      %dma_start3A_32 = tpu.memref_slice %arg6[%dma_start3A_29, %dma_start3A_30, %dma_start3A_31] : memref<5x40x128xf32, #tpu.memory_space<vmem>> -> memref<1x40x128xf32, #tpu.memory_space<vmem>>
      %dma_start3A_33 = tpu.memref_squeeze %dma_start3A_32 : memref<1x40x128xf32, #tpu.memory_space<vmem>> -> memref<40x128xf32, #tpu.memory_space<vmem>>
      %dma_start3A_34 = tpu.memref_slice %arg5[%mul3A_28] : memref<1600xi32, #tpu.memory_space<vmem>> -> memref<40xi32, #tpu.memory_space<vmem>>
      %dma_start3A_35 = arith.constant 0 : i32
      %dma_start3A_36 = arith.constant 0 : i32
      %dma_start3A_37 = tpu.memref_slice %arg2[%dma_start3A_35, %dma_start3A_36] : memref<10000x128xf32, #tpu.memory_space<hbm>> -> memref<10000x128xf32, #tpu.memory_space<hbm>>
      tpu.enqueue_indirect_dma source(%dma_start3A_37 : memref<10000x128xf32, #tpu.memory_space<hbm>>) target(%dma_start3A_33 : memref<40x128xf32, #tpu.memory_space<vmem>>) offsets(%dma_start3A_34 : memref<40xi32, #tpu.memory_space<vmem>>) semaphore(%arg7 : memref<!tpu.dma_semaphore, #tpu.memory_space<semaphore_mem>>)
      %mul3A_38 = arith.constant 5 : i32
      %mul3A_39 = arith.muli %scan3A_8, %mul3A_38 : i32
      %add3A_40 = arith.constant 2 : i32
      %add3A_41 = arith.addi %mul3A_39, %add3A_40 : i32
      %mul3A_42 = arith.constant 40 : i32
      %mul3A_43 = arith.muli %add3A_41, %mul3A_42 : i32
      %dma_start3A_44 = arith.constant 2 : i32
      %dma_start3A_45 = arith.constant 0 : i32
      %dma_start3A_46 = arith.constant 0 : i32
      %dma_start3A_47 = tpu.memref_slice %arg6[%dma_start3A_44, %dma_start3A_45, %dma_start3A_46] : memref<5x40x128xf32, #tpu.memory_space<vmem>> -> memref<1x40x128xf32, #tpu.memory_space<vmem>>
      %dma_start3A_48 = tpu.memref_squeeze %dma_start3A_47 : memref<1x40x128xf32, #tpu.memory_space<vmem>> -> memref<40x128xf32, #tpu.memory_space<vmem>>
      %dma_start3A_49 = tpu.memref_slice %arg5[%mul3A_43] : memref<1600xi32, #tpu.memory_space<vmem>> -> memref<40xi32, #tpu.memory_space<vmem>>
      %dma_start3A_50 = arith.constant 0 : i32
      %dma_start3A_51 = arith.constant 0 : i32
      %dma_start3A_52 = tpu.memref_slice %arg2[%dma_start3A_50, %dma_start3A_51] : memref<10000x128xf32, #tpu.memory_space<hbm>> -> memref<10000x128xf32, #tpu.memory_space<hbm>>
      tpu.enqueue_indirect_dma source(%dma_start3A_52 : memref<10000x128xf32, #tpu.memory_space<hbm>>) target(%dma_start3A_48 : memref<40x128xf32, #tpu.memory_space<vmem>>) offsets(%dma_start3A_49 : memref<40xi32, #tpu.memory_space<vmem>>) semaphore(%arg7 : memref<!tpu.dma_semaphore, #tpu.memory_space<semaphore_mem>>)
      %mul3A_53 = arith.constant 5 : i32
      %mul3A_54 = arith.muli %scan3A_8, %mul3A_53 : i32
      %add3A_55 = arith.constant 3 : i32
      %add3A_56 = arith.addi %mul3A_54, %add3A_55 : i32
      %mul3A_57 = arith.constant 40 : i32
      %mul3A_58 = arith.muli %add3A_56, %mul3A_57 : i32
      %dma_start3A_59 = arith.constant 3 : i32
      %dma_start3A_60 = arith.constant 0 : i32
      %dma_start3A_61 = arith.constant 0 : i32
      %dma_start3A_62 = tpu.memref_slice %arg6[%dma_start3A_59, %dma_start3A_60, %dma_start3A_61] : memref<5x40x128xf32, #tpu.memory_space<vmem>> -> memref<1x40x128xf32, #tpu.memory_space<vmem>>
      %dma_start3A_63 = tpu.memref_squeeze %dma_start3A_62 : memref<1x40x128xf32, #tpu.memory_space<vmem>> -> memref<40x128xf32, #tpu.memory_space<vmem>>
      %dma_start3A_64 = tpu.memref_slice %arg5[%mul3A_58] : memref<1600xi32, #tpu.memory_space<vmem>> -> memref<40xi32, #tpu.memory_space<vmem>>
      %dma_start3A_65 = arith.constant 0 : i32
      %dma_start3A_66 = arith.constant 0 : i32
      %dma_start3A_67 = tpu.memref_slice %arg2[%dma_start3A_65, %dma_start3A_66] : memref<10000x128xf32, #tpu.memory_space<hbm>> -> memref<10000x128xf32, #tpu.memory_space<hbm>>
      tpu.enqueue_indirect_dma source(%dma_start3A_67 : memref<10000x128xf32, #tpu.memory_space<hbm>>) target(%dma_start3A_63 : memref<40x128xf32, #tpu.memory_space<vmem>>) offsets(%dma_start3A_64 : memref<40xi32, #tpu.memory_space<vmem>>) semaphore(%arg7 : memref<!tpu.dma_semaphore, #tpu.memory_space<semaphore_mem>>)
      %mul3A_68 = arith.constant 5 : i32
      %mul3A_69 = arith.muli %scan3A_8, %mul3A_68 : i32
      %add3A_70 = arith.constant 4 : i32
      %add3A_71 = arith.addi %mul3A_69, %add3A_70 : i32
      %mul3A_72 = arith.constant 40 : i32
      %mul3A_73 = arith.muli %add3A_71, %mul3A_72 : i32
      %dma_start3A_74 = arith.constant 4 : i32
      %dma_start3A_75 = arith.constant 0 : i32
      %dma_start3A_76 = arith.constant 0 : i32
      %dma_start3A_77 = tpu.memref_slice %arg6[%dma_start3A_74, %dma_start3A_75, %dma_start3A_76] : memref<5x40x128xf32, #tpu.memory_space<vmem>> -> memref<1x40x128xf32, #tpu.memory_space<vmem>>
      %dma_start3A_78 = tpu.memref_squeeze %dma_start3A_77 : memref<1x40x128xf32, #tpu.memory_space<vmem>> -> memref<40x128xf32, #tpu.memory_space<vmem>>
      %dma_start3A_79 = tpu.memref_slice %arg5[%mul3A_73] : memref<1600xi32, #tpu.memory_space<vmem>> -> memref<40xi32, #tpu.memory_space<vmem>>
      %dma_start3A_80 = arith.constant 0 : i32
      %dma_start3A_81 = arith.constant 0 : i32
      %dma_start3A_82 = tpu.memref_slice %arg2[%dma_start3A_80, %dma_start3A_81] : memref<10000x128xf32, #tpu.memory_space<hbm>> -> memref<10000x128xf32, #tpu.memory_space<hbm>>
      tpu.enqueue_indirect_dma source(%dma_start3A_82 : memref<10000x128xf32, #tpu.memory_space<hbm>>) target(%dma_start3A_78 : memref<40x128xf32, #tpu.memory_space<vmem>>) offsets(%dma_start3A_79 : memref<40xi32, #tpu.memory_space<vmem>>) semaphore(%arg7 : memref<!tpu.dma_semaphore, #tpu.memory_space<semaphore_mem>>)
      %dma_wait3A = arith.constant 0 : i32
      %dma_wait3A_83 = arith.constant 0 : i32
      %dma_wait3A_84 = arith.constant 0 : i32
      %dma_wait3A_85 = tpu.memref_slice %arg6[%dma_wait3A, %dma_wait3A_83, %dma_wait3A_84] : memref<5x40x128xf32, #tpu.memory_space<vmem>> -> memref<1x40x128xf32, #tpu.memory_space<vmem>>
      %dma_wait3A_86 = tpu.memref_squeeze %dma_wait3A_85 : memref<1x40x128xf32, #tpu.memory_space<vmem>> -> memref<40x128xf32, #tpu.memory_space<vmem>>
      %dma_wait3A_87 = tpu.memref_slice %arg5[%mul3A_14] : memref<1600xi32, #tpu.memory_space<vmem>> -> memref<40xi32, #tpu.memory_space<vmem>>
      %dma_wait3A_88 = arith.constant 0 : i32
      %dma_wait3A_89 = arith.constant 0 : i32
      %dma_wait3A_90 = tpu.memref_slice %arg2[%dma_wait3A_88, %dma_wait3A_89] : memref<10000x128xf32, #tpu.memory_space<hbm>> -> memref<10000x128xf32, #tpu.memory_space<hbm>>
      tpu.wait_indirect_dma semaphore(%arg7 : memref<!tpu.dma_semaphore, #tpu.memory_space<semaphore_mem>>) src(%dma_wait3A_90 : memref<10000x128xf32, #tpu.memory_space<hbm>>) dst(%dma_wait3A_86 : memref<40x128xf32, #tpu.memory_space<vmem>>)
      %mul3A_91 = arith.constant 5 : i32
      %mul3A_92 = arith.muli %scan3A_8, %mul3A_91 : i32
      %add3A_93 = arith.constant 0 : i32
      %add3A_94 = arith.addi %mul3A_92, %add3A_93 : i32
      %mul3A_95 = arith.constant 40 : i32
      %mul3A_96 = arith.muli %add3A_94, %mul3A_95 : i32
      %add3A_97 = arith.addi %mul3A_2, %mul3A_96 : i32
      %run_scoped3A = arith.constant 0 : i32
      "tpu.region"() ({
        %run_scoped3A_166 = tpu.sem_alloc : memref<!tpu.dma_semaphore, #tpu.memory_space<semaphore_mem>>
        %dma_start3A_167 = arith.constant 0 : i32
        %dma_start3A_168 = arith.constant 0 : i32
        %dma_start3A_169 = tpu.memref_slice %arg6[%run_scoped3A, %dma_start3A_167, %dma_start3A_168] : memref<5x40x128xf32, #tpu.memory_space<vmem>> -> memref<1x40x128xf32, #tpu.memory_space<vmem>>
        %dma_start3A_170 = tpu.memref_squeeze %dma_start3A_169 : memref<1x40x128xf32, #tpu.memory_space<vmem>> -> memref<40x128xf32, #tpu.memory_space<vmem>>
        %dma_start3A_171 = arith.constant 0 : i32
        %dma_start3A_172 = tpu.memref_slice %arg4[%add3A_97, %dma_start3A_171] : memref<51200x128xf32, #tpu.memory_space<hbm>> -> memref<40x128xf32, #tpu.memory_space<hbm>>
        %dma_start3A_173 = arith.constant 0 : i32
        %dma_start3A_174 = tpu.memref_slice %arg4[%add3A_97, %dma_start3A_173] : memref<51200x128xf32, #tpu.memory_space<hbm>> -> memref<40x128xf32, #tpu.memory_space<hbm>>
        %dma_start3A_175 = arith.constant 0 : i32
        %dma_start3A_176 = arith.constant 0 : i32
        %dma_start3A_177 = tpu.memref_slice %arg6[%run_scoped3A, %dma_start3A_175, %dma_start3A_176] : memref<5x40x128xf32, #tpu.memory_space<vmem>> -> memref<1x40x128xf32, #tpu.memory_space<vmem>>
        %dma_start3A_178 = tpu.memref_squeeze %dma_start3A_177 : memref<1x40x128xf32, #tpu.memory_space<vmem>> -> memref<40x128xf32, #tpu.memory_space<vmem>>
        tpu.enqueue_dma source(%dma_start3A_178 : memref<40x128xf32, #tpu.memory_space<vmem>>) target(%dma_start3A_174 : memref<40x128xf32, #tpu.memory_space<hbm>>) target_semaphore(%run_scoped3A_166 : memref<!tpu.dma_semaphore, #tpu.memory_space<semaphore_mem>>)
        %dma_wait3A_179 = arith.constant 0 : i32
        %dma_wait3A_180 = arith.constant 0 : i32
        %dma_wait3A_181 = tpu.memref_slice %arg6[%run_scoped3A, %dma_wait3A_179, %dma_wait3A_180] : memref<5x40x128xf32, #tpu.memory_space<vmem>> -> memref<1x40x128xf32, #tpu.memory_space<vmem>>
        %dma_wait3A_182 = tpu.memref_squeeze %dma_wait3A_181 : memref<1x40x128xf32, #tpu.memory_space<vmem>> -> memref<40x128xf32, #tpu.memory_space<vmem>>
        %dma_wait3A_183 = arith.constant 0 : i32
        %dma_wait3A_184 = tpu.memref_slice %arg4[%add3A_97, %dma_wait3A_183] : memref<51200x128xf32, #tpu.memory_space<hbm>> -> memref<40x128xf32, #tpu.memory_space<hbm>>
        %dma_wait3A_185 = arith.constant 0 : i32
        %dma_wait3A_186 = tpu.memref_slice %arg4[%add3A_97, %dma_wait3A_185] : memref<51200x128xf32, #tpu.memory_space<hbm>> -> memref<40x128xf32, #tpu.memory_space<hbm>>
        %dma_wait3A_187 = arith.constant 0 : i32
        %dma_wait3A_188 = arith.constant 0 : i32
        %dma_wait3A_189 = tpu.memref_slice %arg6[%run_scoped3A, %dma_wait3A_187, %dma_wait3A_188] : memref<5x40x128xf32, #tpu.memory_space<vmem>> -> memref<1x40x128xf32, #tpu.memory_space<vmem>>
        %dma_wait3A_190 = tpu.memref_squeeze %dma_wait3A_189 : memref<1x40x128xf32, #tpu.memory_space<vmem>> -> memref<40x128xf32, #tpu.memory_space<vmem>>
        tpu.wait_dma2 semaphore(%run_scoped3A_166 : memref<!tpu.dma_semaphore, #tpu.memory_space<semaphore_mem>>) src(%dma_wait3A_190 : memref<40x128xf32, #tpu.memory_space<vmem>>) dst(%dma_wait3A_186 : memref<40x128xf32, #tpu.memory_space<hbm>>)
        tpu.yield
      }) : () -> ()
      %dma_wait3A_98 = arith.constant 1 : i32
      %dma_wait3A_99 = arith.constant 0 : i32
      %dma_wait3A_100 = arith.constant 0 : i32
      %dma_wait3A_101 = tpu.memref_slice %arg6[%dma_wait3A_98, %dma_wait3A_99, %dma_wait3A_100] : memref<5x40x128xf32, #tpu.memory_space<vmem>> -> memref<1x40x128xf32, #tpu.memory_space<vmem>>
      %dma_wait3A_102 = tpu.memref_squeeze %dma_wait3A_101 : memref<1x40x128xf32, #tpu.memory_space<vmem>> -> memref<40x128xf32, #tpu.memory_space<vmem>>
      %dma_wait3A_103 = tpu.memref_slice %arg5[%mul3A_28] : memref<1600xi32, #tpu.memory_space<vmem>> -> memref<40xi32, #tpu.memory_space<vmem>>
      %dma_wait3A_104 = arith.constant 0 : i32
      %dma_wait3A_105 = arith.constant 0 : i32
      %dma_wait3A_106 = tpu.memref_slice %arg2[%dma_wait3A_104, %dma_wait3A_105] : memref<10000x128xf32, #tpu.memory_space<hbm>> -> memref<10000x128xf32, #tpu.memory_space<hbm>>
      tpu.wait_indirect_dma semaphore(%arg7 : memref<!tpu.dma_semaphore, #tpu.memory_space<semaphore_mem>>) src(%dma_wait3A_106 : memref<10000x128xf32, #tpu.memory_space<hbm>>) dst(%dma_wait3A_102 : memref<40x128xf32, #tpu.memory_space<vmem>>)
      %mul3A_107 = arith.constant 5 : i32
      %mul3A_108 = arith.muli %scan3A_8, %mul3A_107 : i32
      %add3A_109 = arith.constant 1 : i32
      %add3A_110 = arith.addi %mul3A_108, %add3A_109 : i32
      %mul3A_111 = arith.constant 40 : i32
      %mul3A_112 = arith.muli %add3A_110, %mul3A_111 : i32
      %add3A_113 = arith.addi %mul3A_2, %mul3A_112 : i32
      %run_scoped3A_114 = arith.constant 1 : i32
      "tpu.region"() ({
        %run_scoped3A_166 = tpu.sem_alloc : memref<!tpu.dma_semaphore, #tpu.memory_space<semaphore_mem>>
        %dma_start3A_167 = arith.constant 0 : i32
        %dma_start3A_168 = arith.constant 0 : i32
        %dma_start3A_169 = tpu.memref_slice %arg6[%run_scoped3A_114, %dma_start3A_167, %dma_start3A_168] : memref<5x40x128xf32, #tpu.memory_space<vmem>> -> memref<1x40x128xf32, #tpu.memory_space<vmem>>
        %dma_start3A_170 = tpu.memref_squeeze %dma_start3A_169 : memref<1x40x128xf32, #tpu.memory_space<vmem>> -> memref<40x128xf32, #tpu.memory_space<vmem>>
        %dma_start3A_171 = arith.constant 0 : i32
        %dma_start3A_172 = tpu.memref_slice %arg4[%add3A_113, %dma_start3A_171] : memref<51200x128xf32, #tpu.memory_space<hbm>> -> memref<40x128xf32, #tpu.memory_space<hbm>>
        %dma_start3A_173 = arith.constant 0 : i32
        %dma_start3A_174 = tpu.memref_slice %arg4[%add3A_113, %dma_start3A_173] : memref<51200x128xf32, #tpu.memory_space<hbm>> -> memref<40x128xf32, #tpu.memory_space<hbm>>
        %dma_start3A_175 = arith.constant 0 : i32
        %dma_start3A_176 = arith.constant 0 : i32
        %dma_start3A_177 = tpu.memref_slice %arg6[%run_scoped3A_114, %dma_start3A_175, %dma_start3A_176] : memref<5x40x128xf32, #tpu.memory_space<vmem>> -> memref<1x40x128xf32, #tpu.memory_space<vmem>>
        %dma_start3A_178 = tpu.memref_squeeze %dma_start3A_177 : memref<1x40x128xf32, #tpu.memory_space<vmem>> -> memref<40x128xf32, #tpu.memory_space<vmem>>
        tpu.enqueue_dma source(%dma_start3A_178 : memref<40x128xf32, #tpu.memory_space<vmem>>) target(%dma_start3A_174 : memref<40x128xf32, #tpu.memory_space<hbm>>) target_semaphore(%run_scoped3A_166 : memref<!tpu.dma_semaphore, #tpu.memory_space<semaphore_mem>>)
        %dma_wait3A_179 = arith.constant 0 : i32
        %dma_wait3A_180 = arith.constant 0 : i32
        %dma_wait3A_181 = tpu.memref_slice %arg6[%run_scoped3A_114, %dma_wait3A_179, %dma_wait3A_180] : memref<5x40x128xf32, #tpu.memory_space<vmem>> -> memref<1x40x128xf32, #tpu.memory_space<vmem>>
        %dma_wait3A_182 = tpu.memref_squeeze %dma_wait3A_181 : memref<1x40x128xf32, #tpu.memory_space<vmem>> -> memref<40x128xf32, #tpu.memory_space<vmem>>
        %dma_wait3A_183 = arith.constant 0 : i32
        %dma_wait3A_184 = tpu.memref_slice %arg4[%add3A_113, %dma_wait3A_183] : memref<51200x128xf32, #tpu.memory_space<hbm>> -> memref<40x128xf32, #tpu.memory_space<hbm>>
        %dma_wait3A_185 = arith.constant 0 : i32
        %dma_wait3A_186 = tpu.memref_slice %arg4[%add3A_113, %dma_wait3A_185] : memref<51200x128xf32, #tpu.memory_space<hbm>> -> memref<40x128xf32, #tpu.memory_space<hbm>>
        %dma_wait3A_187 = arith.constant 0 : i32
        %dma_wait3A_188 = arith.constant 0 : i32
        %dma_wait3A_189 = tpu.memref_slice %arg6[%run_scoped3A_114, %dma_wait3A_187, %dma_wait3A_188] : memref<5x40x128xf32, #tpu.memory_space<vmem>> -> memref<1x40x128xf32, #tpu.memory_space<vmem>>
        %dma_wait3A_190 = tpu.memref_squeeze %dma_wait3A_189 : memref<1x40x128xf32, #tpu.memory_space<vmem>> -> memref<40x128xf32, #tpu.memory_space<vmem>>
        tpu.wait_dma2 semaphore(%run_scoped3A_166 : memref<!tpu.dma_semaphore, #tpu.memory_space<semaphore_mem>>) src(%dma_wait3A_190 : memref<40x128xf32, #tpu.memory_space<vmem>>) dst(%dma_wait3A_186 : memref<40x128xf32, #tpu.memory_space<hbm>>)
        tpu.yield
      }) : () -> ()
      %dma_wait3A_115 = arith.constant 2 : i32
      %dma_wait3A_116 = arith.constant 0 : i32
      %dma_wait3A_117 = arith.constant 0 : i32
      %dma_wait3A_118 = tpu.memref_slice %arg6[%dma_wait3A_115, %dma_wait3A_116, %dma_wait3A_117] : memref<5x40x128xf32, #tpu.memory_space<vmem>> -> memref<1x40x128xf32, #tpu.memory_space<vmem>>
      %dma_wait3A_119 = tpu.memref_squeeze %dma_wait3A_118 : memref<1x40x128xf32, #tpu.memory_space<vmem>> -> memref<40x128xf32, #tpu.memory_space<vmem>>
      %dma_wait3A_120 = tpu.memref_slice %arg5[%mul3A_43] : memref<1600xi32, #tpu.memory_space<vmem>> -> memref<40xi32, #tpu.memory_space<vmem>>
      %dma_wait3A_121 = arith.constant 0 : i32
      %dma_wait3A_122 = arith.constant 0 : i32
      %dma_wait3A_123 = tpu.memref_slice %arg2[%dma_wait3A_121, %dma_wait3A_122] : memref<10000x128xf32, #tpu.memory_space<hbm>> -> memref<10000x128xf32, #tpu.memory_space<hbm>>
      tpu.wait_indirect_dma semaphore(%arg7 : memref<!tpu.dma_semaphore, #tpu.memory_space<semaphore_mem>>) src(%dma_wait3A_123 : memref<10000x128xf32, #tpu.memory_space<hbm>>) dst(%dma_wait3A_119 : memref<40x128xf32, #tpu.memory_space<vmem>>)
      %mul3A_124 = arith.constant 5 : i32
      %mul3A_125 = arith.muli %scan3A_8, %mul3A_124 : i32
      %add3A_126 = arith.constant 2 : i32
      %add3A_127 = arith.addi %mul3A_125, %add3A_126 : i32
      %mul3A_128 = arith.constant 40 : i32
      %mul3A_129 = arith.muli %add3A_127, %mul3A_128 : i32
      %add3A_130 = arith.addi %mul3A_2, %mul3A_129 : i32
      %run_scoped3A_131 = arith.constant 2 : i32
      "tpu.region"() ({
        %run_scoped3A_166 = tpu.sem_alloc : memref<!tpu.dma_semaphore, #tpu.memory_space<semaphore_mem>>
        %dma_start3A_167 = arith.constant 0 : i32
        %dma_start3A_168 = arith.constant 0 : i32
        %dma_start3A_169 = tpu.memref_slice %arg6[%run_scoped3A_131, %dma_start3A_167, %dma_start3A_168] : memref<5x40x128xf32, #tpu.memory_space<vmem>> -> memref<1x40x128xf32, #tpu.memory_space<vmem>>
        %dma_start3A_170 = tpu.memref_squeeze %dma_start3A_169 : memref<1x40x128xf32, #tpu.memory_space<vmem>> -> memref<40x128xf32, #tpu.memory_space<vmem>>
        %dma_start3A_171 = arith.constant 0 : i32
        %dma_start3A_172 = tpu.memref_slice %arg4[%add3A_130, %dma_start3A_171] : memref<51200x128xf32, #tpu.memory_space<hbm>> -> memref<40x128xf32, #tpu.memory_space<hbm>>
        %dma_start3A_173 = arith.constant 0 : i32
        %dma_start3A_174 = tpu.memref_slice %arg4[%add3A_130, %dma_start3A_173] : memref<51200x128xf32, #tpu.memory_space<hbm>> -> memref<40x128xf32, #tpu.memory_space<hbm>>
        %dma_start3A_175 = arith.constant 0 : i32
        %dma_start3A_176 = arith.constant 0 : i32
        %dma_start3A_177 = tpu.memref_slice %arg6[%run_scoped3A_131, %dma_start3A_175, %dma_start3A_176] : memref<5x40x128xf32, #tpu.memory_space<vmem>> -> memref<1x40x128xf32, #tpu.memory_space<vmem>>
        %dma_start3A_178 = tpu.memref_squeeze %dma_start3A_177 : memref<1x40x128xf32, #tpu.memory_space<vmem>> -> memref<40x128xf32, #tpu.memory_space<vmem>>
        tpu.enqueue_dma source(%dma_start3A_178 : memref<40x128xf32, #tpu.memory_space<vmem>>) target(%dma_start3A_174 : memref<40x128xf32, #tpu.memory_space<hbm>>) target_semaphore(%run_scoped3A_166 : memref<!tpu.dma_semaphore, #tpu.memory_space<semaphore_mem>>)
        %dma_wait3A_179 = arith.constant 0 : i32
        %dma_wait3A_180 = arith.constant 0 : i32
        %dma_wait3A_181 = tpu.memref_slice %arg6[%run_scoped3A_131, %dma_wait3A_179, %dma_wait3A_180] : memref<5x40x128xf32, #tpu.memory_space<vmem>> -> memref<1x40x128xf32, #tpu.memory_space<vmem>>
        %dma_wait3A_182 = tpu.memref_squeeze %dma_wait3A_181 : memref<1x40x128xf32, #tpu.memory_space<vmem>> -> memref<40x128xf32, #tpu.memory_space<vmem>>
        %dma_wait3A_183 = arith.constant 0 : i32
        %dma_wait3A_184 = tpu.memref_slice %arg4[%add3A_130, %dma_wait3A_183] : memref<51200x128xf32, #tpu.memory_space<hbm>> -> memref<40x128xf32, #tpu.memory_space<hbm>>
        %dma_wait3A_185 = arith.constant 0 : i32
        %dma_wait3A_186 = tpu.memref_slice %arg4[%add3A_130, %dma_wait3A_185] : memref<51200x128xf32, #tpu.memory_space<hbm>> -> memref<40x128xf32, #tpu.memory_space<hbm>>
        %dma_wait3A_187 = arith.constant 0 : i32
        %dma_wait3A_188 = arith.constant 0 : i32
        %dma_wait3A_189 = tpu.memref_slice %arg6[%run_scoped3A_131, %dma_wait3A_187, %dma_wait3A_188] : memref<5x40x128xf32, #tpu.memory_space<vmem>> -> memref<1x40x128xf32, #tpu.memory_space<vmem>>
        %dma_wait3A_190 = tpu.memref_squeeze %dma_wait3A_189 : memref<1x40x128xf32, #tpu.memory_space<vmem>> -> memref<40x128xf32, #tpu.memory_space<vmem>>
        tpu.wait_dma2 semaphore(%run_scoped3A_166 : memref<!tpu.dma_semaphore, #tpu.memory_space<semaphore_mem>>) src(%dma_wait3A_190 : memref<40x128xf32, #tpu.memory_space<vmem>>) dst(%dma_wait3A_186 : memref<40x128xf32, #tpu.memory_space<hbm>>)
        tpu.yield
      }) : () -> ()
      %dma_wait3A_132 = arith.constant 3 : i32
      %dma_wait3A_133 = arith.constant 0 : i32
      %dma_wait3A_134 = arith.constant 0 : i32
      %dma_wait3A_135 = tpu.memref_slice %arg6[%dma_wait3A_132, %dma_wait3A_133, %dma_wait3A_134] : memref<5x40x128xf32, #tpu.memory_space<vmem>> -> memref<1x40x128xf32, #tpu.memory_space<vmem>>
      %dma_wait3A_136 = tpu.memref_squeeze %dma_wait3A_135 : memref<1x40x128xf32, #tpu.memory_space<vmem>> -> memref<40x128xf32, #tpu.memory_space<vmem>>
      %dma_wait3A_137 = tpu.memref_slice %arg5[%mul3A_58] : memref<1600xi32, #tpu.memory_space<vmem>> -> memref<40xi32, #tpu.memory_space<vmem>>
      %dma_wait3A_138 = arith.constant 0 : i32
      %dma_wait3A_139 = arith.constant 0 : i32
      %dma_wait3A_140 = tpu.memref_slice %arg2[%dma_wait3A_138, %dma_wait3A_139] : memref<10000x128xf32, #tpu.memory_space<hbm>> -> memref<10000x128xf32, #tpu.memory_space<hbm>>
      tpu.wait_indirect_dma semaphore(%arg7 : memref<!tpu.dma_semaphore, #tpu.memory_space<semaphore_mem>>) src(%dma_wait3A_140 : memref<10000x128xf32, #tpu.memory_space<hbm>>) dst(%dma_wait3A_136 : memref<40x128xf32, #tpu.memory_space<vmem>>)
      %mul3A_141 = arith.constant 5 : i32
      %mul3A_142 = arith.muli %scan3A_8, %mul3A_141 : i32
      %add3A_143 = arith.constant 3 : i32
      %add3A_144 = arith.addi %mul3A_142, %add3A_143 : i32
      %mul3A_145 = arith.constant 40 : i32
      %mul3A_146 = arith.muli %add3A_144, %mul3A_145 : i32
      %add3A_147 = arith.addi %mul3A_2, %mul3A_146 : i32
      %run_scoped3A_148 = arith.constant 3 : i32
      "tpu.region"() ({
        %run_scoped3A_166 = tpu.sem_alloc : memref<!tpu.dma_semaphore, #tpu.memory_space<semaphore_mem>>
        %dma_start3A_167 = arith.constant 0 : i32
        %dma_start3A_168 = arith.constant 0 : i32
        %dma_start3A_169 = tpu.memref_slice %arg6[%run_scoped3A_148, %dma_start3A_167, %dma_start3A_168] : memref<5x40x128xf32, #tpu.memory_space<vmem>> -> memref<1x40x128xf32, #tpu.memory_space<vmem>>
        %dma_start3A_170 = tpu.memref_squeeze %dma_start3A_169 : memref<1x40x128xf32, #tpu.memory_space<vmem>> -> memref<40x128xf32, #tpu.memory_space<vmem>>
        %dma_start3A_171 = arith.constant 0 : i32
        %dma_start3A_172 = tpu.memref_slice %arg4[%add3A_147, %dma_start3A_171] : memref<51200x128xf32, #tpu.memory_space<hbm>> -> memref<40x128xf32, #tpu.memory_space<hbm>>
        %dma_start3A_173 = arith.constant 0 : i32
        %dma_start3A_174 = tpu.memref_slice %arg4[%add3A_147, %dma_start3A_173] : memref<51200x128xf32, #tpu.memory_space<hbm>> -> memref<40x128xf32, #tpu.memory_space<hbm>>
        %dma_start3A_175 = arith.constant 0 : i32
        %dma_start3A_176 = arith.constant 0 : i32
        %dma_start3A_177 = tpu.memref_slice %arg6[%run_scoped3A_148, %dma_start3A_175, %dma_start3A_176] : memref<5x40x128xf32, #tpu.memory_space<vmem>> -> memref<1x40x128xf32, #tpu.memory_space<vmem>>
        %dma_start3A_178 = tpu.memref_squeeze %dma_start3A_177 : memref<1x40x128xf32, #tpu.memory_space<vmem>> -> memref<40x128xf32, #tpu.memory_space<vmem>>
        tpu.enqueue_dma source(%dma_start3A_178 : memref<40x128xf32, #tpu.memory_space<vmem>>) target(%dma_start3A_174 : memref<40x128xf32, #tpu.memory_space<hbm>>) target_semaphore(%run_scoped3A_166 : memref<!tpu.dma_semaphore, #tpu.memory_space<semaphore_mem>>)
        %dma_wait3A_179 = arith.constant 0 : i32
        %dma_wait3A_180 = arith.constant 0 : i32
        %dma_wait3A_181 = tpu.memref_slice %arg6[%run_scoped3A_148, %dma_wait3A_179, %dma_wait3A_180] : memref<5x40x128xf32, #tpu.memory_space<vmem>> -> memref<1x40x128xf32, #tpu.memory_space<vmem>>
        %dma_wait3A_182 = tpu.memref_squeeze %dma_wait3A_181 : memref<1x40x128xf32, #tpu.memory_space<vmem>> -> memref<40x128xf32, #tpu.memory_space<vmem>>
        %dma_wait3A_183 = arith.constant 0 : i32
        %dma_wait3A_184 = tpu.memref_slice %arg4[%add3A_147, %dma_wait3A_183] : memref<51200x128xf32, #tpu.memory_space<hbm>> -> memref<40x128xf32, #tpu.memory_space<hbm>>
        %dma_wait3A_185 = arith.constant 0 : i32
        %dma_wait3A_186 = tpu.memref_slice %arg4[%add3A_147, %dma_wait3A_185] : memref<51200x128xf32, #tpu.memory_space<hbm>> -> memref<40x128xf32, #tpu.memory_space<hbm>>
        %dma_wait3A_187 = arith.constant 0 : i32
        %dma_wait3A_188 = arith.constant 0 : i32
        %dma_wait3A_189 = tpu.memref_slice %arg6[%run_scoped3A_148, %dma_wait3A_187, %dma_wait3A_188] : memref<5x40x128xf32, #tpu.memory_space<vmem>> -> memref<1x40x128xf32, #tpu.memory_space<vmem>>
        %dma_wait3A_190 = tpu.memref_squeeze %dma_wait3A_189 : memref<1x40x128xf32, #tpu.memory_space<vmem>> -> memref<40x128xf32, #tpu.memory_space<vmem>>
        tpu.wait_dma2 semaphore(%run_scoped3A_166 : memref<!tpu.dma_semaphore, #tpu.memory_space<semaphore_mem>>) src(%dma_wait3A_190 : memref<40x128xf32, #tpu.memory_space<vmem>>) dst(%dma_wait3A_186 : memref<40x128xf32, #tpu.memory_space<hbm>>)
        tpu.yield
      }) : () -> ()
      %dma_wait3A_149 = arith.constant 4 : i32
      %dma_wait3A_150 = arith.constant 0 : i32
      %dma_wait3A_151 = arith.constant 0 : i32
      %dma_wait3A_152 = tpu.memref_slice %arg6[%dma_wait3A_149, %dma_wait3A_150, %dma_wait3A_151] : memref<5x40x128xf32, #tpu.memory_space<vmem>> -> memref<1x40x128xf32, #tpu.memory_space<vmem>>
      %dma_wait3A_153 = tpu.memref_squeeze %dma_wait3A_152 : memref<1x40x128xf32, #tpu.memory_space<vmem>> -> memref<40x128xf32, #tpu.memory_space<vmem>>
      %dma_wait3A_154 = tpu.memref_slice %arg5[%mul3A_73] : memref<1600xi32, #tpu.memory_space<vmem>> -> memref<40xi32, #tpu.memory_space<vmem>>
      %dma_wait3A_155 = arith.constant 0 : i32
      %dma_wait3A_156 = arith.constant 0 : i32
      %dma_wait3A_157 = tpu.memref_slice %arg2[%dma_wait3A_155, %dma_wait3A_156] : memref<10000x128xf32, #tpu.memory_space<hbm>> -> memref<10000x128xf32, #tpu.memory_space<hbm>>
      tpu.wait_indirect_dma semaphore(%arg7 : memref<!tpu.dma_semaphore, #tpu.memory_space<semaphore_mem>>) src(%dma_wait3A_157 : memref<10000x128xf32, #tpu.memory_space<hbm>>) dst(%dma_wait3A_153 : memref<40x128xf32, #tpu.memory_space<vmem>>)
      %mul3A_158 = arith.constant 5 : i32
      %mul3A_159 = arith.muli %scan3A_8, %mul3A_158 : i32
      %add3A_160 = arith.constant 4 : i32
      %add3A_161 = arith.addi %mul3A_159, %add3A_160 : i32
      %mul3A_162 = arith.constant 40 : i32
      %mul3A_163 = arith.muli %add3A_161, %mul3A_162 : i32
      %add3A_164 = arith.addi %mul3A_2, %mul3A_163 : i32
      %run_scoped3A_165 = arith.constant 4 : i32
      "tpu.region"() ({
        %run_scoped3A_166 = tpu.sem_alloc : memref<!tpu.dma_semaphore, #tpu.memory_space<semaphore_mem>>
        %dma_start3A_167 = arith.constant 0 : i32
        %dma_start3A_168 = arith.constant 0 : i32
        %dma_start3A_169 = tpu.memref_slice %arg6[%run_scoped3A_165, %dma_start3A_167, %dma_start3A_168] : memref<5x40x128xf32, #tpu.memory_space<vmem>> -> memref<1x40x128xf32, #tpu.memory_space<vmem>>
        %dma_start3A_170 = tpu.memref_squeeze %dma_start3A_169 : memref<1x40x128xf32, #tpu.memory_space<vmem>> -> memref<40x128xf32, #tpu.memory_space<vmem>>
        %dma_start3A_171 = arith.constant 0 : i32
        %dma_start3A_172 = tpu.memref_slice %arg4[%add3A_164, %dma_start3A_171] : memref<51200x128xf32, #tpu.memory_space<hbm>> -> memref<40x128xf32, #tpu.memory_space<hbm>>
        %dma_start3A_173 = arith.constant 0 : i32
        %dma_start3A_174 = tpu.memref_slice %arg4[%add3A_164, %dma_start3A_173] : memref<51200x128xf32, #tpu.memory_space<hbm>> -> memref<40x128xf32, #tpu.memory_space<hbm>>
        %dma_start3A_175 = arith.constant 0 : i32
        %dma_start3A_176 = arith.constant 0 : i32
        %dma_start3A_177 = tpu.memref_slice %arg6[%run_scoped3A_165, %dma_start3A_175, %dma_start3A_176] : memref<5x40x128xf32, #tpu.memory_space<vmem>> -> memref<1x40x128xf32, #tpu.memory_space<vmem>>
        %dma_start3A_178 = tpu.memref_squeeze %dma_start3A_177 : memref<1x40x128xf32, #tpu.memory_space<vmem>> -> memref<40x128xf32, #tpu.memory_space<vmem>>
        tpu.enqueue_dma source(%dma_start3A_178 : memref<40x128xf32, #tpu.memory_space<vmem>>) target(%dma_start3A_174 : memref<40x128xf32, #tpu.memory_space<hbm>>) target_semaphore(%run_scoped3A_166 : memref<!tpu.dma_semaphore, #tpu.memory_space<semaphore_mem>>)
        %dma_wait3A_179 = arith.constant 0 : i32
        %dma_wait3A_180 = arith.constant 0 : i32
        %dma_wait3A_181 = tpu.memref_slice %arg6[%run_scoped3A_165, %dma_wait3A_179, %dma_wait3A_180] : memref<5x40x128xf32, #tpu.memory_space<vmem>> -> memref<1x40x128xf32, #tpu.memory_space<vmem>>
        %dma_wait3A_182 = tpu.memref_squeeze %dma_wait3A_181 : memref<1x40x128xf32, #tpu.memory_space<vmem>> -> memref<40x128xf32, #tpu.memory_space<vmem>>
        %dma_wait3A_183 = arith.constant 0 : i32
        %dma_wait3A_184 = tpu.memref_slice %arg4[%add3A_164, %dma_wait3A_183] : memref<51200x128xf32, #tpu.memory_space<hbm>> -> memref<40x128xf32, #tpu.memory_space<hbm>>
        %dma_wait3A_185 = arith.constant 0 : i32
        %dma_wait3A_186 = tpu.memref_slice %arg4[%add3A_164, %dma_wait3A_185] : memref<51200x128xf32, #tpu.memory_space<hbm>> -> memref<40x128xf32, #tpu.memory_space<hbm>>
        %dma_wait3A_187 = arith.constant 0 : i32
        %dma_wait3A_188 = arith.constant 0 : i32
        %dma_wait3A_189 = tpu.memref_slice %arg6[%run_scoped3A_165, %dma_wait3A_187, %dma_wait3A_188] : memref<5x40x128xf32, #tpu.memory_space<vmem>> -> memref<1x40x128xf32, #tpu.memory_space<vmem>>
        %dma_wait3A_190 = tpu.memref_squeeze %dma_wait3A_189 : memref<1x40x128xf32, #tpu.memory_space<vmem>> -> memref<40x128xf32, #tpu.memory_space<vmem>>
        tpu.wait_dma2 semaphore(%run_scoped3A_166 : memref<!tpu.dma_semaphore, #tpu.memory_space<semaphore_mem>>) src(%dma_wait3A_190 : memref<40x128xf32, #tpu.memory_space<vmem>>) dst(%dma_wait3A_186 : memref<40x128xf32, #tpu.memory_space<hbm>>)
        tpu.yield
      }) : () -> ()
    }
    %scan3A_7 = arith.constant 8 : i32
    return
  }
}

#map = affine_map<(d0, d1) -> (0, 0)>
#map1 = affine_map<(d0, d1) -> (0)>
module attributes {stable_mosaic.version = 14 : i64} {
  func.func @gk(%arg0: i32, %arg1: i32, %arg2: memref<10000x128xf32, #tpu.memory_space<hbm>>, %arg3: memref<51200xi32, #tpu.memory_space<hbm>>, %arg4: memref<51200x128xf32, #tpu.memory_space<hbm>>, %arg5: memref<1600xi32, #tpu.memory_space<vmem>>, %arg6: memref<5x40x128xf32, #tpu.memory_space<vmem>>, %arg7: memref<!tpu.dma_semaphore, #tpu.memory_space<semaphore_mem>>) attributes {dimension_semantics = [#tpu.dimension_semantics<core_parallel>, #tpu.dimension_semantics<subcore_parallel>], iteration_bounds = array<i64: 2, 16>, scalar_prefetch = 0 : i64, scratch_operands = 3 : i64, tpu.core_type = #tpu.core_type<sc_vector_subcore>, window_params = [{transform_indices = #map}, {transform_indices = #map1}, {transform_indices = #map}]} {
    %mul3A = arith.constant 2 : i32
    %mul3A_0 = arith.muli %arg1, %mul3A : i32
    %add3A = arith.addi %mul3A_0, %arg0 : i32
    %mul3A_1 = arith.constant 1600 : i32
    %mul3A_2 = arith.muli %add3A, %mul3A_1 : i32
    "tpu.region"() ({
      %run_scoped3A = tpu.sem_alloc : memref<!tpu.dma_semaphore, #tpu.memory_space<semaphore_mem>>
      %dma_start3A = tpu.memref_slice %arg3[%mul3A_2] : memref<51200xi32, #tpu.memory_space<hbm>> -> memref<1600xi32, #tpu.memory_space<hbm>>
      %dma_start3A_8 = tpu.memref_slice %arg3[%mul3A_2] : memref<51200xi32, #tpu.memory_space<hbm>> -> memref<1600xi32, #tpu.memory_space<hbm>>
      tpu.enqueue_dma source(%dma_start3A_8 : memref<1600xi32, #tpu.memory_space<hbm>>) target(%arg5 : memref<1600xi32, #tpu.memory_space<vmem>>) target_semaphore(%run_scoped3A : memref<!tpu.dma_semaphore, #tpu.memory_space<semaphore_mem>>)
      %dma_wait3A = tpu.memref_slice %arg3[%mul3A_2] : memref<51200xi32, #tpu.memory_space<hbm>> -> memref<1600xi32, #tpu.memory_space<hbm>>
      %dma_wait3A_9 = tpu.memref_slice %arg3[%mul3A_2] : memref<51200xi32, #tpu.memory_space<hbm>> -> memref<1600xi32, #tpu.memory_space<hbm>>
      tpu.wait_dma2 semaphore(%run_scoped3A : memref<!tpu.dma_semaphore, #tpu.memory_space<semaphore_mem>>) src(%dma_wait3A_9 : memref<1600xi32, #tpu.memory_space<hbm>>) dst(%arg5 : memref<1600xi32, #tpu.memory_space<vmem>>)
      tpu.yield
    }) : () -> ()
    %scan3A = arith.constant 0 : i32
    %scan3A_3 = arith.constant 0 : i32
    %scan3A_4 = arith.constant 8 : i32
    %scan3A_5 = arith.addi %scan3A_3, %scan3A_4 : i32
    %scan3A_6 = arith.constant 1 : i32
    scf.for %scan3A_8 = %scan3A_3 to %scan3A_5 step %scan3A_6  : i32 {
      %mul3A_9 = arith.constant 5 : i32
      %mul3A_10 = arith.muli %scan3A_8, %mul3A_9 : i32
      %add3A_11 = arith.constant 0 : i32
      %add3A_12 = arith.addi %mul3A_10, %add3A_11 : i32
      %mul3A_13 = arith.constant 40 : i32
      %mul3A_14 = arith.muli %add3A_12, %mul3A_13 : i32
      %dma_start3A = arith.constant 0 : i32
      %dma_start3A_15 = arith.constant 0 : i32
      %dma_start3A_16 = arith.constant 0 : i32
      %dma_start3A_17 = tpu.memref_slice %arg6[%dma_start3A, %dma_start3A_15, %dma_start3A_16] : memref<5x40x128xf32, #tpu.memory_space<vmem>> -> memref<1x40x128xf32, #tpu.memory_space<vmem>>
      %dma_start3A_18 = tpu.memref_squeeze %dma_start3A_17 : memref<1x40x128xf32, #tpu.memory_space<vmem>> -> memref<40x128xf32, #tpu.memory_space<vmem>>
      %dma_start3A_19 = tpu.memref_slice %arg5[%mul3A_14] : memref<1600xi32, #tpu.memory_space<vmem>> -> memref<40xi32, #tpu.memory_space<vmem>>
      %dma_start3A_20 = arith.constant 0 : i32
      %dma_start3A_21 = arith.constant 0 : i32
      %dma_start3A_22 = tpu.memref_slice %arg2[%dma_start3A_20, %dma_start3A_21] : memref<10000x128xf32, #tpu.memory_space<hbm>> -> memref<10000x128xf32, #tpu.memory_space<hbm>>
      tpu.enqueue_indirect_dma source(%dma_start3A_22 : memref<10000x128xf32, #tpu.memory_space<hbm>>) target(%dma_start3A_18 : memref<40x128xf32, #tpu.memory_space<vmem>>) offsets(%dma_start3A_19 : memref<40xi32, #tpu.memory_space<vmem>>) semaphore(%arg7 : memref<!tpu.dma_semaphore, #tpu.memory_space<semaphore_mem>>)
      %mul3A_23 = arith.constant 5 : i32
      %mul3A_24 = arith.muli %scan3A_8, %mul3A_23 : i32
      %add3A_25 = arith.constant 1 : i32
      %add3A_26 = arith.addi %mul3A_24, %add3A_25 : i32
      %mul3A_27 = arith.constant 40 : i32
      %mul3A_28 = arith.muli %add3A_26, %mul3A_27 : i32
      %dma_start3A_29 = arith.constant 1 : i32
      %dma_start3A_30 = arith.constant 0 : i32
      %dma_start3A_31 = arith.constant 0 : i32
      %dma_start3A_32 = tpu.memref_slice %arg6[%dma_start3A_29, %dma_start3A_30, %dma_start3A_31] : memref<5x40x128xf32, #tpu.memory_space<vmem>> -> memref<1x40x128xf32, #tpu.memory_space<vmem>>
      %dma_start3A_33 = tpu.memref_squeeze %dma_start3A_32 : memref<1x40x128xf32, #tpu.memory_space<vmem>> -> memref<40x128xf32, #tpu.memory_space<vmem>>
      %dma_start3A_34 = tpu.memref_slice %arg5[%mul3A_28] : memref<1600xi32, #tpu.memory_space<vmem>> -> memref<40xi32, #tpu.memory_space<vmem>>
      %dma_start3A_35 = arith.constant 0 : i32
      %dma_start3A_36 = arith.constant 0 : i32
      %dma_start3A_37 = tpu.memref_slice %arg2[%dma_start3A_35, %dma_start3A_36] : memref<10000x128xf32, #tpu.memory_space<hbm>> -> memref<10000x128xf32, #tpu.memory_space<hbm>>
      tpu.enqueue_indirect_dma source(%dma_start3A_37 : memref<10000x128xf32, #tpu.memory_space<hbm>>) target(%dma_start3A_33 : memref<40x128xf32, #tpu.memory_space<vmem>>) offsets(%dma_start3A_34 : memref<40xi32, #tpu.memory_space<vmem>>) semaphore(%arg7 : memref<!tpu.dma_semaphore, #tpu.memory_space<semaphore_mem>>)
      %mul3A_38 = arith.constant 5 : i32
      %mul3A_39 = arith.muli %scan3A_8, %mul3A_38 : i32
      %add3A_40 = arith.constant 2 : i32
      %add3A_41 = arith.addi %mul3A_39, %add3A_40 : i32
      %mul3A_42 = arith.constant 40 : i32
      %mul3A_43 = arith.muli %add3A_41, %mul3A_42 : i32
      %dma_start3A_44 = arith.constant 2 : i32
      %dma_start3A_45 = arith.constant 0 : i32
      %dma_start3A_46 = arith.constant 0 : i32
      %dma_start3A_47 = tpu.memref_slice %arg6[%dma_start3A_44, %dma_start3A_45, %dma_start3A_46] : memref<5x40x128xf32, #tpu.memory_space<vmem>> -> memref<1x40x128xf32, #tpu.memory_space<vmem>>
      %dma_start3A_48 = tpu.memref_squeeze %dma_start3A_47 : memref<1x40x128xf32, #tpu.memory_space<vmem>> -> memref<40x128xf32, #tpu.memory_space<vmem>>
      %dma_start3A_49 = tpu.memref_slice %arg5[%mul3A_43] : memref<1600xi32, #tpu.memory_space<vmem>> -> memref<40xi32, #tpu.memory_space<vmem>>
      %dma_start3A_50 = arith.constant 0 : i32
      %dma_start3A_51 = arith.constant 0 : i32
      %dma_start3A_52 = tpu.memref_slice %arg2[%dma_start3A_50, %dma_start3A_51] : memref<10000x128xf32, #tpu.memory_space<hbm>> -> memref<10000x128xf32, #tpu.memory_space<hbm>>
      tpu.enqueue_indirect_dma source(%dma_start3A_52 : memref<10000x128xf32, #tpu.memory_space<hbm>>) target(%dma_start3A_48 : memref<40x128xf32, #tpu.memory_space<vmem>>) offsets(%dma_start3A_49 : memref<40xi32, #tpu.memory_space<vmem>>) semaphore(%arg7 : memref<!tpu.dma_semaphore, #tpu.memory_space<semaphore_mem>>)
      %mul3A_53 = arith.constant 5 : i32
      %mul3A_54 = arith.muli %scan3A_8, %mul3A_53 : i32
      %add3A_55 = arith.constant 3 : i32
      %add3A_56 = arith.addi %mul3A_54, %add3A_55 : i32
      %mul3A_57 = arith.constant 40 : i32
      %mul3A_58 = arith.muli %add3A_56, %mul3A_57 : i32
      %dma_start3A_59 = arith.constant 3 : i32
      %dma_start3A_60 = arith.constant 0 : i32
      %dma_start3A_61 = arith.constant 0 : i32
      %dma_start3A_62 = tpu.memref_slice %arg6[%dma_start3A_59, %dma_start3A_60, %dma_start3A_61] : memref<5x40x128xf32, #tpu.memory_space<vmem>> -> memref<1x40x128xf32, #tpu.memory_space<vmem>>
      %dma_start3A_63 = tpu.memref_squeeze %dma_start3A_62 : memref<1x40x128xf32, #tpu.memory_space<vmem>> -> memref<40x128xf32, #tpu.memory_space<vmem>>
      %dma_start3A_64 = tpu.memref_slice %arg5[%mul3A_58] : memref<1600xi32, #tpu.memory_space<vmem>> -> memref<40xi32, #tpu.memory_space<vmem>>
      %dma_start3A_65 = arith.constant 0 : i32
      %dma_start3A_66 = arith.constant 0 : i32
      %dma_start3A_67 = tpu.memref_slice %arg2[%dma_start3A_65, %dma_start3A_66] : memref<10000x128xf32, #tpu.memory_space<hbm>> -> memref<10000x128xf32, #tpu.memory_space<hbm>>
      tpu.enqueue_indirect_dma source(%dma_start3A_67 : memref<10000x128xf32, #tpu.memory_space<hbm>>) target(%dma_start3A_63 : memref<40x128xf32, #tpu.memory_space<vmem>>) offsets(%dma_start3A_64 : memref<40xi32, #tpu.memory_space<vmem>>) semaphore(%arg7 : memref<!tpu.dma_semaphore, #tpu.memory_space<semaphore_mem>>)
      %mul3A_68 = arith.constant 5 : i32
      %mul3A_69 = arith.muli %scan3A_8, %mul3A_68 : i32
      %add3A_70 = arith.constant 4 : i32
      %add3A_71 = arith.addi %mul3A_69, %add3A_70 : i32
      %mul3A_72 = arith.constant 40 : i32
      %mul3A_73 = arith.muli %add3A_71, %mul3A_72 : i32
      %dma_start3A_74 = arith.constant 4 : i32
      %dma_start3A_75 = arith.constant 0 : i32
      %dma_start3A_76 = arith.constant 0 : i32
      %dma_start3A_77 = tpu.memref_slice %arg6[%dma_start3A_74, %dma_start3A_75, %dma_start3A_76] : memref<5x40x128xf32, #tpu.memory_space<vmem>> -> memref<1x40x128xf32, #tpu.memory_space<vmem>>
      %dma_start3A_78 = tpu.memref_squeeze %dma_start3A_77 : memref<1x40x128xf32, #tpu.memory_space<vmem>> -> memref<40x128xf32, #tpu.memory_space<vmem>>
      %dma_start3A_79 = tpu.memref_slice %arg5[%mul3A_73] : memref<1600xi32, #tpu.memory_space<vmem>> -> memref<40xi32, #tpu.memory_space<vmem>>
      %dma_start3A_80 = arith.constant 0 : i32
      %dma_start3A_81 = arith.constant 0 : i32
      %dma_start3A_82 = tpu.memref_slice %arg2[%dma_start3A_80, %dma_start3A_81] : memref<10000x128xf32, #tpu.memory_space<hbm>> -> memref<10000x128xf32, #tpu.memory_space<hbm>>
      tpu.enqueue_indirect_dma source(%dma_start3A_82 : memref<10000x128xf32, #tpu.memory_space<hbm>>) target(%dma_start3A_78 : memref<40x128xf32, #tpu.memory_space<vmem>>) offsets(%dma_start3A_79 : memref<40xi32, #tpu.memory_space<vmem>>) semaphore(%arg7 : memref<!tpu.dma_semaphore, #tpu.memory_space<semaphore_mem>>)
      %dma_wait3A = arith.constant 0 : i32
      %dma_wait3A_83 = arith.constant 0 : i32
      %dma_wait3A_84 = arith.constant 0 : i32
      %dma_wait3A_85 = tpu.memref_slice %arg6[%dma_wait3A, %dma_wait3A_83, %dma_wait3A_84] : memref<5x40x128xf32, #tpu.memory_space<vmem>> -> memref<1x40x128xf32, #tpu.memory_space<vmem>>
      %dma_wait3A_86 = tpu.memref_squeeze %dma_wait3A_85 : memref<1x40x128xf32, #tpu.memory_space<vmem>> -> memref<40x128xf32, #tpu.memory_space<vmem>>
      %dma_wait3A_87 = tpu.memref_slice %arg5[%mul3A_14] : memref<1600xi32, #tpu.memory_space<vmem>> -> memref<40xi32, #tpu.memory_space<vmem>>
      %dma_wait3A_88 = arith.constant 0 : i32
      %dma_wait3A_89 = arith.constant 0 : i32
      %dma_wait3A_90 = tpu.memref_slice %arg2[%dma_wait3A_88, %dma_wait3A_89] : memref<10000x128xf32, #tpu.memory_space<hbm>> -> memref<10000x128xf32, #tpu.memory_space<hbm>>
      tpu.wait_indirect_dma semaphore(%arg7 : memref<!tpu.dma_semaphore, #tpu.memory_space<semaphore_mem>>) src(%dma_wait3A_90 : memref<10000x128xf32, #tpu.memory_space<hbm>>) dst(%dma_wait3A_86 : memref<40x128xf32, #tpu.memory_space<vmem>>)
      %mul3A_91 = arith.constant 5 : i32
      %mul3A_92 = arith.muli %scan3A_8, %mul3A_91 : i32
      %add3A_93 = arith.constant 0 : i32
      %add3A_94 = arith.addi %mul3A_92, %add3A_93 : i32
      %mul3A_95 = arith.constant 40 : i32
      %mul3A_96 = arith.muli %add3A_94, %mul3A_95 : i32
      %add3A_97 = arith.addi %mul3A_2, %mul3A_96 : i32
      %run_scoped3A = arith.constant 0 : i32
      "tpu.region"() ({
        %run_scoped3A_166 = tpu.sem_alloc : memref<!tpu.dma_semaphore, #tpu.memory_space<semaphore_mem>>
        %dma_start3A_167 = arith.constant 0 : i32
        %dma_start3A_168 = arith.constant 0 : i32
        %dma_start3A_169 = tpu.memref_slice %arg6[%run_scoped3A, %dma_start3A_167, %dma_start3A_168] : memref<5x40x128xf32, #tpu.memory_space<vmem>> -> memref<1x40x128xf32, #tpu.memory_space<vmem>>
        %dma_start3A_170 = tpu.memref_squeeze %dma_start3A_169 : memref<1x40x128xf32, #tpu.memory_space<vmem>> -> memref<40x128xf32, #tpu.memory_space<vmem>>
        %dma_start3A_171 = arith.constant 0 : i32
        %dma_start3A_172 = tpu.memref_slice %arg4[%add3A_97, %dma_start3A_171] : memref<51200x128xf32, #tpu.memory_space<hbm>> -> memref<40x128xf32, #tpu.memory_space<hbm>>
        %dma_start3A_173 = arith.constant 0 : i32
        %dma_start3A_174 = tpu.memref_slice %arg4[%add3A_97, %dma_start3A_173] : memref<51200x128xf32, #tpu.memory_space<hbm>> -> memref<40x128xf32, #tpu.memory_space<hbm>>
        %dma_start3A_175 = arith.constant 0 : i32
        %dma_start3A_176 = arith.constant 0 : i32
        %dma_start3A_177 = tpu.memref_slice %arg6[%run_scoped3A, %dma_start3A_175, %dma_start3A_176] : memref<5x40x128xf32, #tpu.memory_space<vmem>> -> memref<1x40x128xf32, #tpu.memory_space<vmem>>
        %dma_start3A_178 = tpu.memref_squeeze %dma_start3A_177 : memref<1x40x128xf32, #tpu.memory_space<vmem>> -> memref<40x128xf32, #tpu.memory_space<vmem>>
        tpu.enqueue_dma source(%dma_start3A_178 : memref<40x128xf32, #tpu.memory_space<vmem>>) target(%dma_start3A_174 : memref<40x128xf32, #tpu.memory_space<hbm>>) target_semaphore(%run_scoped3A_166 : memref<!tpu.dma_semaphore, #tpu.memory_space<semaphore_mem>>)
        %dma_wait3A_179 = arith.constant 0 : i32
        %dma_wait3A_180 = arith.constant 0 : i32
        %dma_wait3A_181 = tpu.memref_slice %arg6[%run_scoped3A, %dma_wait3A_179, %dma_wait3A_180] : memref<5x40x128xf32, #tpu.memory_space<vmem>> -> memref<1x40x128xf32, #tpu.memory_space<vmem>>
        %dma_wait3A_182 = tpu.memref_squeeze %dma_wait3A_181 : memref<1x40x128xf32, #tpu.memory_space<vmem>> -> memref<40x128xf32, #tpu.memory_space<vmem>>
        %dma_wait3A_183 = arith.constant 0 : i32
        %dma_wait3A_184 = tpu.memref_slice %arg4[%add3A_97, %dma_wait3A_183] : memref<51200x128xf32, #tpu.memory_space<hbm>> -> memref<40x128xf32, #tpu.memory_space<hbm>>
        %dma_wait3A_185 = arith.constant 0 : i32
        %dma_wait3A_186 = tpu.memref_slice %arg4[%add3A_97, %dma_wait3A_185] : memref<51200x128xf32, #tpu.memory_space<hbm>> -> memref<40x128xf32, #tpu.memory_space<hbm>>
        %dma_wait3A_187 = arith.constant 0 : i32
        %dma_wait3A_188 = arith.constant 0 : i32
        %dma_wait3A_189 = tpu.memref_slice %arg6[%run_scoped3A, %dma_wait3A_187, %dma_wait3A_188] : memref<5x40x128xf32, #tpu.memory_space<vmem>> -> memref<1x40x128xf32, #tpu.memory_space<vmem>>
        %dma_wait3A_190 = tpu.memref_squeeze %dma_wait3A_189 : memref<1x40x128xf32, #tpu.memory_space<vmem>> -> memref<40x128xf32, #tpu.memory_space<vmem>>
        tpu.wait_dma2 semaphore(%run_scoped3A_166 : memref<!tpu.dma_semaphore, #tpu.memory_space<semaphore_mem>>) src(%dma_wait3A_190 : memref<40x128xf32, #tpu.memory_space<vmem>>) dst(%dma_wait3A_186 : memref<40x128xf32, #tpu.memory_space<hbm>>)
        tpu.yield
      }) : () -> ()
      %dma_wait3A_98 = arith.constant 1 : i32
      %dma_wait3A_99 = arith.constant 0 : i32
      %dma_wait3A_100 = arith.constant 0 : i32
      %dma_wait3A_101 = tpu.memref_slice %arg6[%dma_wait3A_98, %dma_wait3A_99, %dma_wait3A_100] : memref<5x40x128xf32, #tpu.memory_space<vmem>> -> memref<1x40x128xf32, #tpu.memory_space<vmem>>
      %dma_wait3A_102 = tpu.memref_squeeze %dma_wait3A_101 : memref<1x40x128xf32, #tpu.memory_space<vmem>> -> memref<40x128xf32, #tpu.memory_space<vmem>>
      %dma_wait3A_103 = tpu.memref_slice %arg5[%mul3A_28] : memref<1600xi32, #tpu.memory_space<vmem>> -> memref<40xi32, #tpu.memory_space<vmem>>
      %dma_wait3A_104 = arith.constant 0 : i32
      %dma_wait3A_105 = arith.constant 0 : i32
      %dma_wait3A_106 = tpu.memref_slice %arg2[%dma_wait3A_104, %dma_wait3A_105] : memref<10000x128xf32, #tpu.memory_space<hbm>> -> memref<10000x128xf32, #tpu.memory_space<hbm>>
      tpu.wait_indirect_dma semaphore(%arg7 : memref<!tpu.dma_semaphore, #tpu.memory_space<semaphore_mem>>) src(%dma_wait3A_106 : memref<10000x128xf32, #tpu.memory_space<hbm>>) dst(%dma_wait3A_102 : memref<40x128xf32, #tpu.memory_space<vmem>>)
      %mul3A_107 = arith.constant 5 : i32
      %mul3A_108 = arith.muli %scan3A_8, %mul3A_107 : i32
      %add3A_109 = arith.constant 1 : i32
      %add3A_110 = arith.addi %mul3A_108, %add3A_109 : i32
      %mul3A_111 = arith.constant 40 : i32
      %mul3A_112 = arith.muli %add3A_110, %mul3A_111 : i32
      %add3A_113 = arith.addi %mul3A_2, %mul3A_112 : i32
      %run_scoped3A_114 = arith.constant 1 : i32
      "tpu.region"() ({
        %run_scoped3A_166 = tpu.sem_alloc : memref<!tpu.dma_semaphore, #tpu.memory_space<semaphore_mem>>
        %dma_start3A_167 = arith.constant 0 : i32
        %dma_start3A_168 = arith.constant 0 : i32
        %dma_start3A_169 = tpu.memref_slice %arg6[%run_scoped3A_114, %dma_start3A_167, %dma_start3A_168] : memref<5x40x128xf32, #tpu.memory_space<vmem>> -> memref<1x40x128xf32, #tpu.memory_space<vmem>>
        %dma_start3A_170 = tpu.memref_squeeze %dma_start3A_169 : memref<1x40x128xf32, #tpu.memory_space<vmem>> -> memref<40x128xf32, #tpu.memory_space<vmem>>
        %dma_start3A_171 = arith.constant 0 : i32
        %dma_start3A_172 = tpu.memref_slice %arg4[%add3A_113, %dma_start3A_171] : memref<51200x128xf32, #tpu.memory_space<hbm>> -> memref<40x128xf32, #tpu.memory_space<hbm>>
        %dma_start3A_173 = arith.constant 0 : i32
        %dma_start3A_174 = tpu.memref_slice %arg4[%add3A_113, %dma_start3A_173] : memref<51200x128xf32, #tpu.memory_space<hbm>> -> memref<40x128xf32, #tpu.memory_space<hbm>>
        %dma_start3A_175 = arith.constant 0 : i32
        %dma_start3A_176 = arith.constant 0 : i32
        %dma_start3A_177 = tpu.memref_slice %arg6[%run_scoped3A_114, %dma_start3A_175, %dma_start3A_176] : memref<5x40x128xf32, #tpu.memory_space<vmem>> -> memref<1x40x128xf32, #tpu.memory_space<vmem>>
        %dma_start3A_178 = tpu.memref_squeeze %dma_start3A_177 : memref<1x40x128xf32, #tpu.memory_space<vmem>> -> memref<40x128xf32, #tpu.memory_space<vmem>>
        tpu.enqueue_dma source(%dma_start3A_178 : memref<40x128xf32, #tpu.memory_space<vmem>>) target(%dma_start3A_174 : memref<40x128xf32, #tpu.memory_space<hbm>>) target_semaphore(%run_scoped3A_166 : memref<!tpu.dma_semaphore, #tpu.memory_space<semaphore_mem>>)
        %dma_wait3A_179 = arith.constant 0 : i32
        %dma_wait3A_180 = arith.constant 0 : i32
        %dma_wait3A_181 = tpu.memref_slice %arg6[%run_scoped3A_114, %dma_wait3A_179, %dma_wait3A_180] : memref<5x40x128xf32, #tpu.memory_space<vmem>> -> memref<1x40x128xf32, #tpu.memory_space<vmem>>
        %dma_wait3A_182 = tpu.memref_squeeze %dma_wait3A_181 : memref<1x40x128xf32, #tpu.memory_space<vmem>> -> memref<40x128xf32, #tpu.memory_space<vmem>>
        %dma_wait3A_183 = arith.constant 0 : i32
        %dma_wait3A_184 = tpu.memref_slice %arg4[%add3A_113, %dma_wait3A_183] : memref<51200x128xf32, #tpu.memory_space<hbm>> -> memref<40x128xf32, #tpu.memory_space<hbm>>
        %dma_wait3A_185 = arith.constant 0 : i32
        %dma_wait3A_186 = tpu.memref_slice %arg4[%add3A_113, %dma_wait3A_185] : memref<51200x128xf32, #tpu.memory_space<hbm>> -> memref<40x128xf32, #tpu.memory_space<hbm>>
        %dma_wait3A_187 = arith.constant 0 : i32
        %dma_wait3A_188 = arith.constant 0 : i32
        %dma_wait3A_189 = tpu.memref_slice %arg6[%run_scoped3A_114, %dma_wait3A_187, %dma_wait3A_188] : memref<5x40x128xf32, #tpu.memory_space<vmem>> -> memref<1x40x128xf32, #tpu.memory_space<vmem>>
        %dma_wait3A_190 = tpu.memref_squeeze %dma_wait3A_189 : memref<1x40x128xf32, #tpu.memory_space<vmem>> -> memref<40x128xf32, #tpu.memory_space<vmem>>
        tpu.wait_dma2 semaphore(%run_scoped3A_166 : memref<!tpu.dma_semaphore, #tpu.memory_space<semaphore_mem>>) src(%dma_wait3A_190 : memref<40x128xf32, #tpu.memory_space<vmem>>) dst(%dma_wait3A_186 : memref<40x128xf32, #tpu.memory_space<hbm>>)
        tpu.yield
      }) : () -> ()
      %dma_wait3A_115 = arith.constant 2 : i32
      %dma_wait3A_116 = arith.constant 0 : i32
      %dma_wait3A_117 = arith.constant 0 : i32
      %dma_wait3A_118 = tpu.memref_slice %arg6[%dma_wait3A_115, %dma_wait3A_116, %dma_wait3A_117] : memref<5x40x128xf32, #tpu.memory_space<vmem>> -> memref<1x40x128xf32, #tpu.memory_space<vmem>>
      %dma_wait3A_119 = tpu.memref_squeeze %dma_wait3A_118 : memref<1x40x128xf32, #tpu.memory_space<vmem>> -> memref<40x128xf32, #tpu.memory_space<vmem>>
      %dma_wait3A_120 = tpu.memref_slice %arg5[%mul3A_43] : memref<1600xi32, #tpu.memory_space<vmem>> -> memref<40xi32, #tpu.memory_space<vmem>>
      %dma_wait3A_121 = arith.constant 0 : i32
      %dma_wait3A_122 = arith.constant 0 : i32
      %dma_wait3A_123 = tpu.memref_slice %arg2[%dma_wait3A_121, %dma_wait3A_122] : memref<10000x128xf32, #tpu.memory_space<hbm>> -> memref<10000x128xf32, #tpu.memory_space<hbm>>
      tpu.wait_indirect_dma semaphore(%arg7 : memref<!tpu.dma_semaphore, #tpu.memory_space<semaphore_mem>>) src(%dma_wait3A_123 : memref<10000x128xf32, #tpu.memory_space<hbm>>) dst(%dma_wait3A_119 : memref<40x128xf32, #tpu.memory_space<vmem>>)
      %mul3A_124 = arith.constant 5 : i32
      %mul3A_125 = arith.muli %scan3A_8, %mul3A_124 : i32
      %add3A_126 = arith.constant 2 : i32
      %add3A_127 = arith.addi %mul3A_125, %add3A_126 : i32
      %mul3A_128 = arith.constant 40 : i32
      %mul3A_129 = arith.muli %add3A_127, %mul3A_128 : i32
      %add3A_130 = arith.addi %mul3A_2, %mul3A_129 : i32
      %run_scoped3A_131 = arith.constant 2 : i32
      "tpu.region"() ({
        %run_scoped3A_166 = tpu.sem_alloc : memref<!tpu.dma_semaphore, #tpu.memory_space<semaphore_mem>>
        %dma_start3A_167 = arith.constant 0 : i32
        %dma_start3A_168 = arith.constant 0 : i32
        %dma_start3A_169 = tpu.memref_slice %arg6[%run_scoped3A_131, %dma_start3A_167, %dma_start3A_168] : memref<5x40x128xf32, #tpu.memory_space<vmem>> -> memref<1x40x128xf32, #tpu.memory_space<vmem>>
        %dma_start3A_170 = tpu.memref_squeeze %dma_start3A_169 : memref<1x40x128xf32, #tpu.memory_space<vmem>> -> memref<40x128xf32, #tpu.memory_space<vmem>>
        %dma_start3A_171 = arith.constant 0 : i32
        %dma_start3A_172 = tpu.memref_slice %arg4[%add3A_130, %dma_start3A_171] : memref<51200x128xf32, #tpu.memory_space<hbm>> -> memref<40x128xf32, #tpu.memory_space<hbm>>
        %dma_start3A_173 = arith.constant 0 : i32
        %dma_start3A_174 = tpu.memref_slice %arg4[%add3A_130, %dma_start3A_173] : memref<51200x128xf32, #tpu.memory_space<hbm>> -> memref<40x128xf32, #tpu.memory_space<hbm>>
        %dma_start3A_175 = arith.constant 0 : i32
        %dma_start3A_176 = arith.constant 0 : i32
        %dma_start3A_177 = tpu.memref_slice %arg6[%run_scoped3A_131, %dma_start3A_175, %dma_start3A_176] : memref<5x40x128xf32, #tpu.memory_space<vmem>> -> memref<1x40x128xf32, #tpu.memory_space<vmem>>
        %dma_start3A_178 = tpu.memref_squeeze %dma_start3A_177 : memref<1x40x128xf32, #tpu.memory_space<vmem>> -> memref<40x128xf32, #tpu.memory_space<vmem>>
        tpu.enqueue_dma source(%dma_start3A_178 : memref<40x128xf32, #tpu.memory_space<vmem>>) target(%dma_start3A_174 : memref<40x128xf32, #tpu.memory_space<hbm>>) target_semaphore(%run_scoped3A_166 : memref<!tpu.dma_semaphore, #tpu.memory_space<semaphore_mem>>)
        %dma_wait3A_179 = arith.constant 0 : i32
        %dma_wait3A_180 = arith.constant 0 : i32
        %dma_wait3A_181 = tpu.memref_slice %arg6[%run_scoped3A_131, %dma_wait3A_179, %dma_wait3A_180] : memref<5x40x128xf32, #tpu.memory_space<vmem>> -> memref<1x40x128xf32, #tpu.memory_space<vmem>>
        %dma_wait3A_182 = tpu.memref_squeeze %dma_wait3A_181 : memref<1x40x128xf32, #tpu.memory_space<vmem>> -> memref<40x128xf32, #tpu.memory_space<vmem>>
        %dma_wait3A_183 = arith.constant 0 : i32
        %dma_wait3A_184 = tpu.memref_slice %arg4[%add3A_130, %dma_wait3A_183] : memref<51200x128xf32, #tpu.memory_space<hbm>> -> memref<40x128xf32, #tpu.memory_space<hbm>>
        %dma_wait3A_185 = arith.constant 0 : i32
        %dma_wait3A_186 = tpu.memref_slice %arg4[%add3A_130, %dma_wait3A_185] : memref<51200x128xf32, #tpu.memory_space<hbm>> -> memref<40x128xf32, #tpu.memory_space<hbm>>
        %dma_wait3A_187 = arith.constant 0 : i32
        %dma_wait3A_188 = arith.constant 0 : i32
        %dma_wait3A_189 = tpu.memref_slice %arg6[%run_scoped3A_131, %dma_wait3A_187, %dma_wait3A_188] : memref<5x40x128xf32, #tpu.memory_space<vmem>> -> memref<1x40x128xf32, #tpu.memory_space<vmem>>
        %dma_wait3A_190 = tpu.memref_squeeze %dma_wait3A_189 : memref<1x40x128xf32, #tpu.memory_space<vmem>> -> memref<40x128xf32, #tpu.memory_space<vmem>>
        tpu.wait_dma2 semaphore(%run_scoped3A_166 : memref<!tpu.dma_semaphore, #tpu.memory_space<semaphore_mem>>) src(%dma_wait3A_190 : memref<40x128xf32, #tpu.memory_space<vmem>>) dst(%dma_wait3A_186 : memref<40x128xf32, #tpu.memory_space<hbm>>)
        tpu.yield
      }) : () -> ()
      %dma_wait3A_132 = arith.constant 3 : i32
      %dma_wait3A_133 = arith.constant 0 : i32
      %dma_wait3A_134 = arith.constant 0 : i32
      %dma_wait3A_135 = tpu.memref_slice %arg6[%dma_wait3A_132, %dma_wait3A_133, %dma_wait3A_134] : memref<5x40x128xf32, #tpu.memory_space<vmem>> -> memref<1x40x128xf32, #tpu.memory_space<vmem>>
      %dma_wait3A_136 = tpu.memref_squeeze %dma_wait3A_135 : memref<1x40x128xf32, #tpu.memory_space<vmem>> -> memref<40x128xf32, #tpu.memory_space<vmem>>
      %dma_wait3A_137 = tpu.memref_slice %arg5[%mul3A_58] : memref<1600xi32, #tpu.memory_space<vmem>> -> memref<40xi32, #tpu.memory_space<vmem>>
      %dma_wait3A_138 = arith.constant 0 : i32
      %dma_wait3A_139 = arith.constant 0 : i32
      %dma_wait3A_140 = tpu.memref_slice %arg2[%dma_wait3A_138, %dma_wait3A_139] : memref<10000x128xf32, #tpu.memory_space<hbm>> -> memref<10000x128xf32, #tpu.memory_space<hbm>>
      tpu.wait_indirect_dma semaphore(%arg7 : memref<!tpu.dma_semaphore, #tpu.memory_space<semaphore_mem>>) src(%dma_wait3A_140 : memref<10000x128xf32, #tpu.memory_space<hbm>>) dst(%dma_wait3A_136 : memref<40x128xf32, #tpu.memory_space<vmem>>)
      %mul3A_141 = arith.constant 5 : i32
      %mul3A_142 = arith.muli %scan3A_8, %mul3A_141 : i32
      %add3A_143 = arith.constant 3 : i32
      %add3A_144 = arith.addi %mul3A_142, %add3A_143 : i32
      %mul3A_145 = arith.constant 40 : i32
      %mul3A_146 = arith.muli %add3A_144, %mul3A_145 : i32
      %add3A_147 = arith.addi %mul3A_2, %mul3A_146 : i32
      %run_scoped3A_148 = arith.constant 3 : i32
      "tpu.region"() ({
        %run_scoped3A_166 = tpu.sem_alloc : memref<!tpu.dma_semaphore, #tpu.memory_space<semaphore_mem>>
        %dma_start3A_167 = arith.constant 0 : i32
        %dma_start3A_168 = arith.constant 0 : i32
        %dma_start3A_169 = tpu.memref_slice %arg6[%run_scoped3A_148, %dma_start3A_167, %dma_start3A_168] : memref<5x40x128xf32, #tpu.memory_space<vmem>> -> memref<1x40x128xf32, #tpu.memory_space<vmem>>
        %dma_start3A_170 = tpu.memref_squeeze %dma_start3A_169 : memref<1x40x128xf32, #tpu.memory_space<vmem>> -> memref<40x128xf32, #tpu.memory_space<vmem>>
        %dma_start3A_171 = arith.constant 0 : i32
        %dma_start3A_172 = tpu.memref_slice %arg4[%add3A_147, %dma_start3A_171] : memref<51200x128xf32, #tpu.memory_space<hbm>> -> memref<40x128xf32, #tpu.memory_space<hbm>>
        %dma_start3A_173 = arith.constant 0 : i32
        %dma_start3A_174 = tpu.memref_slice %arg4[%add3A_147, %dma_start3A_173] : memref<51200x128xf32, #tpu.memory_space<hbm>> -> memref<40x128xf32, #tpu.memory_space<hbm>>
        %dma_start3A_175 = arith.constant 0 : i32
        %dma_start3A_176 = arith.constant 0 : i32
        %dma_start3A_177 = tpu.memref_slice %arg6[%run_scoped3A_148, %dma_start3A_175, %dma_start3A_176] : memref<5x40x128xf32, #tpu.memory_space<vmem>> -> memref<1x40x128xf32, #tpu.memory_space<vmem>>
        %dma_start3A_178 = tpu.memref_squeeze %dma_start3A_177 : memref<1x40x128xf32, #tpu.memory_space<vmem>> -> memref<40x128xf32, #tpu.memory_space<vmem>>
        tpu.enqueue_dma source(%dma_start3A_178 : memref<40x128xf32, #tpu.memory_space<vmem>>) target(%dma_start3A_174 : memref<40x128xf32, #tpu.memory_space<hbm>>) target_semaphore(%run_scoped3A_166 : memref<!tpu.dma_semaphore, #tpu.memory_space<semaphore_mem>>)
        %dma_wait3A_179 = arith.constant 0 : i32
        %dma_wait3A_180 = arith.constant 0 : i32
        %dma_wait3A_181 = tpu.memref_slice %arg6[%run_scoped3A_148, %dma_wait3A_179, %dma_wait3A_180] : memref<5x40x128xf32, #tpu.memory_space<vmem>> -> memref<1x40x128xf32, #tpu.memory_space<vmem>>
        %dma_wait3A_182 = tpu.memref_squeeze %dma_wait3A_181 : memref<1x40x128xf32, #tpu.memory_space<vmem>> -> memref<40x128xf32, #tpu.memory_space<vmem>>
        %dma_wait3A_183 = arith.constant 0 : i32
        %dma_wait3A_184 = tpu.memref_slice %arg4[%add3A_147, %dma_wait3A_183] : memref<51200x128xf32, #tpu.memory_space<hbm>> -> memref<40x128xf32, #tpu.memory_space<hbm>>
        %dma_wait3A_185 = arith.constant 0 : i32
        %dma_wait3A_186 = tpu.memref_slice %arg4[%add3A_147, %dma_wait3A_185] : memref<51200x128xf32, #tpu.memory_space<hbm>> -> memref<40x128xf32, #tpu.memory_space<hbm>>
        %dma_wait3A_187 = arith.constant 0 : i32
        %dma_wait3A_188 = arith.constant 0 : i32
        %dma_wait3A_189 = tpu.memref_slice %arg6[%run_scoped3A_148, %dma_wait3A_187, %dma_wait3A_188] : memref<5x40x128xf32, #tpu.memory_space<vmem>> -> memref<1x40x128xf32, #tpu.memory_space<vmem>>
        %dma_wait3A_190 = tpu.memref_squeeze %dma_wait3A_189 : memref<1x40x128xf32, #tpu.memory_space<vmem>> -> memref<40x128xf32, #tpu.memory_space<vmem>>
        tpu.wait_dma2 semaphore(%run_scoped3A_166 : memref<!tpu.dma_semaphore, #tpu.memory_space<semaphore_mem>>) src(%dma_wait3A_190 : memref<40x128xf32, #tpu.memory_space<vmem>>) dst(%dma_wait3A_186 : memref<40x128xf32, #tpu.memory_space<hbm>>)
        tpu.yield
      }) : () -> ()
      %dma_wait3A_149 = arith.constant 4 : i32
      %dma_wait3A_150 = arith.constant 0 : i32
      %dma_wait3A_151 = arith.constant 0 : i32
      %dma_wait3A_152 = tpu.memref_slice %arg6[%dma_wait3A_149, %dma_wait3A_150, %dma_wait3A_151] : memref<5x40x128xf32, #tpu.memory_space<vmem>> -> memref<1x40x128xf32, #tpu.memory_space<vmem>>
      %dma_wait3A_153 = tpu.memref_squeeze %dma_wait3A_152 : memref<1x40x128xf32, #tpu.memory_space<vmem>> -> memref<40x128xf32, #tpu.memory_space<vmem>>
      %dma_wait3A_154 = tpu.memref_slice %arg5[%mul3A_73] : memref<1600xi32, #tpu.memory_space<vmem>> -> memref<40xi32, #tpu.memory_space<vmem>>
      %dma_wait3A_155 = arith.constant 0 : i32
      %dma_wait3A_156 = arith.constant 0 : i32
      %dma_wait3A_157 = tpu.memref_slice %arg2[%dma_wait3A_155, %dma_wait3A_156] : memref<10000x128xf32, #tpu.memory_space<hbm>> -> memref<10000x128xf32, #tpu.memory_space<hbm>>
      tpu.wait_indirect_dma semaphore(%arg7 : memref<!tpu.dma_semaphore, #tpu.memory_space<semaphore_mem>>) src(%dma_wait3A_157 : memref<10000x128xf32, #tpu.memory_space<hbm>>) dst(%dma_wait3A_153 : memref<40x128xf32, #tpu.memory_space<vmem>>)
      %mul3A_158 = arith.constant 5 : i32
      %mul3A_159 = arith.muli %scan3A_8, %mul3A_158 : i32
      %add3A_160 = arith.constant 4 : i32
      %add3A_161 = arith.addi %mul3A_159, %add3A_160 : i32
      %mul3A_162 = arith.constant 40 : i32
      %mul3A_163 = arith.muli %add3A_161, %mul3A_162 : i32
      %add3A_164 = arith.addi %mul3A_2, %mul3A_163 : i32
      %run_scoped3A_165 = arith.constant 4 : i32
      "tpu.region"() ({
        %run_scoped3A_166 = tpu.sem_alloc : memref<!tpu.dma_semaphore, #tpu.memory_space<semaphore_mem>>
        %dma_start3A_167 = arith.constant 0 : i32
        %dma_start3A_168 = arith.constant 0 : i32
        %dma_start3A_169 = tpu.memref_slice %arg6[%run_scoped3A_165, %dma_start3A_167, %dma_start3A_168] : memref<5x40x128xf32, #tpu.memory_space<vmem>> -> memref<1x40x128xf32, #tpu.memory_space<vmem>>
        %dma_start3A_170 = tpu.memref_squeeze %dma_start3A_169 : memref<1x40x128xf32, #tpu.memory_space<vmem>> -> memref<40x128xf32, #tpu.memory_space<vmem>>
        %dma_start3A_171 = arith.constant 0 : i32
        %dma_start3A_172 = tpu.memref_slice %arg4[%add3A_164, %dma_start3A_171] : memref<51200x128xf32, #tpu.memory_space<hbm>> -> memref<40x128xf32, #tpu.memory_space<hbm>>
        %dma_start3A_173 = arith.constant 0 : i32
        %dma_start3A_174 = tpu.memref_slice %arg4[%add3A_164, %dma_start3A_173] : memref<51200x128xf32, #tpu.memory_space<hbm>> -> memref<40x128xf32, #tpu.memory_space<hbm>>
        %dma_start3A_175 = arith.constant 0 : i32
        %dma_start3A_176 = arith.constant 0 : i32
        %dma_start3A_177 = tpu.memref_slice %arg6[%run_scoped3A_165, %dma_start3A_175, %dma_start3A_176] : memref<5x40x128xf32, #tpu.memory_space<vmem>> -> memref<1x40x128xf32, #tpu.memory_space<vmem>>
        %dma_start3A_178 = tpu.memref_squeeze %dma_start3A_177 : memref<1x40x128xf32, #tpu.memory_space<vmem>> -> memref<40x128xf32, #tpu.memory_space<vmem>>
        tpu.enqueue_dma source(%dma_start3A_178 : memref<40x128xf32, #tpu.memory_space<vmem>>) target(%dma_start3A_174 : memref<40x128xf32, #tpu.memory_space<hbm>>) target_semaphore(%run_scoped3A_166 : memref<!tpu.dma_semaphore, #tpu.memory_space<semaphore_mem>>)
        %dma_wait3A_179 = arith.constant 0 : i32
        %dma_wait3A_180 = arith.constant 0 : i32
        %dma_wait3A_181 = tpu.memref_slice %arg6[%run_scoped3A_165, %dma_wait3A_179, %dma_wait3A_180] : memref<5x40x128xf32, #tpu.memory_space<vmem>> -> memref<1x40x128xf32, #tpu.memory_space<vmem>>
        %dma_wait3A_182 = tpu.memref_squeeze %dma_wait3A_181 : memref<1x40x128xf32, #tpu.memory_space<vmem>> -> memref<40x128xf32, #tpu.memory_space<vmem>>
        %dma_wait3A_183 = arith.constant 0 : i32
        %dma_wait3A_184 = tpu.memref_slice %arg4[%add3A_164, %dma_wait3A_183] : memref<51200x128xf32, #tpu.memory_space<hbm>> -> memref<40x128xf32, #tpu.memory_space<hbm>>
        %dma_wait3A_185 = arith.constant 0 : i32
        %dma_wait3A_186 = tpu.memref_slice %arg4[%add3A_164, %dma_wait3A_185] : memref<51200x128xf32, #tpu.memory_space<hbm>> -> memref<40x128xf32, #tpu.memory_space<hbm>>
        %dma_wait3A_187 = arith.constant 0 : i32
        %dma_wait3A_188 = arith.constant 0 : i32
        %dma_wait3A_189 = tpu.memref_slice %arg6[%run_scoped3A_165, %dma_wait3A_187, %dma_wait3A_188] : memref<5x40x128xf32, #tpu.memory_space<vmem>> -> memref<1x40x128xf32, #tpu.memory_space<vmem>>
        %dma_wait3A_190 = tpu.memref_squeeze %dma_wait3A_189 : memref<1x40x128xf32, #tpu.memory_space<vmem>> -> memref<40x128xf32, #tpu.memory_space<vmem>>
        tpu.wait_dma2 semaphore(%run_scoped3A_166 : memref<!tpu.dma_semaphore, #tpu.memory_space<semaphore_mem>>) src(%dma_wait3A_190 : memref<40x128xf32, #tpu.memory_space<vmem>>) dst(%dma_wait3A_186 : memref<40x128xf32, #tpu.memory_space<hbm>>)
        tpu.yield
      }) : () -> ()
    }
    %scan3A_7 = arith.constant 8 : i32
    return
  }
}

#map = affine_map<(d0, d1) -> (0, 0)>
#map1 = affine_map<(d0, d1) -> (0)>
module attributes {stable_mosaic.version = 14 : i64} {
  func.func @gk(%arg0: i32, %arg1: i32, %arg2: memref<10000x128xf32, #tpu.memory_space<hbm>>, %arg3: memref<57600xi32, #tpu.memory_space<hbm>>, %arg4: memref<57600x128xf32, #tpu.memory_space<hbm>>, %arg5: memref<1800xi32, #tpu.memory_space<vmem>>, %arg6: memref<5x40x128xf32, #tpu.memory_space<vmem>>, %arg7: memref<!tpu.dma_semaphore, #tpu.memory_space<semaphore_mem>>) attributes {dimension_semantics = [#tpu.dimension_semantics<core_parallel>, #tpu.dimension_semantics<subcore_parallel>], iteration_bounds = array<i64: 2, 16>, scalar_prefetch = 0 : i64, scratch_operands = 3 : i64, tpu.core_type = #tpu.core_type<sc_vector_subcore>, window_params = [{transform_indices = #map}, {transform_indices = #map1}, {transform_indices = #map}]} {
    %mul3A = arith.constant 2 : i32
    %mul3A_0 = arith.muli %arg1, %mul3A : i32
    %add3A = arith.addi %mul3A_0, %arg0 : i32
    %mul3A_1 = arith.constant 1800 : i32
    %mul3A_2 = arith.muli %add3A, %mul3A_1 : i32
    "tpu.region"() ({
      %run_scoped3A = tpu.sem_alloc : memref<!tpu.dma_semaphore, #tpu.memory_space<semaphore_mem>>
      %dma_start3A = tpu.memref_slice %arg3[%mul3A_2] : memref<57600xi32, #tpu.memory_space<hbm>> -> memref<1800xi32, #tpu.memory_space<hbm>>
      %dma_start3A_8 = tpu.memref_slice %arg3[%mul3A_2] : memref<57600xi32, #tpu.memory_space<hbm>> -> memref<1800xi32, #tpu.memory_space<hbm>>
      tpu.enqueue_dma source(%dma_start3A_8 : memref<1800xi32, #tpu.memory_space<hbm>>) target(%arg5 : memref<1800xi32, #tpu.memory_space<vmem>>) target_semaphore(%run_scoped3A : memref<!tpu.dma_semaphore, #tpu.memory_space<semaphore_mem>>)
      %dma_wait3A = tpu.memref_slice %arg3[%mul3A_2] : memref<57600xi32, #tpu.memory_space<hbm>> -> memref<1800xi32, #tpu.memory_space<hbm>>
      %dma_wait3A_9 = tpu.memref_slice %arg3[%mul3A_2] : memref<57600xi32, #tpu.memory_space<hbm>> -> memref<1800xi32, #tpu.memory_space<hbm>>
      tpu.wait_dma2 semaphore(%run_scoped3A : memref<!tpu.dma_semaphore, #tpu.memory_space<semaphore_mem>>) src(%dma_wait3A_9 : memref<1800xi32, #tpu.memory_space<hbm>>) dst(%arg5 : memref<1800xi32, #tpu.memory_space<vmem>>)
      tpu.yield
    }) : () -> ()
    %scan3A = arith.constant 0 : i32
    %scan3A_3 = arith.constant 0 : i32
    %scan3A_4 = arith.constant 9 : i32
    %scan3A_5 = arith.addi %scan3A_3, %scan3A_4 : i32
    %scan3A_6 = arith.constant 1 : i32
    scf.for %scan3A_8 = %scan3A_3 to %scan3A_5 step %scan3A_6  : i32 {
      %mul3A_9 = arith.constant 5 : i32
      %mul3A_10 = arith.muli %scan3A_8, %mul3A_9 : i32
      %add3A_11 = arith.constant 0 : i32
      %add3A_12 = arith.addi %mul3A_10, %add3A_11 : i32
      %mul3A_13 = arith.constant 40 : i32
      %mul3A_14 = arith.muli %add3A_12, %mul3A_13 : i32
      %dma_start3A = arith.constant 0 : i32
      %dma_start3A_15 = arith.constant 0 : i32
      %dma_start3A_16 = arith.constant 0 : i32
      %dma_start3A_17 = tpu.memref_slice %arg6[%dma_start3A, %dma_start3A_15, %dma_start3A_16] : memref<5x40x128xf32, #tpu.memory_space<vmem>> -> memref<1x40x128xf32, #tpu.memory_space<vmem>>
      %dma_start3A_18 = tpu.memref_squeeze %dma_start3A_17 : memref<1x40x128xf32, #tpu.memory_space<vmem>> -> memref<40x128xf32, #tpu.memory_space<vmem>>
      %dma_start3A_19 = tpu.memref_slice %arg5[%mul3A_14] : memref<1800xi32, #tpu.memory_space<vmem>> -> memref<40xi32, #tpu.memory_space<vmem>>
      %dma_start3A_20 = arith.constant 0 : i32
      %dma_start3A_21 = arith.constant 0 : i32
      %dma_start3A_22 = tpu.memref_slice %arg2[%dma_start3A_20, %dma_start3A_21] : memref<10000x128xf32, #tpu.memory_space<hbm>> -> memref<10000x128xf32, #tpu.memory_space<hbm>>
      tpu.enqueue_indirect_dma source(%dma_start3A_22 : memref<10000x128xf32, #tpu.memory_space<hbm>>) target(%dma_start3A_18 : memref<40x128xf32, #tpu.memory_space<vmem>>) offsets(%dma_start3A_19 : memref<40xi32, #tpu.memory_space<vmem>>) semaphore(%arg7 : memref<!tpu.dma_semaphore, #tpu.memory_space<semaphore_mem>>)
      %mul3A_23 = arith.constant 5 : i32
      %mul3A_24 = arith.muli %scan3A_8, %mul3A_23 : i32
      %add3A_25 = arith.constant 1 : i32
      %add3A_26 = arith.addi %mul3A_24, %add3A_25 : i32
      %mul3A_27 = arith.constant 40 : i32
      %mul3A_28 = arith.muli %add3A_26, %mul3A_27 : i32
      %dma_start3A_29 = arith.constant 1 : i32
      %dma_start3A_30 = arith.constant 0 : i32
      %dma_start3A_31 = arith.constant 0 : i32
      %dma_start3A_32 = tpu.memref_slice %arg6[%dma_start3A_29, %dma_start3A_30, %dma_start3A_31] : memref<5x40x128xf32, #tpu.memory_space<vmem>> -> memref<1x40x128xf32, #tpu.memory_space<vmem>>
      %dma_start3A_33 = tpu.memref_squeeze %dma_start3A_32 : memref<1x40x128xf32, #tpu.memory_space<vmem>> -> memref<40x128xf32, #tpu.memory_space<vmem>>
      %dma_start3A_34 = tpu.memref_slice %arg5[%mul3A_28] : memref<1800xi32, #tpu.memory_space<vmem>> -> memref<40xi32, #tpu.memory_space<vmem>>
      %dma_start3A_35 = arith.constant 0 : i32
      %dma_start3A_36 = arith.constant 0 : i32
      %dma_start3A_37 = tpu.memref_slice %arg2[%dma_start3A_35, %dma_start3A_36] : memref<10000x128xf32, #tpu.memory_space<hbm>> -> memref<10000x128xf32, #tpu.memory_space<hbm>>
      tpu.enqueue_indirect_dma source(%dma_start3A_37 : memref<10000x128xf32, #tpu.memory_space<hbm>>) target(%dma_start3A_33 : memref<40x128xf32, #tpu.memory_space<vmem>>) offsets(%dma_start3A_34 : memref<40xi32, #tpu.memory_space<vmem>>) semaphore(%arg7 : memref<!tpu.dma_semaphore, #tpu.memory_space<semaphore_mem>>)
      %mul3A_38 = arith.constant 5 : i32
      %mul3A_39 = arith.muli %scan3A_8, %mul3A_38 : i32
      %add3A_40 = arith.constant 2 : i32
      %add3A_41 = arith.addi %mul3A_39, %add3A_40 : i32
      %mul3A_42 = arith.constant 40 : i32
      %mul3A_43 = arith.muli %add3A_41, %mul3A_42 : i32
      %dma_start3A_44 = arith.constant 2 : i32
      %dma_start3A_45 = arith.constant 0 : i32
      %dma_start3A_46 = arith.constant 0 : i32
      %dma_start3A_47 = tpu.memref_slice %arg6[%dma_start3A_44, %dma_start3A_45, %dma_start3A_46] : memref<5x40x128xf32, #tpu.memory_space<vmem>> -> memref<1x40x128xf32, #tpu.memory_space<vmem>>
      %dma_start3A_48 = tpu.memref_squeeze %dma_start3A_47 : memref<1x40x128xf32, #tpu.memory_space<vmem>> -> memref<40x128xf32, #tpu.memory_space<vmem>>
      %dma_start3A_49 = tpu.memref_slice %arg5[%mul3A_43] : memref<1800xi32, #tpu.memory_space<vmem>> -> memref<40xi32, #tpu.memory_space<vmem>>
      %dma_start3A_50 = arith.constant 0 : i32
      %dma_start3A_51 = arith.constant 0 : i32
      %dma_start3A_52 = tpu.memref_slice %arg2[%dma_start3A_50, %dma_start3A_51] : memref<10000x128xf32, #tpu.memory_space<hbm>> -> memref<10000x128xf32, #tpu.memory_space<hbm>>
      tpu.enqueue_indirect_dma source(%dma_start3A_52 : memref<10000x128xf32, #tpu.memory_space<hbm>>) target(%dma_start3A_48 : memref<40x128xf32, #tpu.memory_space<vmem>>) offsets(%dma_start3A_49 : memref<40xi32, #tpu.memory_space<vmem>>) semaphore(%arg7 : memref<!tpu.dma_semaphore, #tpu.memory_space<semaphore_mem>>)
      %mul3A_53 = arith.constant 5 : i32
      %mul3A_54 = arith.muli %scan3A_8, %mul3A_53 : i32
      %add3A_55 = arith.constant 3 : i32
      %add3A_56 = arith.addi %mul3A_54, %add3A_55 : i32
      %mul3A_57 = arith.constant 40 : i32
      %mul3A_58 = arith.muli %add3A_56, %mul3A_57 : i32
      %dma_start3A_59 = arith.constant 3 : i32
      %dma_start3A_60 = arith.constant 0 : i32
      %dma_start3A_61 = arith.constant 0 : i32
      %dma_start3A_62 = tpu.memref_slice %arg6[%dma_start3A_59, %dma_start3A_60, %dma_start3A_61] : memref<5x40x128xf32, #tpu.memory_space<vmem>> -> memref<1x40x128xf32, #tpu.memory_space<vmem>>
      %dma_start3A_63 = tpu.memref_squeeze %dma_start3A_62 : memref<1x40x128xf32, #tpu.memory_space<vmem>> -> memref<40x128xf32, #tpu.memory_space<vmem>>
      %dma_start3A_64 = tpu.memref_slice %arg5[%mul3A_58] : memref<1800xi32, #tpu.memory_space<vmem>> -> memref<40xi32, #tpu.memory_space<vmem>>
      %dma_start3A_65 = arith.constant 0 : i32
      %dma_start3A_66 = arith.constant 0 : i32
      %dma_start3A_67 = tpu.memref_slice %arg2[%dma_start3A_65, %dma_start3A_66] : memref<10000x128xf32, #tpu.memory_space<hbm>> -> memref<10000x128xf32, #tpu.memory_space<hbm>>
      tpu.enqueue_indirect_dma source(%dma_start3A_67 : memref<10000x128xf32, #tpu.memory_space<hbm>>) target(%dma_start3A_63 : memref<40x128xf32, #tpu.memory_space<vmem>>) offsets(%dma_start3A_64 : memref<40xi32, #tpu.memory_space<vmem>>) semaphore(%arg7 : memref<!tpu.dma_semaphore, #tpu.memory_space<semaphore_mem>>)
      %mul3A_68 = arith.constant 5 : i32
      %mul3A_69 = arith.muli %scan3A_8, %mul3A_68 : i32
      %add3A_70 = arith.constant 4 : i32
      %add3A_71 = arith.addi %mul3A_69, %add3A_70 : i32
      %mul3A_72 = arith.constant 40 : i32
      %mul3A_73 = arith.muli %add3A_71, %mul3A_72 : i32
      %dma_start3A_74 = arith.constant 4 : i32
      %dma_start3A_75 = arith.constant 0 : i32
      %dma_start3A_76 = arith.constant 0 : i32
      %dma_start3A_77 = tpu.memref_slice %arg6[%dma_start3A_74, %dma_start3A_75, %dma_start3A_76] : memref<5x40x128xf32, #tpu.memory_space<vmem>> -> memref<1x40x128xf32, #tpu.memory_space<vmem>>
      %dma_start3A_78 = tpu.memref_squeeze %dma_start3A_77 : memref<1x40x128xf32, #tpu.memory_space<vmem>> -> memref<40x128xf32, #tpu.memory_space<vmem>>
      %dma_start3A_79 = tpu.memref_slice %arg5[%mul3A_73] : memref<1800xi32, #tpu.memory_space<vmem>> -> memref<40xi32, #tpu.memory_space<vmem>>
      %dma_start3A_80 = arith.constant 0 : i32
      %dma_start3A_81 = arith.constant 0 : i32
      %dma_start3A_82 = tpu.memref_slice %arg2[%dma_start3A_80, %dma_start3A_81] : memref<10000x128xf32, #tpu.memory_space<hbm>> -> memref<10000x128xf32, #tpu.memory_space<hbm>>
      tpu.enqueue_indirect_dma source(%dma_start3A_82 : memref<10000x128xf32, #tpu.memory_space<hbm>>) target(%dma_start3A_78 : memref<40x128xf32, #tpu.memory_space<vmem>>) offsets(%dma_start3A_79 : memref<40xi32, #tpu.memory_space<vmem>>) semaphore(%arg7 : memref<!tpu.dma_semaphore, #tpu.memory_space<semaphore_mem>>)
      %dma_wait3A = arith.constant 0 : i32
      %dma_wait3A_83 = arith.constant 0 : i32
      %dma_wait3A_84 = arith.constant 0 : i32
      %dma_wait3A_85 = tpu.memref_slice %arg6[%dma_wait3A, %dma_wait3A_83, %dma_wait3A_84] : memref<5x40x128xf32, #tpu.memory_space<vmem>> -> memref<1x40x128xf32, #tpu.memory_space<vmem>>
      %dma_wait3A_86 = tpu.memref_squeeze %dma_wait3A_85 : memref<1x40x128xf32, #tpu.memory_space<vmem>> -> memref<40x128xf32, #tpu.memory_space<vmem>>
      %dma_wait3A_87 = tpu.memref_slice %arg5[%mul3A_14] : memref<1800xi32, #tpu.memory_space<vmem>> -> memref<40xi32, #tpu.memory_space<vmem>>
      %dma_wait3A_88 = arith.constant 0 : i32
      %dma_wait3A_89 = arith.constant 0 : i32
      %dma_wait3A_90 = tpu.memref_slice %arg2[%dma_wait3A_88, %dma_wait3A_89] : memref<10000x128xf32, #tpu.memory_space<hbm>> -> memref<10000x128xf32, #tpu.memory_space<hbm>>
      tpu.wait_indirect_dma semaphore(%arg7 : memref<!tpu.dma_semaphore, #tpu.memory_space<semaphore_mem>>) src(%dma_wait3A_90 : memref<10000x128xf32, #tpu.memory_space<hbm>>) dst(%dma_wait3A_86 : memref<40x128xf32, #tpu.memory_space<vmem>>)
      %mul3A_91 = arith.constant 5 : i32
      %mul3A_92 = arith.muli %scan3A_8, %mul3A_91 : i32
      %add3A_93 = arith.constant 0 : i32
      %add3A_94 = arith.addi %mul3A_92, %add3A_93 : i32
      %mul3A_95 = arith.constant 40 : i32
      %mul3A_96 = arith.muli %add3A_94, %mul3A_95 : i32
      %add3A_97 = arith.addi %mul3A_2, %mul3A_96 : i32
      %run_scoped3A = arith.constant 0 : i32
      "tpu.region"() ({
        %run_scoped3A_166 = tpu.sem_alloc : memref<!tpu.dma_semaphore, #tpu.memory_space<semaphore_mem>>
        %dma_start3A_167 = arith.constant 0 : i32
        %dma_start3A_168 = arith.constant 0 : i32
        %dma_start3A_169 = tpu.memref_slice %arg6[%run_scoped3A, %dma_start3A_167, %dma_start3A_168] : memref<5x40x128xf32, #tpu.memory_space<vmem>> -> memref<1x40x128xf32, #tpu.memory_space<vmem>>
        %dma_start3A_170 = tpu.memref_squeeze %dma_start3A_169 : memref<1x40x128xf32, #tpu.memory_space<vmem>> -> memref<40x128xf32, #tpu.memory_space<vmem>>
        %dma_start3A_171 = arith.constant 0 : i32
        %dma_start3A_172 = tpu.memref_slice %arg4[%add3A_97, %dma_start3A_171] : memref<57600x128xf32, #tpu.memory_space<hbm>> -> memref<40x128xf32, #tpu.memory_space<hbm>>
        %dma_start3A_173 = arith.constant 0 : i32
        %dma_start3A_174 = tpu.memref_slice %arg4[%add3A_97, %dma_start3A_173] : memref<57600x128xf32, #tpu.memory_space<hbm>> -> memref<40x128xf32, #tpu.memory_space<hbm>>
        %dma_start3A_175 = arith.constant 0 : i32
        %dma_start3A_176 = arith.constant 0 : i32
        %dma_start3A_177 = tpu.memref_slice %arg6[%run_scoped3A, %dma_start3A_175, %dma_start3A_176] : memref<5x40x128xf32, #tpu.memory_space<vmem>> -> memref<1x40x128xf32, #tpu.memory_space<vmem>>
        %dma_start3A_178 = tpu.memref_squeeze %dma_start3A_177 : memref<1x40x128xf32, #tpu.memory_space<vmem>> -> memref<40x128xf32, #tpu.memory_space<vmem>>
        tpu.enqueue_dma source(%dma_start3A_178 : memref<40x128xf32, #tpu.memory_space<vmem>>) target(%dma_start3A_174 : memref<40x128xf32, #tpu.memory_space<hbm>>) target_semaphore(%run_scoped3A_166 : memref<!tpu.dma_semaphore, #tpu.memory_space<semaphore_mem>>)
        %dma_wait3A_179 = arith.constant 0 : i32
        %dma_wait3A_180 = arith.constant 0 : i32
        %dma_wait3A_181 = tpu.memref_slice %arg6[%run_scoped3A, %dma_wait3A_179, %dma_wait3A_180] : memref<5x40x128xf32, #tpu.memory_space<vmem>> -> memref<1x40x128xf32, #tpu.memory_space<vmem>>
        %dma_wait3A_182 = tpu.memref_squeeze %dma_wait3A_181 : memref<1x40x128xf32, #tpu.memory_space<vmem>> -> memref<40x128xf32, #tpu.memory_space<vmem>>
        %dma_wait3A_183 = arith.constant 0 : i32
        %dma_wait3A_184 = tpu.memref_slice %arg4[%add3A_97, %dma_wait3A_183] : memref<57600x128xf32, #tpu.memory_space<hbm>> -> memref<40x128xf32, #tpu.memory_space<hbm>>
        %dma_wait3A_185 = arith.constant 0 : i32
        %dma_wait3A_186 = tpu.memref_slice %arg4[%add3A_97, %dma_wait3A_185] : memref<57600x128xf32, #tpu.memory_space<hbm>> -> memref<40x128xf32, #tpu.memory_space<hbm>>
        %dma_wait3A_187 = arith.constant 0 : i32
        %dma_wait3A_188 = arith.constant 0 : i32
        %dma_wait3A_189 = tpu.memref_slice %arg6[%run_scoped3A, %dma_wait3A_187, %dma_wait3A_188] : memref<5x40x128xf32, #tpu.memory_space<vmem>> -> memref<1x40x128xf32, #tpu.memory_space<vmem>>
        %dma_wait3A_190 = tpu.memref_squeeze %dma_wait3A_189 : memref<1x40x128xf32, #tpu.memory_space<vmem>> -> memref<40x128xf32, #tpu.memory_space<vmem>>
        tpu.wait_dma2 semaphore(%run_scoped3A_166 : memref<!tpu.dma_semaphore, #tpu.memory_space<semaphore_mem>>) src(%dma_wait3A_190 : memref<40x128xf32, #tpu.memory_space<vmem>>) dst(%dma_wait3A_186 : memref<40x128xf32, #tpu.memory_space<hbm>>)
        tpu.yield
      }) : () -> ()
      %dma_wait3A_98 = arith.constant 1 : i32
      %dma_wait3A_99 = arith.constant 0 : i32
      %dma_wait3A_100 = arith.constant 0 : i32
      %dma_wait3A_101 = tpu.memref_slice %arg6[%dma_wait3A_98, %dma_wait3A_99, %dma_wait3A_100] : memref<5x40x128xf32, #tpu.memory_space<vmem>> -> memref<1x40x128xf32, #tpu.memory_space<vmem>>
      %dma_wait3A_102 = tpu.memref_squeeze %dma_wait3A_101 : memref<1x40x128xf32, #tpu.memory_space<vmem>> -> memref<40x128xf32, #tpu.memory_space<vmem>>
      %dma_wait3A_103 = tpu.memref_slice %arg5[%mul3A_28] : memref<1800xi32, #tpu.memory_space<vmem>> -> memref<40xi32, #tpu.memory_space<vmem>>
      %dma_wait3A_104 = arith.constant 0 : i32
      %dma_wait3A_105 = arith.constant 0 : i32
      %dma_wait3A_106 = tpu.memref_slice %arg2[%dma_wait3A_104, %dma_wait3A_105] : memref<10000x128xf32, #tpu.memory_space<hbm>> -> memref<10000x128xf32, #tpu.memory_space<hbm>>
      tpu.wait_indirect_dma semaphore(%arg7 : memref<!tpu.dma_semaphore, #tpu.memory_space<semaphore_mem>>) src(%dma_wait3A_106 : memref<10000x128xf32, #tpu.memory_space<hbm>>) dst(%dma_wait3A_102 : memref<40x128xf32, #tpu.memory_space<vmem>>)
      %mul3A_107 = arith.constant 5 : i32
      %mul3A_108 = arith.muli %scan3A_8, %mul3A_107 : i32
      %add3A_109 = arith.constant 1 : i32
      %add3A_110 = arith.addi %mul3A_108, %add3A_109 : i32
      %mul3A_111 = arith.constant 40 : i32
      %mul3A_112 = arith.muli %add3A_110, %mul3A_111 : i32
      %add3A_113 = arith.addi %mul3A_2, %mul3A_112 : i32
      %run_scoped3A_114 = arith.constant 1 : i32
      "tpu.region"() ({
        %run_scoped3A_166 = tpu.sem_alloc : memref<!tpu.dma_semaphore, #tpu.memory_space<semaphore_mem>>
        %dma_start3A_167 = arith.constant 0 : i32
        %dma_start3A_168 = arith.constant 0 : i32
        %dma_start3A_169 = tpu.memref_slice %arg6[%run_scoped3A_114, %dma_start3A_167, %dma_start3A_168] : memref<5x40x128xf32, #tpu.memory_space<vmem>> -> memref<1x40x128xf32, #tpu.memory_space<vmem>>
        %dma_start3A_170 = tpu.memref_squeeze %dma_start3A_169 : memref<1x40x128xf32, #tpu.memory_space<vmem>> -> memref<40x128xf32, #tpu.memory_space<vmem>>
        %dma_start3A_171 = arith.constant 0 : i32
        %dma_start3A_172 = tpu.memref_slice %arg4[%add3A_113, %dma_start3A_171] : memref<57600x128xf32, #tpu.memory_space<hbm>> -> memref<40x128xf32, #tpu.memory_space<hbm>>
        %dma_start3A_173 = arith.constant 0 : i32
        %dma_start3A_174 = tpu.memref_slice %arg4[%add3A_113, %dma_start3A_173] : memref<57600x128xf32, #tpu.memory_space<hbm>> -> memref<40x128xf32, #tpu.memory_space<hbm>>
        %dma_start3A_175 = arith.constant 0 : i32
        %dma_start3A_176 = arith.constant 0 : i32
        %dma_start3A_177 = tpu.memref_slice %arg6[%run_scoped3A_114, %dma_start3A_175, %dma_start3A_176] : memref<5x40x128xf32, #tpu.memory_space<vmem>> -> memref<1x40x128xf32, #tpu.memory_space<vmem>>
        %dma_start3A_178 = tpu.memref_squeeze %dma_start3A_177 : memref<1x40x128xf32, #tpu.memory_space<vmem>> -> memref<40x128xf32, #tpu.memory_space<vmem>>
        tpu.enqueue_dma source(%dma_start3A_178 : memref<40x128xf32, #tpu.memory_space<vmem>>) target(%dma_start3A_174 : memref<40x128xf32, #tpu.memory_space<hbm>>) target_semaphore(%run_scoped3A_166 : memref<!tpu.dma_semaphore, #tpu.memory_space<semaphore_mem>>)
        %dma_wait3A_179 = arith.constant 0 : i32
        %dma_wait3A_180 = arith.constant 0 : i32
        %dma_wait3A_181 = tpu.memref_slice %arg6[%run_scoped3A_114, %dma_wait3A_179, %dma_wait3A_180] : memref<5x40x128xf32, #tpu.memory_space<vmem>> -> memref<1x40x128xf32, #tpu.memory_space<vmem>>
        %dma_wait3A_182 = tpu.memref_squeeze %dma_wait3A_181 : memref<1x40x128xf32, #tpu.memory_space<vmem>> -> memref<40x128xf32, #tpu.memory_space<vmem>>
        %dma_wait3A_183 = arith.constant 0 : i32
        %dma_wait3A_184 = tpu.memref_slice %arg4[%add3A_113, %dma_wait3A_183] : memref<57600x128xf32, #tpu.memory_space<hbm>> -> memref<40x128xf32, #tpu.memory_space<hbm>>
        %dma_wait3A_185 = arith.constant 0 : i32
        %dma_wait3A_186 = tpu.memref_slice %arg4[%add3A_113, %dma_wait3A_185] : memref<57600x128xf32, #tpu.memory_space<hbm>> -> memref<40x128xf32, #tpu.memory_space<hbm>>
        %dma_wait3A_187 = arith.constant 0 : i32
        %dma_wait3A_188 = arith.constant 0 : i32
        %dma_wait3A_189 = tpu.memref_slice %arg6[%run_scoped3A_114, %dma_wait3A_187, %dma_wait3A_188] : memref<5x40x128xf32, #tpu.memory_space<vmem>> -> memref<1x40x128xf32, #tpu.memory_space<vmem>>
        %dma_wait3A_190 = tpu.memref_squeeze %dma_wait3A_189 : memref<1x40x128xf32, #tpu.memory_space<vmem>> -> memref<40x128xf32, #tpu.memory_space<vmem>>
        tpu.wait_dma2 semaphore(%run_scoped3A_166 : memref<!tpu.dma_semaphore, #tpu.memory_space<semaphore_mem>>) src(%dma_wait3A_190 : memref<40x128xf32, #tpu.memory_space<vmem>>) dst(%dma_wait3A_186 : memref<40x128xf32, #tpu.memory_space<hbm>>)
        tpu.yield
      }) : () -> ()
      %dma_wait3A_115 = arith.constant 2 : i32
      %dma_wait3A_116 = arith.constant 0 : i32
      %dma_wait3A_117 = arith.constant 0 : i32
      %dma_wait3A_118 = tpu.memref_slice %arg6[%dma_wait3A_115, %dma_wait3A_116, %dma_wait3A_117] : memref<5x40x128xf32, #tpu.memory_space<vmem>> -> memref<1x40x128xf32, #tpu.memory_space<vmem>>
      %dma_wait3A_119 = tpu.memref_squeeze %dma_wait3A_118 : memref<1x40x128xf32, #tpu.memory_space<vmem>> -> memref<40x128xf32, #tpu.memory_space<vmem>>
      %dma_wait3A_120 = tpu.memref_slice %arg5[%mul3A_43] : memref<1800xi32, #tpu.memory_space<vmem>> -> memref<40xi32, #tpu.memory_space<vmem>>
      %dma_wait3A_121 = arith.constant 0 : i32
      %dma_wait3A_122 = arith.constant 0 : i32
      %dma_wait3A_123 = tpu.memref_slice %arg2[%dma_wait3A_121, %dma_wait3A_122] : memref<10000x128xf32, #tpu.memory_space<hbm>> -> memref<10000x128xf32, #tpu.memory_space<hbm>>
      tpu.wait_indirect_dma semaphore(%arg7 : memref<!tpu.dma_semaphore, #tpu.memory_space<semaphore_mem>>) src(%dma_wait3A_123 : memref<10000x128xf32, #tpu.memory_space<hbm>>) dst(%dma_wait3A_119 : memref<40x128xf32, #tpu.memory_space<vmem>>)
      %mul3A_124 = arith.constant 5 : i32
      %mul3A_125 = arith.muli %scan3A_8, %mul3A_124 : i32
      %add3A_126 = arith.constant 2 : i32
      %add3A_127 = arith.addi %mul3A_125, %add3A_126 : i32
      %mul3A_128 = arith.constant 40 : i32
      %mul3A_129 = arith.muli %add3A_127, %mul3A_128 : i32
      %add3A_130 = arith.addi %mul3A_2, %mul3A_129 : i32
      %run_scoped3A_131 = arith.constant 2 : i32
      "tpu.region"() ({
        %run_scoped3A_166 = tpu.sem_alloc : memref<!tpu.dma_semaphore, #tpu.memory_space<semaphore_mem>>
        %dma_start3A_167 = arith.constant 0 : i32
        %dma_start3A_168 = arith.constant 0 : i32
        %dma_start3A_169 = tpu.memref_slice %arg6[%run_scoped3A_131, %dma_start3A_167, %dma_start3A_168] : memref<5x40x128xf32, #tpu.memory_space<vmem>> -> memref<1x40x128xf32, #tpu.memory_space<vmem>>
        %dma_start3A_170 = tpu.memref_squeeze %dma_start3A_169 : memref<1x40x128xf32, #tpu.memory_space<vmem>> -> memref<40x128xf32, #tpu.memory_space<vmem>>
        %dma_start3A_171 = arith.constant 0 : i32
        %dma_start3A_172 = tpu.memref_slice %arg4[%add3A_130, %dma_start3A_171] : memref<57600x128xf32, #tpu.memory_space<hbm>> -> memref<40x128xf32, #tpu.memory_space<hbm>>
        %dma_start3A_173 = arith.constant 0 : i32
        %dma_start3A_174 = tpu.memref_slice %arg4[%add3A_130, %dma_start3A_173] : memref<57600x128xf32, #tpu.memory_space<hbm>> -> memref<40x128xf32, #tpu.memory_space<hbm>>
        %dma_start3A_175 = arith.constant 0 : i32
        %dma_start3A_176 = arith.constant 0 : i32
        %dma_start3A_177 = tpu.memref_slice %arg6[%run_scoped3A_131, %dma_start3A_175, %dma_start3A_176] : memref<5x40x128xf32, #tpu.memory_space<vmem>> -> memref<1x40x128xf32, #tpu.memory_space<vmem>>
        %dma_start3A_178 = tpu.memref_squeeze %dma_start3A_177 : memref<1x40x128xf32, #tpu.memory_space<vmem>> -> memref<40x128xf32, #tpu.memory_space<vmem>>
        tpu.enqueue_dma source(%dma_start3A_178 : memref<40x128xf32, #tpu.memory_space<vmem>>) target(%dma_start3A_174 : memref<40x128xf32, #tpu.memory_space<hbm>>) target_semaphore(%run_scoped3A_166 : memref<!tpu.dma_semaphore, #tpu.memory_space<semaphore_mem>>)
        %dma_wait3A_179 = arith.constant 0 : i32
        %dma_wait3A_180 = arith.constant 0 : i32
        %dma_wait3A_181 = tpu.memref_slice %arg6[%run_scoped3A_131, %dma_wait3A_179, %dma_wait3A_180] : memref<5x40x128xf32, #tpu.memory_space<vmem>> -> memref<1x40x128xf32, #tpu.memory_space<vmem>>
        %dma_wait3A_182 = tpu.memref_squeeze %dma_wait3A_181 : memref<1x40x128xf32, #tpu.memory_space<vmem>> -> memref<40x128xf32, #tpu.memory_space<vmem>>
        %dma_wait3A_183 = arith.constant 0 : i32
        %dma_wait3A_184 = tpu.memref_slice %arg4[%add3A_130, %dma_wait3A_183] : memref<57600x128xf32, #tpu.memory_space<hbm>> -> memref<40x128xf32, #tpu.memory_space<hbm>>
        %dma_wait3A_185 = arith.constant 0 : i32
        %dma_wait3A_186 = tpu.memref_slice %arg4[%add3A_130, %dma_wait3A_185] : memref<57600x128xf32, #tpu.memory_space<hbm>> -> memref<40x128xf32, #tpu.memory_space<hbm>>
        %dma_wait3A_187 = arith.constant 0 : i32
        %dma_wait3A_188 = arith.constant 0 : i32
        %dma_wait3A_189 = tpu.memref_slice %arg6[%run_scoped3A_131, %dma_wait3A_187, %dma_wait3A_188] : memref<5x40x128xf32, #tpu.memory_space<vmem>> -> memref<1x40x128xf32, #tpu.memory_space<vmem>>
        %dma_wait3A_190 = tpu.memref_squeeze %dma_wait3A_189 : memref<1x40x128xf32, #tpu.memory_space<vmem>> -> memref<40x128xf32, #tpu.memory_space<vmem>>
        tpu.wait_dma2 semaphore(%run_scoped3A_166 : memref<!tpu.dma_semaphore, #tpu.memory_space<semaphore_mem>>) src(%dma_wait3A_190 : memref<40x128xf32, #tpu.memory_space<vmem>>) dst(%dma_wait3A_186 : memref<40x128xf32, #tpu.memory_space<hbm>>)
        tpu.yield
      }) : () -> ()
      %dma_wait3A_132 = arith.constant 3 : i32
      %dma_wait3A_133 = arith.constant 0 : i32
      %dma_wait3A_134 = arith.constant 0 : i32
      %dma_wait3A_135 = tpu.memref_slice %arg6[%dma_wait3A_132, %dma_wait3A_133, %dma_wait3A_134] : memref<5x40x128xf32, #tpu.memory_space<vmem>> -> memref<1x40x128xf32, #tpu.memory_space<vmem>>
      %dma_wait3A_136 = tpu.memref_squeeze %dma_wait3A_135 : memref<1x40x128xf32, #tpu.memory_space<vmem>> -> memref<40x128xf32, #tpu.memory_space<vmem>>
      %dma_wait3A_137 = tpu.memref_slice %arg5[%mul3A_58] : memref<1800xi32, #tpu.memory_space<vmem>> -> memref<40xi32, #tpu.memory_space<vmem>>
      %dma_wait3A_138 = arith.constant 0 : i32
      %dma_wait3A_139 = arith.constant 0 : i32
      %dma_wait3A_140 = tpu.memref_slice %arg2[%dma_wait3A_138, %dma_wait3A_139] : memref<10000x128xf32, #tpu.memory_space<hbm>> -> memref<10000x128xf32, #tpu.memory_space<hbm>>
      tpu.wait_indirect_dma semaphore(%arg7 : memref<!tpu.dma_semaphore, #tpu.memory_space<semaphore_mem>>) src(%dma_wait3A_140 : memref<10000x128xf32, #tpu.memory_space<hbm>>) dst(%dma_wait3A_136 : memref<40x128xf32, #tpu.memory_space<vmem>>)
      %mul3A_141 = arith.constant 5 : i32
      %mul3A_142 = arith.muli %scan3A_8, %mul3A_141 : i32
      %add3A_143 = arith.constant 3 : i32
      %add3A_144 = arith.addi %mul3A_142, %add3A_143 : i32
      %mul3A_145 = arith.constant 40 : i32
      %mul3A_146 = arith.muli %add3A_144, %mul3A_145 : i32
      %add3A_147 = arith.addi %mul3A_2, %mul3A_146 : i32
      %run_scoped3A_148 = arith.constant 3 : i32
      "tpu.region"() ({
        %run_scoped3A_166 = tpu.sem_alloc : memref<!tpu.dma_semaphore, #tpu.memory_space<semaphore_mem>>
        %dma_start3A_167 = arith.constant 0 : i32
        %dma_start3A_168 = arith.constant 0 : i32
        %dma_start3A_169 = tpu.memref_slice %arg6[%run_scoped3A_148, %dma_start3A_167, %dma_start3A_168] : memref<5x40x128xf32, #tpu.memory_space<vmem>> -> memref<1x40x128xf32, #tpu.memory_space<vmem>>
        %dma_start3A_170 = tpu.memref_squeeze %dma_start3A_169 : memref<1x40x128xf32, #tpu.memory_space<vmem>> -> memref<40x128xf32, #tpu.memory_space<vmem>>
        %dma_start3A_171 = arith.constant 0 : i32
        %dma_start3A_172 = tpu.memref_slice %arg4[%add3A_147, %dma_start3A_171] : memref<57600x128xf32, #tpu.memory_space<hbm>> -> memref<40x128xf32, #tpu.memory_space<hbm>>
        %dma_start3A_173 = arith.constant 0 : i32
        %dma_start3A_174 = tpu.memref_slice %arg4[%add3A_147, %dma_start3A_173] : memref<57600x128xf32, #tpu.memory_space<hbm>> -> memref<40x128xf32, #tpu.memory_space<hbm>>
        %dma_start3A_175 = arith.constant 0 : i32
        %dma_start3A_176 = arith.constant 0 : i32
        %dma_start3A_177 = tpu.memref_slice %arg6[%run_scoped3A_148, %dma_start3A_175, %dma_start3A_176] : memref<5x40x128xf32, #tpu.memory_space<vmem>> -> memref<1x40x128xf32, #tpu.memory_space<vmem>>
        %dma_start3A_178 = tpu.memref_squeeze %dma_start3A_177 : memref<1x40x128xf32, #tpu.memory_space<vmem>> -> memref<40x128xf32, #tpu.memory_space<vmem>>
        tpu.enqueue_dma source(%dma_start3A_178 : memref<40x128xf32, #tpu.memory_space<vmem>>) target(%dma_start3A_174 : memref<40x128xf32, #tpu.memory_space<hbm>>) target_semaphore(%run_scoped3A_166 : memref<!tpu.dma_semaphore, #tpu.memory_space<semaphore_mem>>)
        %dma_wait3A_179 = arith.constant 0 : i32
        %dma_wait3A_180 = arith.constant 0 : i32
        %dma_wait3A_181 = tpu.memref_slice %arg6[%run_scoped3A_148, %dma_wait3A_179, %dma_wait3A_180] : memref<5x40x128xf32, #tpu.memory_space<vmem>> -> memref<1x40x128xf32, #tpu.memory_space<vmem>>
        %dma_wait3A_182 = tpu.memref_squeeze %dma_wait3A_181 : memref<1x40x128xf32, #tpu.memory_space<vmem>> -> memref<40x128xf32, #tpu.memory_space<vmem>>
        %dma_wait3A_183 = arith.constant 0 : i32
        %dma_wait3A_184 = tpu.memref_slice %arg4[%add3A_147, %dma_wait3A_183] : memref<57600x128xf32, #tpu.memory_space<hbm>> -> memref<40x128xf32, #tpu.memory_space<hbm>>
        %dma_wait3A_185 = arith.constant 0 : i32
        %dma_wait3A_186 = tpu.memref_slice %arg4[%add3A_147, %dma_wait3A_185] : memref<57600x128xf32, #tpu.memory_space<hbm>> -> memref<40x128xf32, #tpu.memory_space<hbm>>
        %dma_wait3A_187 = arith.constant 0 : i32
        %dma_wait3A_188 = arith.constant 0 : i32
        %dma_wait3A_189 = tpu.memref_slice %arg6[%run_scoped3A_148, %dma_wait3A_187, %dma_wait3A_188] : memref<5x40x128xf32, #tpu.memory_space<vmem>> -> memref<1x40x128xf32, #tpu.memory_space<vmem>>
        %dma_wait3A_190 = tpu.memref_squeeze %dma_wait3A_189 : memref<1x40x128xf32, #tpu.memory_space<vmem>> -> memref<40x128xf32, #tpu.memory_space<vmem>>
        tpu.wait_dma2 semaphore(%run_scoped3A_166 : memref<!tpu.dma_semaphore, #tpu.memory_space<semaphore_mem>>) src(%dma_wait3A_190 : memref<40x128xf32, #tpu.memory_space<vmem>>) dst(%dma_wait3A_186 : memref<40x128xf32, #tpu.memory_space<hbm>>)
        tpu.yield
      }) : () -> ()
      %dma_wait3A_149 = arith.constant 4 : i32
      %dma_wait3A_150 = arith.constant 0 : i32
      %dma_wait3A_151 = arith.constant 0 : i32
      %dma_wait3A_152 = tpu.memref_slice %arg6[%dma_wait3A_149, %dma_wait3A_150, %dma_wait3A_151] : memref<5x40x128xf32, #tpu.memory_space<vmem>> -> memref<1x40x128xf32, #tpu.memory_space<vmem>>
      %dma_wait3A_153 = tpu.memref_squeeze %dma_wait3A_152 : memref<1x40x128xf32, #tpu.memory_space<vmem>> -> memref<40x128xf32, #tpu.memory_space<vmem>>
      %dma_wait3A_154 = tpu.memref_slice %arg5[%mul3A_73] : memref<1800xi32, #tpu.memory_space<vmem>> -> memref<40xi32, #tpu.memory_space<vmem>>
      %dma_wait3A_155 = arith.constant 0 : i32
      %dma_wait3A_156 = arith.constant 0 : i32
      %dma_wait3A_157 = tpu.memref_slice %arg2[%dma_wait3A_155, %dma_wait3A_156] : memref<10000x128xf32, #tpu.memory_space<hbm>> -> memref<10000x128xf32, #tpu.memory_space<hbm>>
      tpu.wait_indirect_dma semaphore(%arg7 : memref<!tpu.dma_semaphore, #tpu.memory_space<semaphore_mem>>) src(%dma_wait3A_157 : memref<10000x128xf32, #tpu.memory_space<hbm>>) dst(%dma_wait3A_153 : memref<40x128xf32, #tpu.memory_space<vmem>>)
      %mul3A_158 = arith.constant 5 : i32
      %mul3A_159 = arith.muli %scan3A_8, %mul3A_158 : i32
      %add3A_160 = arith.constant 4 : i32
      %add3A_161 = arith.addi %mul3A_159, %add3A_160 : i32
      %mul3A_162 = arith.constant 40 : i32
      %mul3A_163 = arith.muli %add3A_161, %mul3A_162 : i32
      %add3A_164 = arith.addi %mul3A_2, %mul3A_163 : i32
      %run_scoped3A_165 = arith.constant 4 : i32
      "tpu.region"() ({
        %run_scoped3A_166 = tpu.sem_alloc : memref<!tpu.dma_semaphore, #tpu.memory_space<semaphore_mem>>
        %dma_start3A_167 = arith.constant 0 : i32
        %dma_start3A_168 = arith.constant 0 : i32
        %dma_start3A_169 = tpu.memref_slice %arg6[%run_scoped3A_165, %dma_start3A_167, %dma_start3A_168] : memref<5x40x128xf32, #tpu.memory_space<vmem>> -> memref<1x40x128xf32, #tpu.memory_space<vmem>>
        %dma_start3A_170 = tpu.memref_squeeze %dma_start3A_169 : memref<1x40x128xf32, #tpu.memory_space<vmem>> -> memref<40x128xf32, #tpu.memory_space<vmem>>
        %dma_start3A_171 = arith.constant 0 : i32
        %dma_start3A_172 = tpu.memref_slice %arg4[%add3A_164, %dma_start3A_171] : memref<57600x128xf32, #tpu.memory_space<hbm>> -> memref<40x128xf32, #tpu.memory_space<hbm>>
        %dma_start3A_173 = arith.constant 0 : i32
        %dma_start3A_174 = tpu.memref_slice %arg4[%add3A_164, %dma_start3A_173] : memref<57600x128xf32, #tpu.memory_space<hbm>> -> memref<40x128xf32, #tpu.memory_space<hbm>>
        %dma_start3A_175 = arith.constant 0 : i32
        %dma_start3A_176 = arith.constant 0 : i32
        %dma_start3A_177 = tpu.memref_slice %arg6[%run_scoped3A_165, %dma_start3A_175, %dma_start3A_176] : memref<5x40x128xf32, #tpu.memory_space<vmem>> -> memref<1x40x128xf32, #tpu.memory_space<vmem>>
        %dma_start3A_178 = tpu.memref_squeeze %dma_start3A_177 : memref<1x40x128xf32, #tpu.memory_space<vmem>> -> memref<40x128xf32, #tpu.memory_space<vmem>>
        tpu.enqueue_dma source(%dma_start3A_178 : memref<40x128xf32, #tpu.memory_space<vmem>>) target(%dma_start3A_174 : memref<40x128xf32, #tpu.memory_space<hbm>>) target_semaphore(%run_scoped3A_166 : memref<!tpu.dma_semaphore, #tpu.memory_space<semaphore_mem>>)
        %dma_wait3A_179 = arith.constant 0 : i32
        %dma_wait3A_180 = arith.constant 0 : i32
        %dma_wait3A_181 = tpu.memref_slice %arg6[%run_scoped3A_165, %dma_wait3A_179, %dma_wait3A_180] : memref<5x40x128xf32, #tpu.memory_space<vmem>> -> memref<1x40x128xf32, #tpu.memory_space<vmem>>
        %dma_wait3A_182 = tpu.memref_squeeze %dma_wait3A_181 : memref<1x40x128xf32, #tpu.memory_space<vmem>> -> memref<40x128xf32, #tpu.memory_space<vmem>>
        %dma_wait3A_183 = arith.constant 0 : i32
        %dma_wait3A_184 = tpu.memref_slice %arg4[%add3A_164, %dma_wait3A_183] : memref<57600x128xf32, #tpu.memory_space<hbm>> -> memref<40x128xf32, #tpu.memory_space<hbm>>
        %dma_wait3A_185 = arith.constant 0 : i32
        %dma_wait3A_186 = tpu.memref_slice %arg4[%add3A_164, %dma_wait3A_185] : memref<57600x128xf32, #tpu.memory_space<hbm>> -> memref<40x128xf32, #tpu.memory_space<hbm>>
        %dma_wait3A_187 = arith.constant 0 : i32
        %dma_wait3A_188 = arith.constant 0 : i32
        %dma_wait3A_189 = tpu.memref_slice %arg6[%run_scoped3A_165, %dma_wait3A_187, %dma_wait3A_188] : memref<5x40x128xf32, #tpu.memory_space<vmem>> -> memref<1x40x128xf32, #tpu.memory_space<vmem>>
        %dma_wait3A_190 = tpu.memref_squeeze %dma_wait3A_189 : memref<1x40x128xf32, #tpu.memory_space<vmem>> -> memref<40x128xf32, #tpu.memory_space<vmem>>
        tpu.wait_dma2 semaphore(%run_scoped3A_166 : memref<!tpu.dma_semaphore, #tpu.memory_space<semaphore_mem>>) src(%dma_wait3A_190 : memref<40x128xf32, #tpu.memory_space<vmem>>) dst(%dma_wait3A_186 : memref<40x128xf32, #tpu.memory_space<hbm>>)
        tpu.yield
      }) : () -> ()
    }
    %scan3A_7 = arith.constant 9 : i32
    return
  }
}

#map = affine_map<(d0, d1) -> (0, 0)>
#map1 = affine_map<(d0, d1) -> (0)>
module attributes {stable_mosaic.version = 14 : i64} {
  func.func @gk(%arg0: i32, %arg1: i32, %arg2: memref<10000x128xf32, #tpu.memory_space<hbm>>, %arg3: memref<8192xi32, #tpu.memory_space<hbm>>, %arg4: memref<8192x128xf32, #tpu.memory_space<hbm>>, %arg5: memref<256xi32, #tpu.memory_space<vmem>>, %arg6: memref<8x32x128xf32, #tpu.memory_space<vmem>>, %arg7: memref<!tpu.dma_semaphore, #tpu.memory_space<semaphore_mem>>) attributes {dimension_semantics = [#tpu.dimension_semantics<core_parallel>, #tpu.dimension_semantics<subcore_parallel>], iteration_bounds = array<i64: 2, 16>, scalar_prefetch = 0 : i64, scratch_operands = 3 : i64, tpu.core_type = #tpu.core_type<sc_vector_subcore>, window_params = [{transform_indices = #map}, {transform_indices = #map1}, {transform_indices = #map}]} {
    %mul3A = arith.constant 2 : i32
    %mul3A_0 = arith.muli %arg1, %mul3A : i32
    %add3A = arith.addi %mul3A_0, %arg0 : i32
    %mul3A_1 = arith.constant 256 : i32
    %mul3A_2 = arith.muli %add3A, %mul3A_1 : i32
    "tpu.region"() ({
      %run_scoped3A_258 = tpu.sem_alloc : memref<!tpu.dma_semaphore, #tpu.memory_space<semaphore_mem>>
      %dma_start3A_259 = tpu.memref_slice %arg3[%mul3A_2] : memref<8192xi32, #tpu.memory_space<hbm>> -> memref<256xi32, #tpu.memory_space<hbm>>
      %dma_start3A_260 = tpu.memref_slice %arg3[%mul3A_2] : memref<8192xi32, #tpu.memory_space<hbm>> -> memref<256xi32, #tpu.memory_space<hbm>>
      tpu.enqueue_dma source(%dma_start3A_260 : memref<256xi32, #tpu.memory_space<hbm>>) target(%arg5 : memref<256xi32, #tpu.memory_space<vmem>>) target_semaphore(%run_scoped3A_258 : memref<!tpu.dma_semaphore, #tpu.memory_space<semaphore_mem>>)
      %dma_wait3A_261 = tpu.memref_slice %arg3[%mul3A_2] : memref<8192xi32, #tpu.memory_space<hbm>> -> memref<256xi32, #tpu.memory_space<hbm>>
      %dma_wait3A_262 = tpu.memref_slice %arg3[%mul3A_2] : memref<8192xi32, #tpu.memory_space<hbm>> -> memref<256xi32, #tpu.memory_space<hbm>>
      tpu.wait_dma2 semaphore(%run_scoped3A_258 : memref<!tpu.dma_semaphore, #tpu.memory_space<semaphore_mem>>) src(%dma_wait3A_262 : memref<256xi32, #tpu.memory_space<hbm>>) dst(%arg5 : memref<256xi32, #tpu.memory_space<vmem>>)
      tpu.yield
    }) : () -> ()
    %scan3A = arith.constant 0 : i32
    %scan3A_3 = arith.constant 0 : i32
    %mul3A_4 = arith.constant 8 : i32
    %mul3A_5 = arith.muli %scan3A_3, %mul3A_4 : i32
    %add3A_6 = arith.constant 0 : i32
    %add3A_7 = arith.addi %mul3A_5, %add3A_6 : i32
    %mul3A_8 = arith.constant 32 : i32
    %mul3A_9 = arith.muli %add3A_7, %mul3A_8 : i32
    %dma_start3A = arith.constant 0 : i32
    %dma_start3A_10 = arith.constant 0 : i32
    %dma_start3A_11 = arith.constant 0 : i32
    %dma_start3A_12 = tpu.memref_slice %arg6[%dma_start3A, %dma_start3A_10, %dma_start3A_11] : memref<8x32x128xf32, #tpu.memory_space<vmem>> -> memref<1x32x128xf32, #tpu.memory_space<vmem>>
    %dma_start3A_13 = tpu.memref_squeeze %dma_start3A_12 : memref<1x32x128xf32, #tpu.memory_space<vmem>> -> memref<32x128xf32, #tpu.memory_space<vmem>>
    %dma_start3A_14 = tpu.memref_slice %arg5[%mul3A_9] : memref<256xi32, #tpu.memory_space<vmem>> -> memref<32xi32, #tpu.memory_space<vmem>>
    %dma_start3A_15 = arith.constant 0 : i32
    %dma_start3A_16 = arith.constant 0 : i32
    %dma_start3A_17 = tpu.memref_slice %arg2[%dma_start3A_15, %dma_start3A_16] : memref<10000x128xf32, #tpu.memory_space<hbm>> -> memref<10000x128xf32, #tpu.memory_space<hbm>>
    tpu.enqueue_indirect_dma source(%dma_start3A_17 : memref<10000x128xf32, #tpu.memory_space<hbm>>) target(%dma_start3A_13 : memref<32x128xf32, #tpu.memory_space<vmem>>) offsets(%dma_start3A_14 : memref<32xi32, #tpu.memory_space<vmem>>) semaphore(%arg7 : memref<!tpu.dma_semaphore, #tpu.memory_space<semaphore_mem>>)
    %mul3A_18 = arith.constant 8 : i32
    %mul3A_19 = arith.muli %scan3A_3, %mul3A_18 : i32
    %add3A_20 = arith.constant 1 : i32
    %add3A_21 = arith.addi %mul3A_19, %add3A_20 : i32
    %mul3A_22 = arith.constant 32 : i32
    %mul3A_23 = arith.muli %add3A_21, %mul3A_22 : i32
    %dma_start3A_24 = arith.constant 1 : i32
    %dma_start3A_25 = arith.constant 0 : i32
    %dma_start3A_26 = arith.constant 0 : i32
    %dma_start3A_27 = tpu.memref_slice %arg6[%dma_start3A_24, %dma_start3A_25, %dma_start3A_26] : memref<8x32x128xf32, #tpu.memory_space<vmem>> -> memref<1x32x128xf32, #tpu.memory_space<vmem>>
    %dma_start3A_28 = tpu.memref_squeeze %dma_start3A_27 : memref<1x32x128xf32, #tpu.memory_space<vmem>> -> memref<32x128xf32, #tpu.memory_space<vmem>>
    %dma_start3A_29 = tpu.memref_slice %arg5[%mul3A_23] : memref<256xi32, #tpu.memory_space<vmem>> -> memref<32xi32, #tpu.memory_space<vmem>>
    %dma_start3A_30 = arith.constant 0 : i32
    %dma_start3A_31 = arith.constant 0 : i32
    %dma_start3A_32 = tpu.memref_slice %arg2[%dma_start3A_30, %dma_start3A_31] : memref<10000x128xf32, #tpu.memory_space<hbm>> -> memref<10000x128xf32, #tpu.memory_space<hbm>>
    tpu.enqueue_indirect_dma source(%dma_start3A_32 : memref<10000x128xf32, #tpu.memory_space<hbm>>) target(%dma_start3A_28 : memref<32x128xf32, #tpu.memory_space<vmem>>) offsets(%dma_start3A_29 : memref<32xi32, #tpu.memory_space<vmem>>) semaphore(%arg7 : memref<!tpu.dma_semaphore, #tpu.memory_space<semaphore_mem>>)
    %mul3A_33 = arith.constant 8 : i32
    %mul3A_34 = arith.muli %scan3A_3, %mul3A_33 : i32
    %add3A_35 = arith.constant 2 : i32
    %add3A_36 = arith.addi %mul3A_34, %add3A_35 : i32
    %mul3A_37 = arith.constant 32 : i32
    %mul3A_38 = arith.muli %add3A_36, %mul3A_37 : i32
    %dma_start3A_39 = arith.constant 2 : i32
    %dma_start3A_40 = arith.constant 0 : i32
    %dma_start3A_41 = arith.constant 0 : i32
    %dma_start3A_42 = tpu.memref_slice %arg6[%dma_start3A_39, %dma_start3A_40, %dma_start3A_41] : memref<8x32x128xf32, #tpu.memory_space<vmem>> -> memref<1x32x128xf32, #tpu.memory_space<vmem>>
    %dma_start3A_43 = tpu.memref_squeeze %dma_start3A_42 : memref<1x32x128xf32, #tpu.memory_space<vmem>> -> memref<32x128xf32, #tpu.memory_space<vmem>>
    %dma_start3A_44 = tpu.memref_slice %arg5[%mul3A_38] : memref<256xi32, #tpu.memory_space<vmem>> -> memref<32xi32, #tpu.memory_space<vmem>>
    %dma_start3A_45 = arith.constant 0 : i32
    %dma_start3A_46 = arith.constant 0 : i32
    %dma_start3A_47 = tpu.memref_slice %arg2[%dma_start3A_45, %dma_start3A_46] : memref<10000x128xf32, #tpu.memory_space<hbm>> -> memref<10000x128xf32, #tpu.memory_space<hbm>>
    tpu.enqueue_indirect_dma source(%dma_start3A_47 : memref<10000x128xf32, #tpu.memory_space<hbm>>) target(%dma_start3A_43 : memref<32x128xf32, #tpu.memory_space<vmem>>) offsets(%dma_start3A_44 : memref<32xi32, #tpu.memory_space<vmem>>) semaphore(%arg7 : memref<!tpu.dma_semaphore, #tpu.memory_space<semaphore_mem>>)
    %mul3A_48 = arith.constant 8 : i32
    %mul3A_49 = arith.muli %scan3A_3, %mul3A_48 : i32
    %add3A_50 = arith.constant 3 : i32
    %add3A_51 = arith.addi %mul3A_49, %add3A_50 : i32
    %mul3A_52 = arith.constant 32 : i32
    %mul3A_53 = arith.muli %add3A_51, %mul3A_52 : i32
    %dma_start3A_54 = arith.constant 3 : i32
    %dma_start3A_55 = arith.constant 0 : i32
    %dma_start3A_56 = arith.constant 0 : i32
    %dma_start3A_57 = tpu.memref_slice %arg6[%dma_start3A_54, %dma_start3A_55, %dma_start3A_56] : memref<8x32x128xf32, #tpu.memory_space<vmem>> -> memref<1x32x128xf32, #tpu.memory_space<vmem>>
    %dma_start3A_58 = tpu.memref_squeeze %dma_start3A_57 : memref<1x32x128xf32, #tpu.memory_space<vmem>> -> memref<32x128xf32, #tpu.memory_space<vmem>>
    %dma_start3A_59 = tpu.memref_slice %arg5[%mul3A_53] : memref<256xi32, #tpu.memory_space<vmem>> -> memref<32xi32, #tpu.memory_space<vmem>>
    %dma_start3A_60 = arith.constant 0 : i32
    %dma_start3A_61 = arith.constant 0 : i32
    %dma_start3A_62 = tpu.memref_slice %arg2[%dma_start3A_60, %dma_start3A_61] : memref<10000x128xf32, #tpu.memory_space<hbm>> -> memref<10000x128xf32, #tpu.memory_space<hbm>>
    tpu.enqueue_indirect_dma source(%dma_start3A_62 : memref<10000x128xf32, #tpu.memory_space<hbm>>) target(%dma_start3A_58 : memref<32x128xf32, #tpu.memory_space<vmem>>) offsets(%dma_start3A_59 : memref<32xi32, #tpu.memory_space<vmem>>) semaphore(%arg7 : memref<!tpu.dma_semaphore, #tpu.memory_space<semaphore_mem>>)
    %mul3A_63 = arith.constant 8 : i32
    %mul3A_64 = arith.muli %scan3A_3, %mul3A_63 : i32
    %add3A_65 = arith.constant 4 : i32
    %add3A_66 = arith.addi %mul3A_64, %add3A_65 : i32
    %mul3A_67 = arith.constant 32 : i32
    %mul3A_68 = arith.muli %add3A_66, %mul3A_67 : i32
    %dma_start3A_69 = arith.constant 4 : i32
    %dma_start3A_70 = arith.constant 0 : i32
    %dma_start3A_71 = arith.constant 0 : i32
    %dma_start3A_72 = tpu.memref_slice %arg6[%dma_start3A_69, %dma_start3A_70, %dma_start3A_71] : memref<8x32x128xf32, #tpu.memory_space<vmem>> -> memref<1x32x128xf32, #tpu.memory_space<vmem>>
    %dma_start3A_73 = tpu.memref_squeeze %dma_start3A_72 : memref<1x32x128xf32, #tpu.memory_space<vmem>> -> memref<32x128xf32, #tpu.memory_space<vmem>>
    %dma_start3A_74 = tpu.memref_slice %arg5[%mul3A_68] : memref<256xi32, #tpu.memory_space<vmem>> -> memref<32xi32, #tpu.memory_space<vmem>>
    %dma_start3A_75 = arith.constant 0 : i32
    %dma_start3A_76 = arith.constant 0 : i32
    %dma_start3A_77 = tpu.memref_slice %arg2[%dma_start3A_75, %dma_start3A_76] : memref<10000x128xf32, #tpu.memory_space<hbm>> -> memref<10000x128xf32, #tpu.memory_space<hbm>>
    tpu.enqueue_indirect_dma source(%dma_start3A_77 : memref<10000x128xf32, #tpu.memory_space<hbm>>) target(%dma_start3A_73 : memref<32x128xf32, #tpu.memory_space<vmem>>) offsets(%dma_start3A_74 : memref<32xi32, #tpu.memory_space<vmem>>) semaphore(%arg7 : memref<!tpu.dma_semaphore, #tpu.memory_space<semaphore_mem>>)
    %mul3A_78 = arith.constant 8 : i32
    %mul3A_79 = arith.muli %scan3A_3, %mul3A_78 : i32
    %add3A_80 = arith.constant 5 : i32
    %add3A_81 = arith.addi %mul3A_79, %add3A_80 : i32
    %mul3A_82 = arith.constant 32 : i32
    %mul3A_83 = arith.muli %add3A_81, %mul3A_82 : i32
    %dma_start3A_84 = arith.constant 5 : i32
    %dma_start3A_85 = arith.constant 0 : i32
    %dma_start3A_86 = arith.constant 0 : i32
    %dma_start3A_87 = tpu.memref_slice %arg6[%dma_start3A_84, %dma_start3A_85, %dma_start3A_86] : memref<8x32x128xf32, #tpu.memory_space<vmem>> -> memref<1x32x128xf32, #tpu.memory_space<vmem>>
    %dma_start3A_88 = tpu.memref_squeeze %dma_start3A_87 : memref<1x32x128xf32, #tpu.memory_space<vmem>> -> memref<32x128xf32, #tpu.memory_space<vmem>>
    %dma_start3A_89 = tpu.memref_slice %arg5[%mul3A_83] : memref<256xi32, #tpu.memory_space<vmem>> -> memref<32xi32, #tpu.memory_space<vmem>>
    %dma_start3A_90 = arith.constant 0 : i32
    %dma_start3A_91 = arith.constant 0 : i32
    %dma_start3A_92 = tpu.memref_slice %arg2[%dma_start3A_90, %dma_start3A_91] : memref<10000x128xf32, #tpu.memory_space<hbm>> -> memref<10000x128xf32, #tpu.memory_space<hbm>>
    tpu.enqueue_indirect_dma source(%dma_start3A_92 : memref<10000x128xf32, #tpu.memory_space<hbm>>) target(%dma_start3A_88 : memref<32x128xf32, #tpu.memory_space<vmem>>) offsets(%dma_start3A_89 : memref<32xi32, #tpu.memory_space<vmem>>) semaphore(%arg7 : memref<!tpu.dma_semaphore, #tpu.memory_space<semaphore_mem>>)
    %mul3A_93 = arith.constant 8 : i32
    %mul3A_94 = arith.muli %scan3A_3, %mul3A_93 : i32
    %add3A_95 = arith.constant 6 : i32
    %add3A_96 = arith.addi %mul3A_94, %add3A_95 : i32
    %mul3A_97 = arith.constant 32 : i32
    %mul3A_98 = arith.muli %add3A_96, %mul3A_97 : i32
    %dma_start3A_99 = arith.constant 6 : i32
    %dma_start3A_100 = arith.constant 0 : i32
    %dma_start3A_101 = arith.constant 0 : i32
    %dma_start3A_102 = tpu.memref_slice %arg6[%dma_start3A_99, %dma_start3A_100, %dma_start3A_101] : memref<8x32x128xf32, #tpu.memory_space<vmem>> -> memref<1x32x128xf32, #tpu.memory_space<vmem>>
    %dma_start3A_103 = tpu.memref_squeeze %dma_start3A_102 : memref<1x32x128xf32, #tpu.memory_space<vmem>> -> memref<32x128xf32, #tpu.memory_space<vmem>>
    %dma_start3A_104 = tpu.memref_slice %arg5[%mul3A_98] : memref<256xi32, #tpu.memory_space<vmem>> -> memref<32xi32, #tpu.memory_space<vmem>>
    %dma_start3A_105 = arith.constant 0 : i32
    %dma_start3A_106 = arith.constant 0 : i32
    %dma_start3A_107 = tpu.memref_slice %arg2[%dma_start3A_105, %dma_start3A_106] : memref<10000x128xf32, #tpu.memory_space<hbm>> -> memref<10000x128xf32, #tpu.memory_space<hbm>>
    tpu.enqueue_indirect_dma source(%dma_start3A_107 : memref<10000x128xf32, #tpu.memory_space<hbm>>) target(%dma_start3A_103 : memref<32x128xf32, #tpu.memory_space<vmem>>) offsets(%dma_start3A_104 : memref<32xi32, #tpu.memory_space<vmem>>) semaphore(%arg7 : memref<!tpu.dma_semaphore, #tpu.memory_space<semaphore_mem>>)
    %mul3A_108 = arith.constant 8 : i32
    %mul3A_109 = arith.muli %scan3A_3, %mul3A_108 : i32
    %add3A_110 = arith.constant 7 : i32
    %add3A_111 = arith.addi %mul3A_109, %add3A_110 : i32
    %mul3A_112 = arith.constant 32 : i32
    %mul3A_113 = arith.muli %add3A_111, %mul3A_112 : i32
    %dma_start3A_114 = arith.constant 7 : i32
    %dma_start3A_115 = arith.constant 0 : i32
    %dma_start3A_116 = arith.constant 0 : i32
    %dma_start3A_117 = tpu.memref_slice %arg6[%dma_start3A_114, %dma_start3A_115, %dma_start3A_116] : memref<8x32x128xf32, #tpu.memory_space<vmem>> -> memref<1x32x128xf32, #tpu.memory_space<vmem>>
    %dma_start3A_118 = tpu.memref_squeeze %dma_start3A_117 : memref<1x32x128xf32, #tpu.memory_space<vmem>> -> memref<32x128xf32, #tpu.memory_space<vmem>>
    %dma_start3A_119 = tpu.memref_slice %arg5[%mul3A_113] : memref<256xi32, #tpu.memory_space<vmem>> -> memref<32xi32, #tpu.memory_space<vmem>>
    %dma_start3A_120 = arith.constant 0 : i32
    %dma_start3A_121 = arith.constant 0 : i32
    %dma_start3A_122 = tpu.memref_slice %arg2[%dma_start3A_120, %dma_start3A_121] : memref<10000x128xf32, #tpu.memory_space<hbm>> -> memref<10000x128xf32, #tpu.memory_space<hbm>>
    tpu.enqueue_indirect_dma source(%dma_start3A_122 : memref<10000x128xf32, #tpu.memory_space<hbm>>) target(%dma_start3A_118 : memref<32x128xf32, #tpu.memory_space<vmem>>) offsets(%dma_start3A_119 : memref<32xi32, #tpu.memory_space<vmem>>) semaphore(%arg7 : memref<!tpu.dma_semaphore, #tpu.memory_space<semaphore_mem>>)
    %dma_wait3A = arith.constant 0 : i32
    %dma_wait3A_123 = arith.constant 0 : i32
    %dma_wait3A_124 = arith.constant 0 : i32
    %dma_wait3A_125 = tpu.memref_slice %arg6[%dma_wait3A, %dma_wait3A_123, %dma_wait3A_124] : memref<8x32x128xf32, #tpu.memory_space<vmem>> -> memref<1x32x128xf32, #tpu.memory_space<vmem>>
    %dma_wait3A_126 = tpu.memref_squeeze %dma_wait3A_125 : memref<1x32x128xf32, #tpu.memory_space<vmem>> -> memref<32x128xf32, #tpu.memory_space<vmem>>
    %dma_wait3A_127 = tpu.memref_slice %arg5[%mul3A_9] : memref<256xi32, #tpu.memory_space<vmem>> -> memref<32xi32, #tpu.memory_space<vmem>>
    %dma_wait3A_128 = arith.constant 0 : i32
    %dma_wait3A_129 = arith.constant 0 : i32
    %dma_wait3A_130 = tpu.memref_slice %arg2[%dma_wait3A_128, %dma_wait3A_129] : memref<10000x128xf32, #tpu.memory_space<hbm>> -> memref<10000x128xf32, #tpu.memory_space<hbm>>
    tpu.wait_indirect_dma semaphore(%arg7 : memref<!tpu.dma_semaphore, #tpu.memory_space<semaphore_mem>>) src(%dma_wait3A_130 : memref<10000x128xf32, #tpu.memory_space<hbm>>) dst(%dma_wait3A_126 : memref<32x128xf32, #tpu.memory_space<vmem>>)
    %mul3A_131 = arith.constant 8 : i32
    %mul3A_132 = arith.muli %scan3A_3, %mul3A_131 : i32
    %add3A_133 = arith.constant 0 : i32
    %add3A_134 = arith.addi %mul3A_132, %add3A_133 : i32
    %mul3A_135 = arith.constant 32 : i32
    %mul3A_136 = arith.muli %add3A_134, %mul3A_135 : i32
    %add3A_137 = arith.addi %mul3A_2, %mul3A_136 : i32
    %run_scoped3A = arith.constant 0 : i32
    "tpu.region"() ({
      %run_scoped3A_258 = tpu.sem_alloc : memref<!tpu.dma_semaphore, #tpu.memory_space<semaphore_mem>>
      %dma_start3A_259 = arith.constant 0 : i32
      %dma_start3A_260 = arith.constant 0 : i32
      %dma_start3A_261 = tpu.memref_slice %arg6[%run_scoped3A, %dma_start3A_259, %dma_start3A_260] : memref<8x32x128xf32, #tpu.memory_space<vmem>> -> memref<1x32x128xf32, #tpu.memory_space<vmem>>
      %dma_start3A_262 = tpu.memref_squeeze %dma_start3A_261 : memref<1x32x128xf32, #tpu.memory_space<vmem>> -> memref<32x128xf32, #tpu.memory_space<vmem>>
      %dma_start3A_263 = arith.constant 0 : i32
      %dma_start3A_264 = tpu.memref_slice %arg4[%add3A_137, %dma_start3A_263] : memref<8192x128xf32, #tpu.memory_space<hbm>> -> memref<32x128xf32, #tpu.memory_space<hbm>>
      %dma_start3A_265 = arith.constant 0 : i32
      %dma_start3A_266 = tpu.memref_slice %arg4[%add3A_137, %dma_start3A_265] : memref<8192x128xf32, #tpu.memory_space<hbm>> -> memref<32x128xf32, #tpu.memory_space<hbm>>
      %dma_start3A_267 = arith.constant 0 : i32
      %dma_start3A_268 = arith.constant 0 : i32
      %dma_start3A_269 = tpu.memref_slice %arg6[%run_scoped3A, %dma_start3A_267, %dma_start3A_268] : memref<8x32x128xf32, #tpu.memory_space<vmem>> -> memref<1x32x128xf32, #tpu.memory_space<vmem>>
      %dma_start3A_270 = tpu.memref_squeeze %dma_start3A_269 : memref<1x32x128xf32, #tpu.memory_space<vmem>> -> memref<32x128xf32, #tpu.memory_space<vmem>>
      tpu.enqueue_dma source(%dma_start3A_270 : memref<32x128xf32, #tpu.memory_space<vmem>>) target(%dma_start3A_266 : memref<32x128xf32, #tpu.memory_space<hbm>>) target_semaphore(%run_scoped3A_258 : memref<!tpu.dma_semaphore, #tpu.memory_space<semaphore_mem>>)
      %dma_wait3A_271 = arith.constant 0 : i32
      %dma_wait3A_272 = arith.constant 0 : i32
      %dma_wait3A_273 = tpu.memref_slice %arg6[%run_scoped3A, %dma_wait3A_271, %dma_wait3A_272] : memref<8x32x128xf32, #tpu.memory_space<vmem>> -> memref<1x32x128xf32, #tpu.memory_space<vmem>>
      %dma_wait3A_274 = tpu.memref_squeeze %dma_wait3A_273 : memref<1x32x128xf32, #tpu.memory_space<vmem>> -> memref<32x128xf32, #tpu.memory_space<vmem>>
      %dma_wait3A_275 = arith.constant 0 : i32
      %dma_wait3A_276 = tpu.memref_slice %arg4[%add3A_137, %dma_wait3A_275] : memref<8192x128xf32, #tpu.memory_space<hbm>> -> memref<32x128xf32, #tpu.memory_space<hbm>>
      %dma_wait3A_277 = arith.constant 0 : i32
      %dma_wait3A_278 = tpu.memref_slice %arg4[%add3A_137, %dma_wait3A_277] : memref<8192x128xf32, #tpu.memory_space<hbm>> -> memref<32x128xf32, #tpu.memory_space<hbm>>
      %dma_wait3A_279 = arith.constant 0 : i32
      %dma_wait3A_280 = arith.constant 0 : i32
      %dma_wait3A_281 = tpu.memref_slice %arg6[%run_scoped3A, %dma_wait3A_279, %dma_wait3A_280] : memref<8x32x128xf32, #tpu.memory_space<vmem>> -> memref<1x32x128xf32, #tpu.memory_space<vmem>>
      %dma_wait3A_282 = tpu.memref_squeeze %dma_wait3A_281 : memref<1x32x128xf32, #tpu.memory_space<vmem>> -> memref<32x128xf32, #tpu.memory_space<vmem>>
      tpu.wait_dma2 semaphore(%run_scoped3A_258 : memref<!tpu.dma_semaphore, #tpu.memory_space<semaphore_mem>>) src(%dma_wait3A_282 : memref<32x128xf32, #tpu.memory_space<vmem>>) dst(%dma_wait3A_278 : memref<32x128xf32, #tpu.memory_space<hbm>>)
      tpu.yield
    }) : () -> ()
    %dma_wait3A_138 = arith.constant 1 : i32
    %dma_wait3A_139 = arith.constant 0 : i32
    %dma_wait3A_140 = arith.constant 0 : i32
    %dma_wait3A_141 = tpu.memref_slice %arg6[%dma_wait3A_138, %dma_wait3A_139, %dma_wait3A_140] : memref<8x32x128xf32, #tpu.memory_space<vmem>> -> memref<1x32x128xf32, #tpu.memory_space<vmem>>
    %dma_wait3A_142 = tpu.memref_squeeze %dma_wait3A_141 : memref<1x32x128xf32, #tpu.memory_space<vmem>> -> memref<32x128xf32, #tpu.memory_space<vmem>>
    %dma_wait3A_143 = tpu.memref_slice %arg5[%mul3A_23] : memref<256xi32, #tpu.memory_space<vmem>> -> memref<32xi32, #tpu.memory_space<vmem>>
    %dma_wait3A_144 = arith.constant 0 : i32
    %dma_wait3A_145 = arith.constant 0 : i32
    %dma_wait3A_146 = tpu.memref_slice %arg2[%dma_wait3A_144, %dma_wait3A_145] : memref<10000x128xf32, #tpu.memory_space<hbm>> -> memref<10000x128xf32, #tpu.memory_space<hbm>>
    tpu.wait_indirect_dma semaphore(%arg7 : memref<!tpu.dma_semaphore, #tpu.memory_space<semaphore_mem>>) src(%dma_wait3A_146 : memref<10000x128xf32, #tpu.memory_space<hbm>>) dst(%dma_wait3A_142 : memref<32x128xf32, #tpu.memory_space<vmem>>)
    %mul3A_147 = arith.constant 8 : i32
    %mul3A_148 = arith.muli %scan3A_3, %mul3A_147 : i32
    %add3A_149 = arith.constant 1 : i32
    %add3A_150 = arith.addi %mul3A_148, %add3A_149 : i32
    %mul3A_151 = arith.constant 32 : i32
    %mul3A_152 = arith.muli %add3A_150, %mul3A_151 : i32
    %add3A_153 = arith.addi %mul3A_2, %mul3A_152 : i32
    %run_scoped3A_154 = arith.constant 1 : i32
    "tpu.region"() ({
      %run_scoped3A_258 = tpu.sem_alloc : memref<!tpu.dma_semaphore, #tpu.memory_space<semaphore_mem>>
      %dma_start3A_259 = arith.constant 0 : i32
      %dma_start3A_260 = arith.constant 0 : i32
      %dma_start3A_261 = tpu.memref_slice %arg6[%run_scoped3A_154, %dma_start3A_259, %dma_start3A_260] : memref<8x32x128xf32, #tpu.memory_space<vmem>> -> memref<1x32x128xf32, #tpu.memory_space<vmem>>
      %dma_start3A_262 = tpu.memref_squeeze %dma_start3A_261 : memref<1x32x128xf32, #tpu.memory_space<vmem>> -> memref<32x128xf32, #tpu.memory_space<vmem>>
      %dma_start3A_263 = arith.constant 0 : i32
      %dma_start3A_264 = tpu.memref_slice %arg4[%add3A_153, %dma_start3A_263] : memref<8192x128xf32, #tpu.memory_space<hbm>> -> memref<32x128xf32, #tpu.memory_space<hbm>>
      %dma_start3A_265 = arith.constant 0 : i32
      %dma_start3A_266 = tpu.memref_slice %arg4[%add3A_153, %dma_start3A_265] : memref<8192x128xf32, #tpu.memory_space<hbm>> -> memref<32x128xf32, #tpu.memory_space<hbm>>
      %dma_start3A_267 = arith.constant 0 : i32
      %dma_start3A_268 = arith.constant 0 : i32
      %dma_start3A_269 = tpu.memref_slice %arg6[%run_scoped3A_154, %dma_start3A_267, %dma_start3A_268] : memref<8x32x128xf32, #tpu.memory_space<vmem>> -> memref<1x32x128xf32, #tpu.memory_space<vmem>>
      %dma_start3A_270 = tpu.memref_squeeze %dma_start3A_269 : memref<1x32x128xf32, #tpu.memory_space<vmem>> -> memref<32x128xf32, #tpu.memory_space<vmem>>
      tpu.enqueue_dma source(%dma_start3A_270 : memref<32x128xf32, #tpu.memory_space<vmem>>) target(%dma_start3A_266 : memref<32x128xf32, #tpu.memory_space<hbm>>) target_semaphore(%run_scoped3A_258 : memref<!tpu.dma_semaphore, #tpu.memory_space<semaphore_mem>>)
      %dma_wait3A_271 = arith.constant 0 : i32
      %dma_wait3A_272 = arith.constant 0 : i32
      %dma_wait3A_273 = tpu.memref_slice %arg6[%run_scoped3A_154, %dma_wait3A_271, %dma_wait3A_272] : memref<8x32x128xf32, #tpu.memory_space<vmem>> -> memref<1x32x128xf32, #tpu.memory_space<vmem>>
      %dma_wait3A_274 = tpu.memref_squeeze %dma_wait3A_273 : memref<1x32x128xf32, #tpu.memory_space<vmem>> -> memref<32x128xf32, #tpu.memory_space<vmem>>
      %dma_wait3A_275 = arith.constant 0 : i32
      %dma_wait3A_276 = tpu.memref_slice %arg4[%add3A_153, %dma_wait3A_275] : memref<8192x128xf32, #tpu.memory_space<hbm>> -> memref<32x128xf32, #tpu.memory_space<hbm>>
      %dma_wait3A_277 = arith.constant 0 : i32
      %dma_wait3A_278 = tpu.memref_slice %arg4[%add3A_153, %dma_wait3A_277] : memref<8192x128xf32, #tpu.memory_space<hbm>> -> memref<32x128xf32, #tpu.memory_space<hbm>>
      %dma_wait3A_279 = arith.constant 0 : i32
      %dma_wait3A_280 = arith.constant 0 : i32
      %dma_wait3A_281 = tpu.memref_slice %arg6[%run_scoped3A_154, %dma_wait3A_279, %dma_wait3A_280] : memref<8x32x128xf32, #tpu.memory_space<vmem>> -> memref<1x32x128xf32, #tpu.memory_space<vmem>>
      %dma_wait3A_282 = tpu.memref_squeeze %dma_wait3A_281 : memref<1x32x128xf32, #tpu.memory_space<vmem>> -> memref<32x128xf32, #tpu.memory_space<vmem>>
      tpu.wait_dma2 semaphore(%run_scoped3A_258 : memref<!tpu.dma_semaphore, #tpu.memory_space<semaphore_mem>>) src(%dma_wait3A_282 : memref<32x128xf32, #tpu.memory_space<vmem>>) dst(%dma_wait3A_278 : memref<32x128xf32, #tpu.memory_space<hbm>>)
      tpu.yield
    }) : () -> ()
    %dma_wait3A_155 = arith.constant 2 : i32
    %dma_wait3A_156 = arith.constant 0 : i32
    %dma_wait3A_157 = arith.constant 0 : i32
    %dma_wait3A_158 = tpu.memref_slice %arg6[%dma_wait3A_155, %dma_wait3A_156, %dma_wait3A_157] : memref<8x32x128xf32, #tpu.memory_space<vmem>> -> memref<1x32x128xf32, #tpu.memory_space<vmem>>
    %dma_wait3A_159 = tpu.memref_squeeze %dma_wait3A_158 : memref<1x32x128xf32, #tpu.memory_space<vmem>> -> memref<32x128xf32, #tpu.memory_space<vmem>>
    %dma_wait3A_160 = tpu.memref_slice %arg5[%mul3A_38] : memref<256xi32, #tpu.memory_space<vmem>> -> memref<32xi32, #tpu.memory_space<vmem>>
    %dma_wait3A_161 = arith.constant 0 : i32
    %dma_wait3A_162 = arith.constant 0 : i32
    %dma_wait3A_163 = tpu.memref_slice %arg2[%dma_wait3A_161, %dma_wait3A_162] : memref<10000x128xf32, #tpu.memory_space<hbm>> -> memref<10000x128xf32, #tpu.memory_space<hbm>>
    tpu.wait_indirect_dma semaphore(%arg7 : memref<!tpu.dma_semaphore, #tpu.memory_space<semaphore_mem>>) src(%dma_wait3A_163 : memref<10000x128xf32, #tpu.memory_space<hbm>>) dst(%dma_wait3A_159 : memref<32x128xf32, #tpu.memory_space<vmem>>)
    %mul3A_164 = arith.constant 8 : i32
    %mul3A_165 = arith.muli %scan3A_3, %mul3A_164 : i32
    %add3A_166 = arith.constant 2 : i32
    %add3A_167 = arith.addi %mul3A_165, %add3A_166 : i32
    %mul3A_168 = arith.constant 32 : i32
    %mul3A_169 = arith.muli %add3A_167, %mul3A_168 : i32
    %add3A_170 = arith.addi %mul3A_2, %mul3A_169 : i32
    %run_scoped3A_171 = arith.constant 2 : i32
    "tpu.region"() ({
      %run_scoped3A_258 = tpu.sem_alloc : memref<!tpu.dma_semaphore, #tpu.memory_space<semaphore_mem>>
      %dma_start3A_259 = arith.constant 0 : i32
      %dma_start3A_260 = arith.constant 0 : i32
      %dma_start3A_261 = tpu.memref_slice %arg6[%run_scoped3A_171, %dma_start3A_259, %dma_start3A_260] : memref<8x32x128xf32, #tpu.memory_space<vmem>> -> memref<1x32x128xf32, #tpu.memory_space<vmem>>
      %dma_start3A_262 = tpu.memref_squeeze %dma_start3A_261 : memref<1x32x128xf32, #tpu.memory_space<vmem>> -> memref<32x128xf32, #tpu.memory_space<vmem>>
      %dma_start3A_263 = arith.constant 0 : i32
      %dma_start3A_264 = tpu.memref_slice %arg4[%add3A_170, %dma_start3A_263] : memref<8192x128xf32, #tpu.memory_space<hbm>> -> memref<32x128xf32, #tpu.memory_space<hbm>>
      %dma_start3A_265 = arith.constant 0 : i32
      %dma_start3A_266 = tpu.memref_slice %arg4[%add3A_170, %dma_start3A_265] : memref<8192x128xf32, #tpu.memory_space<hbm>> -> memref<32x128xf32, #tpu.memory_space<hbm>>
      %dma_start3A_267 = arith.constant 0 : i32
      %dma_start3A_268 = arith.constant 0 : i32
      %dma_start3A_269 = tpu.memref_slice %arg6[%run_scoped3A_171, %dma_start3A_267, %dma_start3A_268] : memref<8x32x128xf32, #tpu.memory_space<vmem>> -> memref<1x32x128xf32, #tpu.memory_space<vmem>>
      %dma_start3A_270 = tpu.memref_squeeze %dma_start3A_269 : memref<1x32x128xf32, #tpu.memory_space<vmem>> -> memref<32x128xf32, #tpu.memory_space<vmem>>
      tpu.enqueue_dma source(%dma_start3A_270 : memref<32x128xf32, #tpu.memory_space<vmem>>) target(%dma_start3A_266 : memref<32x128xf32, #tpu.memory_space<hbm>>) target_semaphore(%run_scoped3A_258 : memref<!tpu.dma_semaphore, #tpu.memory_space<semaphore_mem>>)
      %dma_wait3A_271 = arith.constant 0 : i32
      %dma_wait3A_272 = arith.constant 0 : i32
      %dma_wait3A_273 = tpu.memref_slice %arg6[%run_scoped3A_171, %dma_wait3A_271, %dma_wait3A_272] : memref<8x32x128xf32, #tpu.memory_space<vmem>> -> memref<1x32x128xf32, #tpu.memory_space<vmem>>
      %dma_wait3A_274 = tpu.memref_squeeze %dma_wait3A_273 : memref<1x32x128xf32, #tpu.memory_space<vmem>> -> memref<32x128xf32, #tpu.memory_space<vmem>>
      %dma_wait3A_275 = arith.constant 0 : i32
      %dma_wait3A_276 = tpu.memref_slice %arg4[%add3A_170, %dma_wait3A_275] : memref<8192x128xf32, #tpu.memory_space<hbm>> -> memref<32x128xf32, #tpu.memory_space<hbm>>
      %dma_wait3A_277 = arith.constant 0 : i32
      %dma_wait3A_278 = tpu.memref_slice %arg4[%add3A_170, %dma_wait3A_277] : memref<8192x128xf32, #tpu.memory_space<hbm>> -> memref<32x128xf32, #tpu.memory_space<hbm>>
      %dma_wait3A_279 = arith.constant 0 : i32
      %dma_wait3A_280 = arith.constant 0 : i32
      %dma_wait3A_281 = tpu.memref_slice %arg6[%run_scoped3A_171, %dma_wait3A_279, %dma_wait3A_280] : memref<8x32x128xf32, #tpu.memory_space<vmem>> -> memref<1x32x128xf32, #tpu.memory_space<vmem>>
      %dma_wait3A_282 = tpu.memref_squeeze %dma_wait3A_281 : memref<1x32x128xf32, #tpu.memory_space<vmem>> -> memref<32x128xf32, #tpu.memory_space<vmem>>
      tpu.wait_dma2 semaphore(%run_scoped3A_258 : memref<!tpu.dma_semaphore, #tpu.memory_space<semaphore_mem>>) src(%dma_wait3A_282 : memref<32x128xf32, #tpu.memory_space<vmem>>) dst(%dma_wait3A_278 : memref<32x128xf32, #tpu.memory_space<hbm>>)
      tpu.yield
    }) : () -> ()
    %dma_wait3A_172 = arith.constant 3 : i32
    %dma_wait3A_173 = arith.constant 0 : i32
    %dma_wait3A_174 = arith.constant 0 : i32
    %dma_wait3A_175 = tpu.memref_slice %arg6[%dma_wait3A_172, %dma_wait3A_173, %dma_wait3A_174] : memref<8x32x128xf32, #tpu.memory_space<vmem>> -> memref<1x32x128xf32, #tpu.memory_space<vmem>>
    %dma_wait3A_176 = tpu.memref_squeeze %dma_wait3A_175 : memref<1x32x128xf32, #tpu.memory_space<vmem>> -> memref<32x128xf32, #tpu.memory_space<vmem>>
    %dma_wait3A_177 = tpu.memref_slice %arg5[%mul3A_53] : memref<256xi32, #tpu.memory_space<vmem>> -> memref<32xi32, #tpu.memory_space<vmem>>
    %dma_wait3A_178 = arith.constant 0 : i32
    %dma_wait3A_179 = arith.constant 0 : i32
    %dma_wait3A_180 = tpu.memref_slice %arg2[%dma_wait3A_178, %dma_wait3A_179] : memref<10000x128xf32, #tpu.memory_space<hbm>> -> memref<10000x128xf32, #tpu.memory_space<hbm>>
    tpu.wait_indirect_dma semaphore(%arg7 : memref<!tpu.dma_semaphore, #tpu.memory_space<semaphore_mem>>) src(%dma_wait3A_180 : memref<10000x128xf32, #tpu.memory_space<hbm>>) dst(%dma_wait3A_176 : memref<32x128xf32, #tpu.memory_space<vmem>>)
    %mul3A_181 = arith.constant 8 : i32
    %mul3A_182 = arith.muli %scan3A_3, %mul3A_181 : i32
    %add3A_183 = arith.constant 3 : i32
    %add3A_184 = arith.addi %mul3A_182, %add3A_183 : i32
    %mul3A_185 = arith.constant 32 : i32
    %mul3A_186 = arith.muli %add3A_184, %mul3A_185 : i32
    %add3A_187 = arith.addi %mul3A_2, %mul3A_186 : i32
    %run_scoped3A_188 = arith.constant 3 : i32
    "tpu.region"() ({
      %run_scoped3A_258 = tpu.sem_alloc : memref<!tpu.dma_semaphore, #tpu.memory_space<semaphore_mem>>
      %dma_start3A_259 = arith.constant 0 : i32
      %dma_start3A_260 = arith.constant 0 : i32
      %dma_start3A_261 = tpu.memref_slice %arg6[%run_scoped3A_188, %dma_start3A_259, %dma_start3A_260] : memref<8x32x128xf32, #tpu.memory_space<vmem>> -> memref<1x32x128xf32, #tpu.memory_space<vmem>>
      %dma_start3A_262 = tpu.memref_squeeze %dma_start3A_261 : memref<1x32x128xf32, #tpu.memory_space<vmem>> -> memref<32x128xf32, #tpu.memory_space<vmem>>
      %dma_start3A_263 = arith.constant 0 : i32
      %dma_start3A_264 = tpu.memref_slice %arg4[%add3A_187, %dma_start3A_263] : memref<8192x128xf32, #tpu.memory_space<hbm>> -> memref<32x128xf32, #tpu.memory_space<hbm>>
      %dma_start3A_265 = arith.constant 0 : i32
      %dma_start3A_266 = tpu.memref_slice %arg4[%add3A_187, %dma_start3A_265] : memref<8192x128xf32, #tpu.memory_space<hbm>> -> memref<32x128xf32, #tpu.memory_space<hbm>>
      %dma_start3A_267 = arith.constant 0 : i32
      %dma_start3A_268 = arith.constant 0 : i32
      %dma_start3A_269 = tpu.memref_slice %arg6[%run_scoped3A_188, %dma_start3A_267, %dma_start3A_268] : memref<8x32x128xf32, #tpu.memory_space<vmem>> -> memref<1x32x128xf32, #tpu.memory_space<vmem>>
      %dma_start3A_270 = tpu.memref_squeeze %dma_start3A_269 : memref<1x32x128xf32, #tpu.memory_space<vmem>> -> memref<32x128xf32, #tpu.memory_space<vmem>>
      tpu.enqueue_dma source(%dma_start3A_270 : memref<32x128xf32, #tpu.memory_space<vmem>>) target(%dma_start3A_266 : memref<32x128xf32, #tpu.memory_space<hbm>>) target_semaphore(%run_scoped3A_258 : memref<!tpu.dma_semaphore, #tpu.memory_space<semaphore_mem>>)
      %dma_wait3A_271 = arith.constant 0 : i32
      %dma_wait3A_272 = arith.constant 0 : i32
      %dma_wait3A_273 = tpu.memref_slice %arg6[%run_scoped3A_188, %dma_wait3A_271, %dma_wait3A_272] : memref<8x32x128xf32, #tpu.memory_space<vmem>> -> memref<1x32x128xf32, #tpu.memory_space<vmem>>
      %dma_wait3A_274 = tpu.memref_squeeze %dma_wait3A_273 : memref<1x32x128xf32, #tpu.memory_space<vmem>> -> memref<32x128xf32, #tpu.memory_space<vmem>>
      %dma_wait3A_275 = arith.constant 0 : i32
      %dma_wait3A_276 = tpu.memref_slice %arg4[%add3A_187, %dma_wait3A_275] : memref<8192x128xf32, #tpu.memory_space<hbm>> -> memref<32x128xf32, #tpu.memory_space<hbm>>
      %dma_wait3A_277 = arith.constant 0 : i32
      %dma_wait3A_278 = tpu.memref_slice %arg4[%add3A_187, %dma_wait3A_277] : memref<8192x128xf32, #tpu.memory_space<hbm>> -> memref<32x128xf32, #tpu.memory_space<hbm>>
      %dma_wait3A_279 = arith.constant 0 : i32
      %dma_wait3A_280 = arith.constant 0 : i32
      %dma_wait3A_281 = tpu.memref_slice %arg6[%run_scoped3A_188, %dma_wait3A_279, %dma_wait3A_280] : memref<8x32x128xf32, #tpu.memory_space<vmem>> -> memref<1x32x128xf32, #tpu.memory_space<vmem>>
      %dma_wait3A_282 = tpu.memref_squeeze %dma_wait3A_281 : memref<1x32x128xf32, #tpu.memory_space<vmem>> -> memref<32x128xf32, #tpu.memory_space<vmem>>
      tpu.wait_dma2 semaphore(%run_scoped3A_258 : memref<!tpu.dma_semaphore, #tpu.memory_space<semaphore_mem>>) src(%dma_wait3A_282 : memref<32x128xf32, #tpu.memory_space<vmem>>) dst(%dma_wait3A_278 : memref<32x128xf32, #tpu.memory_space<hbm>>)
      tpu.yield
    }) : () -> ()
    %dma_wait3A_189 = arith.constant 4 : i32
    %dma_wait3A_190 = arith.constant 0 : i32
    %dma_wait3A_191 = arith.constant 0 : i32
    %dma_wait3A_192 = tpu.memref_slice %arg6[%dma_wait3A_189, %dma_wait3A_190, %dma_wait3A_191] : memref<8x32x128xf32, #tpu.memory_space<vmem>> -> memref<1x32x128xf32, #tpu.memory_space<vmem>>
    %dma_wait3A_193 = tpu.memref_squeeze %dma_wait3A_192 : memref<1x32x128xf32, #tpu.memory_space<vmem>> -> memref<32x128xf32, #tpu.memory_space<vmem>>
    %dma_wait3A_194 = tpu.memref_slice %arg5[%mul3A_68] : memref<256xi32, #tpu.memory_space<vmem>> -> memref<32xi32, #tpu.memory_space<vmem>>
    %dma_wait3A_195 = arith.constant 0 : i32
    %dma_wait3A_196 = arith.constant 0 : i32
    %dma_wait3A_197 = tpu.memref_slice %arg2[%dma_wait3A_195, %dma_wait3A_196] : memref<10000x128xf32, #tpu.memory_space<hbm>> -> memref<10000x128xf32, #tpu.memory_space<hbm>>
    tpu.wait_indirect_dma semaphore(%arg7 : memref<!tpu.dma_semaphore, #tpu.memory_space<semaphore_mem>>) src(%dma_wait3A_197 : memref<10000x128xf32, #tpu.memory_space<hbm>>) dst(%dma_wait3A_193 : memref<32x128xf32, #tpu.memory_space<vmem>>)
    %mul3A_198 = arith.constant 8 : i32
    %mul3A_199 = arith.muli %scan3A_3, %mul3A_198 : i32
    %add3A_200 = arith.constant 4 : i32
    %add3A_201 = arith.addi %mul3A_199, %add3A_200 : i32
    %mul3A_202 = arith.constant 32 : i32
    %mul3A_203 = arith.muli %add3A_201, %mul3A_202 : i32
    %add3A_204 = arith.addi %mul3A_2, %mul3A_203 : i32
    %run_scoped3A_205 = arith.constant 4 : i32
    "tpu.region"() ({
      %run_scoped3A_258 = tpu.sem_alloc : memref<!tpu.dma_semaphore, #tpu.memory_space<semaphore_mem>>
      %dma_start3A_259 = arith.constant 0 : i32
      %dma_start3A_260 = arith.constant 0 : i32
      %dma_start3A_261 = tpu.memref_slice %arg6[%run_scoped3A_205, %dma_start3A_259, %dma_start3A_260] : memref<8x32x128xf32, #tpu.memory_space<vmem>> -> memref<1x32x128xf32, #tpu.memory_space<vmem>>
      %dma_start3A_262 = tpu.memref_squeeze %dma_start3A_261 : memref<1x32x128xf32, #tpu.memory_space<vmem>> -> memref<32x128xf32, #tpu.memory_space<vmem>>
      %dma_start3A_263 = arith.constant 0 : i32
      %dma_start3A_264 = tpu.memref_slice %arg4[%add3A_204, %dma_start3A_263] : memref<8192x128xf32, #tpu.memory_space<hbm>> -> memref<32x128xf32, #tpu.memory_space<hbm>>
      %dma_start3A_265 = arith.constant 0 : i32
      %dma_start3A_266 = tpu.memref_slice %arg4[%add3A_204, %dma_start3A_265] : memref<8192x128xf32, #tpu.memory_space<hbm>> -> memref<32x128xf32, #tpu.memory_space<hbm>>
      %dma_start3A_267 = arith.constant 0 : i32
      %dma_start3A_268 = arith.constant 0 : i32
      %dma_start3A_269 = tpu.memref_slice %arg6[%run_scoped3A_205, %dma_start3A_267, %dma_start3A_268] : memref<8x32x128xf32, #tpu.memory_space<vmem>> -> memref<1x32x128xf32, #tpu.memory_space<vmem>>
      %dma_start3A_270 = tpu.memref_squeeze %dma_start3A_269 : memref<1x32x128xf32, #tpu.memory_space<vmem>> -> memref<32x128xf32, #tpu.memory_space<vmem>>
      tpu.enqueue_dma source(%dma_start3A_270 : memref<32x128xf32, #tpu.memory_space<vmem>>) target(%dma_start3A_266 : memref<32x128xf32, #tpu.memory_space<hbm>>) target_semaphore(%run_scoped3A_258 : memref<!tpu.dma_semaphore, #tpu.memory_space<semaphore_mem>>)
      %dma_wait3A_271 = arith.constant 0 : i32
      %dma_wait3A_272 = arith.constant 0 : i32
      %dma_wait3A_273 = tpu.memref_slice %arg6[%run_scoped3A_205, %dma_wait3A_271, %dma_wait3A_272] : memref<8x32x128xf32, #tpu.memory_space<vmem>> -> memref<1x32x128xf32, #tpu.memory_space<vmem>>
      %dma_wait3A_274 = tpu.memref_squeeze %dma_wait3A_273 : memref<1x32x128xf32, #tpu.memory_space<vmem>> -> memref<32x128xf32, #tpu.memory_space<vmem>>
      %dma_wait3A_275 = arith.constant 0 : i32
      %dma_wait3A_276 = tpu.memref_slice %arg4[%add3A_204, %dma_wait3A_275] : memref<8192x128xf32, #tpu.memory_space<hbm>> -> memref<32x128xf32, #tpu.memory_space<hbm>>
      %dma_wait3A_277 = arith.constant 0 : i32
      %dma_wait3A_278 = tpu.memref_slice %arg4[%add3A_204, %dma_wait3A_277] : memref<8192x128xf32, #tpu.memory_space<hbm>> -> memref<32x128xf32, #tpu.memory_space<hbm>>
      %dma_wait3A_279 = arith.constant 0 : i32
      %dma_wait3A_280 = arith.constant 0 : i32
      %dma_wait3A_281 = tpu.memref_slice %arg6[%run_scoped3A_205, %dma_wait3A_279, %dma_wait3A_280] : memref<8x32x128xf32, #tpu.memory_space<vmem>> -> memref<1x32x128xf32, #tpu.memory_space<vmem>>
      %dma_wait3A_282 = tpu.memref_squeeze %dma_wait3A_281 : memref<1x32x128xf32, #tpu.memory_space<vmem>> -> memref<32x128xf32, #tpu.memory_space<vmem>>
      tpu.wait_dma2 semaphore(%run_scoped3A_258 : memref<!tpu.dma_semaphore, #tpu.memory_space<semaphore_mem>>) src(%dma_wait3A_282 : memref<32x128xf32, #tpu.memory_space<vmem>>) dst(%dma_wait3A_278 : memref<32x128xf32, #tpu.memory_space<hbm>>)
      tpu.yield
    }) : () -> ()
    %dma_wait3A_206 = arith.constant 5 : i32
    %dma_wait3A_207 = arith.constant 0 : i32
    %dma_wait3A_208 = arith.constant 0 : i32
    %dma_wait3A_209 = tpu.memref_slice %arg6[%dma_wait3A_206, %dma_wait3A_207, %dma_wait3A_208] : memref<8x32x128xf32, #tpu.memory_space<vmem>> -> memref<1x32x128xf32, #tpu.memory_space<vmem>>
    %dma_wait3A_210 = tpu.memref_squeeze %dma_wait3A_209 : memref<1x32x128xf32, #tpu.memory_space<vmem>> -> memref<32x128xf32, #tpu.memory_space<vmem>>
    %dma_wait3A_211 = tpu.memref_slice %arg5[%mul3A_83] : memref<256xi32, #tpu.memory_space<vmem>> -> memref<32xi32, #tpu.memory_space<vmem>>
    %dma_wait3A_212 = arith.constant 0 : i32
    %dma_wait3A_213 = arith.constant 0 : i32
    %dma_wait3A_214 = tpu.memref_slice %arg2[%dma_wait3A_212, %dma_wait3A_213] : memref<10000x128xf32, #tpu.memory_space<hbm>> -> memref<10000x128xf32, #tpu.memory_space<hbm>>
    tpu.wait_indirect_dma semaphore(%arg7 : memref<!tpu.dma_semaphore, #tpu.memory_space<semaphore_mem>>) src(%dma_wait3A_214 : memref<10000x128xf32, #tpu.memory_space<hbm>>) dst(%dma_wait3A_210 : memref<32x128xf32, #tpu.memory_space<vmem>>)
    %mul3A_215 = arith.constant 8 : i32
    %mul3A_216 = arith.muli %scan3A_3, %mul3A_215 : i32
    %add3A_217 = arith.constant 5 : i32
    %add3A_218 = arith.addi %mul3A_216, %add3A_217 : i32
    %mul3A_219 = arith.constant 32 : i32
    %mul3A_220 = arith.muli %add3A_218, %mul3A_219 : i32
    %add3A_221 = arith.addi %mul3A_2, %mul3A_220 : i32
    %run_scoped3A_222 = arith.constant 5 : i32
    "tpu.region"() ({
      %run_scoped3A_258 = tpu.sem_alloc : memref<!tpu.dma_semaphore, #tpu.memory_space<semaphore_mem>>
      %dma_start3A_259 = arith.constant 0 : i32
      %dma_start3A_260 = arith.constant 0 : i32
      %dma_start3A_261 = tpu.memref_slice %arg6[%run_scoped3A_222, %dma_start3A_259, %dma_start3A_260] : memref<8x32x128xf32, #tpu.memory_space<vmem>> -> memref<1x32x128xf32, #tpu.memory_space<vmem>>
      %dma_start3A_262 = tpu.memref_squeeze %dma_start3A_261 : memref<1x32x128xf32, #tpu.memory_space<vmem>> -> memref<32x128xf32, #tpu.memory_space<vmem>>
      %dma_start3A_263 = arith.constant 0 : i32
      %dma_start3A_264 = tpu.memref_slice %arg4[%add3A_221, %dma_start3A_263] : memref<8192x128xf32, #tpu.memory_space<hbm>> -> memref<32x128xf32, #tpu.memory_space<hbm>>
      %dma_start3A_265 = arith.constant 0 : i32
      %dma_start3A_266 = tpu.memref_slice %arg4[%add3A_221, %dma_start3A_265] : memref<8192x128xf32, #tpu.memory_space<hbm>> -> memref<32x128xf32, #tpu.memory_space<hbm>>
      %dma_start3A_267 = arith.constant 0 : i32
      %dma_start3A_268 = arith.constant 0 : i32
      %dma_start3A_269 = tpu.memref_slice %arg6[%run_scoped3A_222, %dma_start3A_267, %dma_start3A_268] : memref<8x32x128xf32, #tpu.memory_space<vmem>> -> memref<1x32x128xf32, #tpu.memory_space<vmem>>
      %dma_start3A_270 = tpu.memref_squeeze %dma_start3A_269 : memref<1x32x128xf32, #tpu.memory_space<vmem>> -> memref<32x128xf32, #tpu.memory_space<vmem>>
      tpu.enqueue_dma source(%dma_start3A_270 : memref<32x128xf32, #tpu.memory_space<vmem>>) target(%dma_start3A_266 : memref<32x128xf32, #tpu.memory_space<hbm>>) target_semaphore(%run_scoped3A_258 : memref<!tpu.dma_semaphore, #tpu.memory_space<semaphore_mem>>)
      %dma_wait3A_271 = arith.constant 0 : i32
      %dma_wait3A_272 = arith.constant 0 : i32
      %dma_wait3A_273 = tpu.memref_slice %arg6[%run_scoped3A_222, %dma_wait3A_271, %dma_wait3A_272] : memref<8x32x128xf32, #tpu.memory_space<vmem>> -> memref<1x32x128xf32, #tpu.memory_space<vmem>>
      %dma_wait3A_274 = tpu.memref_squeeze %dma_wait3A_273 : memref<1x32x128xf32, #tpu.memory_space<vmem>> -> memref<32x128xf32, #tpu.memory_space<vmem>>
      %dma_wait3A_275 = arith.constant 0 : i32
      %dma_wait3A_276 = tpu.memref_slice %arg4[%add3A_221, %dma_wait3A_275] : memref<8192x128xf32, #tpu.memory_space<hbm>> -> memref<32x128xf32, #tpu.memory_space<hbm>>
      %dma_wait3A_277 = arith.constant 0 : i32
      %dma_wait3A_278 = tpu.memref_slice %arg4[%add3A_221, %dma_wait3A_277] : memref<8192x128xf32, #tpu.memory_space<hbm>> -> memref<32x128xf32, #tpu.memory_space<hbm>>
      %dma_wait3A_279 = arith.constant 0 : i32
      %dma_wait3A_280 = arith.constant 0 : i32
      %dma_wait3A_281 = tpu.memref_slice %arg6[%run_scoped3A_222, %dma_wait3A_279, %dma_wait3A_280] : memref<8x32x128xf32, #tpu.memory_space<vmem>> -> memref<1x32x128xf32, #tpu.memory_space<vmem>>
      %dma_wait3A_282 = tpu.memref_squeeze %dma_wait3A_281 : memref<1x32x128xf32, #tpu.memory_space<vmem>> -> memref<32x128xf32, #tpu.memory_space<vmem>>
      tpu.wait_dma2 semaphore(%run_scoped3A_258 : memref<!tpu.dma_semaphore, #tpu.memory_space<semaphore_mem>>) src(%dma_wait3A_282 : memref<32x128xf32, #tpu.memory_space<vmem>>) dst(%dma_wait3A_278 : memref<32x128xf32, #tpu.memory_space<hbm>>)
      tpu.yield
    }) : () -> ()
    %dma_wait3A_223 = arith.constant 6 : i32
    %dma_wait3A_224 = arith.constant 0 : i32
    %dma_wait3A_225 = arith.constant 0 : i32
    %dma_wait3A_226 = tpu.memref_slice %arg6[%dma_wait3A_223, %dma_wait3A_224, %dma_wait3A_225] : memref<8x32x128xf32, #tpu.memory_space<vmem>> -> memref<1x32x128xf32, #tpu.memory_space<vmem>>
    %dma_wait3A_227 = tpu.memref_squeeze %dma_wait3A_226 : memref<1x32x128xf32, #tpu.memory_space<vmem>> -> memref<32x128xf32, #tpu.memory_space<vmem>>
    %dma_wait3A_228 = tpu.memref_slice %arg5[%mul3A_98] : memref<256xi32, #tpu.memory_space<vmem>> -> memref<32xi32, #tpu.memory_space<vmem>>
    %dma_wait3A_229 = arith.constant 0 : i32
    %dma_wait3A_230 = arith.constant 0 : i32
    %dma_wait3A_231 = tpu.memref_slice %arg2[%dma_wait3A_229, %dma_wait3A_230] : memref<10000x128xf32, #tpu.memory_space<hbm>> -> memref<10000x128xf32, #tpu.memory_space<hbm>>
    tpu.wait_indirect_dma semaphore(%arg7 : memref<!tpu.dma_semaphore, #tpu.memory_space<semaphore_mem>>) src(%dma_wait3A_231 : memref<10000x128xf32, #tpu.memory_space<hbm>>) dst(%dma_wait3A_227 : memref<32x128xf32, #tpu.memory_space<vmem>>)
    %mul3A_232 = arith.constant 8 : i32
    %mul3A_233 = arith.muli %scan3A_3, %mul3A_232 : i32
    %add3A_234 = arith.constant 6 : i32
    %add3A_235 = arith.addi %mul3A_233, %add3A_234 : i32
    %mul3A_236 = arith.constant 32 : i32
    %mul3A_237 = arith.muli %add3A_235, %mul3A_236 : i32
    %add3A_238 = arith.addi %mul3A_2, %mul3A_237 : i32
    %run_scoped3A_239 = arith.constant 6 : i32
    "tpu.region"() ({
      %run_scoped3A_258 = tpu.sem_alloc : memref<!tpu.dma_semaphore, #tpu.memory_space<semaphore_mem>>
      %dma_start3A_259 = arith.constant 0 : i32
      %dma_start3A_260 = arith.constant 0 : i32
      %dma_start3A_261 = tpu.memref_slice %arg6[%run_scoped3A_239, %dma_start3A_259, %dma_start3A_260] : memref<8x32x128xf32, #tpu.memory_space<vmem>> -> memref<1x32x128xf32, #tpu.memory_space<vmem>>
      %dma_start3A_262 = tpu.memref_squeeze %dma_start3A_261 : memref<1x32x128xf32, #tpu.memory_space<vmem>> -> memref<32x128xf32, #tpu.memory_space<vmem>>
      %dma_start3A_263 = arith.constant 0 : i32
      %dma_start3A_264 = tpu.memref_slice %arg4[%add3A_238, %dma_start3A_263] : memref<8192x128xf32, #tpu.memory_space<hbm>> -> memref<32x128xf32, #tpu.memory_space<hbm>>
      %dma_start3A_265 = arith.constant 0 : i32
      %dma_start3A_266 = tpu.memref_slice %arg4[%add3A_238, %dma_start3A_265] : memref<8192x128xf32, #tpu.memory_space<hbm>> -> memref<32x128xf32, #tpu.memory_space<hbm>>
      %dma_start3A_267 = arith.constant 0 : i32
      %dma_start3A_268 = arith.constant 0 : i32
      %dma_start3A_269 = tpu.memref_slice %arg6[%run_scoped3A_239, %dma_start3A_267, %dma_start3A_268] : memref<8x32x128xf32, #tpu.memory_space<vmem>> -> memref<1x32x128xf32, #tpu.memory_space<vmem>>
      %dma_start3A_270 = tpu.memref_squeeze %dma_start3A_269 : memref<1x32x128xf32, #tpu.memory_space<vmem>> -> memref<32x128xf32, #tpu.memory_space<vmem>>
      tpu.enqueue_dma source(%dma_start3A_270 : memref<32x128xf32, #tpu.memory_space<vmem>>) target(%dma_start3A_266 : memref<32x128xf32, #tpu.memory_space<hbm>>) target_semaphore(%run_scoped3A_258 : memref<!tpu.dma_semaphore, #tpu.memory_space<semaphore_mem>>)
      %dma_wait3A_271 = arith.constant 0 : i32
      %dma_wait3A_272 = arith.constant 0 : i32
      %dma_wait3A_273 = tpu.memref_slice %arg6[%run_scoped3A_239, %dma_wait3A_271, %dma_wait3A_272] : memref<8x32x128xf32, #tpu.memory_space<vmem>> -> memref<1x32x128xf32, #tpu.memory_space<vmem>>
      %dma_wait3A_274 = tpu.memref_squeeze %dma_wait3A_273 : memref<1x32x128xf32, #tpu.memory_space<vmem>> -> memref<32x128xf32, #tpu.memory_space<vmem>>
      %dma_wait3A_275 = arith.constant 0 : i32
      %dma_wait3A_276 = tpu.memref_slice %arg4[%add3A_238, %dma_wait3A_275] : memref<8192x128xf32, #tpu.memory_space<hbm>> -> memref<32x128xf32, #tpu.memory_space<hbm>>
      %dma_wait3A_277 = arith.constant 0 : i32
      %dma_wait3A_278 = tpu.memref_slice %arg4[%add3A_238, %dma_wait3A_277] : memref<8192x128xf32, #tpu.memory_space<hbm>> -> memref<32x128xf32, #tpu.memory_space<hbm>>
      %dma_wait3A_279 = arith.constant 0 : i32
      %dma_wait3A_280 = arith.constant 0 : i32
      %dma_wait3A_281 = tpu.memref_slice %arg6[%run_scoped3A_239, %dma_wait3A_279, %dma_wait3A_280] : memref<8x32x128xf32, #tpu.memory_space<vmem>> -> memref<1x32x128xf32, #tpu.memory_space<vmem>>
      %dma_wait3A_282 = tpu.memref_squeeze %dma_wait3A_281 : memref<1x32x128xf32, #tpu.memory_space<vmem>> -> memref<32x128xf32, #tpu.memory_space<vmem>>
      tpu.wait_dma2 semaphore(%run_scoped3A_258 : memref<!tpu.dma_semaphore, #tpu.memory_space<semaphore_mem>>) src(%dma_wait3A_282 : memref<32x128xf32, #tpu.memory_space<vmem>>) dst(%dma_wait3A_278 : memref<32x128xf32, #tpu.memory_space<hbm>>)
      tpu.yield
    }) : () -> ()
    %dma_wait3A_240 = arith.constant 7 : i32
    %dma_wait3A_241 = arith.constant 0 : i32
    %dma_wait3A_242 = arith.constant 0 : i32
    %dma_wait3A_243 = tpu.memref_slice %arg6[%dma_wait3A_240, %dma_wait3A_241, %dma_wait3A_242] : memref<8x32x128xf32, #tpu.memory_space<vmem>> -> memref<1x32x128xf32, #tpu.memory_space<vmem>>
    %dma_wait3A_244 = tpu.memref_squeeze %dma_wait3A_243 : memref<1x32x128xf32, #tpu.memory_space<vmem>> -> memref<32x128xf32, #tpu.memory_space<vmem>>
    %dma_wait3A_245 = tpu.memref_slice %arg5[%mul3A_113] : memref<256xi32, #tpu.memory_space<vmem>> -> memref<32xi32, #tpu.memory_space<vmem>>
    %dma_wait3A_246 = arith.constant 0 : i32
    %dma_wait3A_247 = arith.constant 0 : i32
    %dma_wait3A_248 = tpu.memref_slice %arg2[%dma_wait3A_246, %dma_wait3A_247] : memref<10000x128xf32, #tpu.memory_space<hbm>> -> memref<10000x128xf32, #tpu.memory_space<hbm>>
    tpu.wait_indirect_dma semaphore(%arg7 : memref<!tpu.dma_semaphore, #tpu.memory_space<semaphore_mem>>) src(%dma_wait3A_248 : memref<10000x128xf32, #tpu.memory_space<hbm>>) dst(%dma_wait3A_244 : memref<32x128xf32, #tpu.memory_space<vmem>>)
    %mul3A_249 = arith.constant 8 : i32
    %mul3A_250 = arith.muli %scan3A_3, %mul3A_249 : i32
    %add3A_251 = arith.constant 7 : i32
    %add3A_252 = arith.addi %mul3A_250, %add3A_251 : i32
    %mul3A_253 = arith.constant 32 : i32
    %mul3A_254 = arith.muli %add3A_252, %mul3A_253 : i32
    %add3A_255 = arith.addi %mul3A_2, %mul3A_254 : i32
    %run_scoped3A_256 = arith.constant 7 : i32
    "tpu.region"() ({
      %run_scoped3A_258 = tpu.sem_alloc : memref<!tpu.dma_semaphore, #tpu.memory_space<semaphore_mem>>
      %dma_start3A_259 = arith.constant 0 : i32
      %dma_start3A_260 = arith.constant 0 : i32
      %dma_start3A_261 = tpu.memref_slice %arg6[%run_scoped3A_256, %dma_start3A_259, %dma_start3A_260] : memref<8x32x128xf32, #tpu.memory_space<vmem>> -> memref<1x32x128xf32, #tpu.memory_space<vmem>>
      %dma_start3A_262 = tpu.memref_squeeze %dma_start3A_261 : memref<1x32x128xf32, #tpu.memory_space<vmem>> -> memref<32x128xf32, #tpu.memory_space<vmem>>
      %dma_start3A_263 = arith.constant 0 : i32
      %dma_start3A_264 = tpu.memref_slice %arg4[%add3A_255, %dma_start3A_263] : memref<8192x128xf32, #tpu.memory_space<hbm>> -> memref<32x128xf32, #tpu.memory_space<hbm>>
      %dma_start3A_265 = arith.constant 0 : i32
      %dma_start3A_266 = tpu.memref_slice %arg4[%add3A_255, %dma_start3A_265] : memref<8192x128xf32, #tpu.memory_space<hbm>> -> memref<32x128xf32, #tpu.memory_space<hbm>>
      %dma_start3A_267 = arith.constant 0 : i32
      %dma_start3A_268 = arith.constant 0 : i32
      %dma_start3A_269 = tpu.memref_slice %arg6[%run_scoped3A_256, %dma_start3A_267, %dma_start3A_268] : memref<8x32x128xf32, #tpu.memory_space<vmem>> -> memref<1x32x128xf32, #tpu.memory_space<vmem>>
      %dma_start3A_270 = tpu.memref_squeeze %dma_start3A_269 : memref<1x32x128xf32, #tpu.memory_space<vmem>> -> memref<32x128xf32, #tpu.memory_space<vmem>>
      tpu.enqueue_dma source(%dma_start3A_270 : memref<32x128xf32, #tpu.memory_space<vmem>>) target(%dma_start3A_266 : memref<32x128xf32, #tpu.memory_space<hbm>>) target_semaphore(%run_scoped3A_258 : memref<!tpu.dma_semaphore, #tpu.memory_space<semaphore_mem>>)
      %dma_wait3A_271 = arith.constant 0 : i32
      %dma_wait3A_272 = arith.constant 0 : i32
      %dma_wait3A_273 = tpu.memref_slice %arg6[%run_scoped3A_256, %dma_wait3A_271, %dma_wait3A_272] : memref<8x32x128xf32, #tpu.memory_space<vmem>> -> memref<1x32x128xf32, #tpu.memory_space<vmem>>
      %dma_wait3A_274 = tpu.memref_squeeze %dma_wait3A_273 : memref<1x32x128xf32, #tpu.memory_space<vmem>> -> memref<32x128xf32, #tpu.memory_space<vmem>>
      %dma_wait3A_275 = arith.constant 0 : i32
      %dma_wait3A_276 = tpu.memref_slice %arg4[%add3A_255, %dma_wait3A_275] : memref<8192x128xf32, #tpu.memory_space<hbm>> -> memref<32x128xf32, #tpu.memory_space<hbm>>
      %dma_wait3A_277 = arith.constant 0 : i32
      %dma_wait3A_278 = tpu.memref_slice %arg4[%add3A_255, %dma_wait3A_277] : memref<8192x128xf32, #tpu.memory_space<hbm>> -> memref<32x128xf32, #tpu.memory_space<hbm>>
      %dma_wait3A_279 = arith.constant 0 : i32
      %dma_wait3A_280 = arith.constant 0 : i32
      %dma_wait3A_281 = tpu.memref_slice %arg6[%run_scoped3A_256, %dma_wait3A_279, %dma_wait3A_280] : memref<8x32x128xf32, #tpu.memory_space<vmem>> -> memref<1x32x128xf32, #tpu.memory_space<vmem>>
      %dma_wait3A_282 = tpu.memref_squeeze %dma_wait3A_281 : memref<1x32x128xf32, #tpu.memory_space<vmem>> -> memref<32x128xf32, #tpu.memory_space<vmem>>
      tpu.wait_dma2 semaphore(%run_scoped3A_258 : memref<!tpu.dma_semaphore, #tpu.memory_space<semaphore_mem>>) src(%dma_wait3A_282 : memref<32x128xf32, #tpu.memory_space<vmem>>) dst(%dma_wait3A_278 : memref<32x128xf32, #tpu.memory_space<hbm>>)
      tpu.yield
    }) : () -> ()
    %scan3A_257 = arith.constant 1 : i32
    return
  }
}

module attributes {stable_mosaic.version = 14 : i64} {
  func.func @_routing_body(%arg0: i32, %arg1: memref<3200x128xf32, #tpu.memory_space<vmem>>, %arg2: memref<200x128xf32, #tpu.memory_space<vmem>>, %arg3: memref<128x1xf32, #tpu.memory_space<vmem>>, %arg4: memref<128x4xf32, #tpu.memory_space<vmem>>, %arg5: memref<200x128xf32, #tpu.memory_space<vmem>>) attributes {dimension_semantics = [#tpu.dimension_semantics<arbitrary>], iteration_bounds = array<i64: 18>, scalar_prefetch = 0 : i64, scratch_operands = 0 : i64, tpu.core_type = #tpu.core_type<tc>, window_params = [{transform_indices = @transform_0, window_bounds = array<i64: 3200, 128>}, {transform_indices = @transform_1, window_bounds = array<i64: 200, 128>}, {pipeline_mode = #tpu.pipeline_mode<synchronous>, transform_indices = @transform_2, window_bounds = array<i64: 128, 1>}, {pipeline_mode = #tpu.pipeline_mode<synchronous>, transform_indices = @transform_3, window_bounds = array<i64: 128, 4>}, {transform_indices = @transform_4, window_bounds = array<i64: 200, 128>}]} {
    %get3A = arith.constant 0 : index
    %get3A_0 = arith.constant 0 : index
    %get3A_1 = vector.load %arg1[%get3A, %get3A_0] : memref<3200x128xf32, #tpu.memory_space<vmem>>, vector<3200x128xf32>
    %get3A_2 = arith.constant 0 : index
    %get3A_3 = arith.constant 0 : index
    %get3A_4 = vector.load %arg2[%get3A_2, %get3A_3] : memref<200x128xf32, #tpu.memory_space<vmem>>, vector<200x128xf32>
    %get3A_5 = arith.constant 0 : index
    %get3A_6 = arith.constant 0 : index
    %get3A_7 = vector.load %arg3[%get3A_5, %get3A_6] : memref<128x1xf32, #tpu.memory_space<vmem>>, vector<128x1xf32>
    %dot_general3A = arith.constant dense<0.000000e+00> : vector<3200x1xf32>
    %dot_general3A_8 = tpu.matmul %get3A_1, %get3A_7, %dot_general3A {dimension_numbers = #tpu.dot_dimension_numbers<[1], [0], [0], [1], [0, 0, 1, 1], [], []>, transpose_lhs_hint = false} : vector<3200x128xf32>, vector<128x1xf32>, vector<3200x1xf32> -> vector<3200x1xf32>
    %exp3A = math.exp %dot_general3A_8 : vector<3200x1xf32>
    %get3A_9 = arith.constant 0 : index
    %get3A_10 = arith.constant 0 : index
    %get3A_11 = vector.load %arg4[%get3A_9, %get3A_10] : memref<128x4xf32, #tpu.memory_space<vmem>>, vector<128x4xf32>
    %dot_general3A_12 = arith.constant dense<0.000000e+00> : vector<3200x4xf32>
    %dot_general3A_13 = tpu.matmul %get3A_1, %get3A_11, %dot_general3A_12 {dimension_numbers = #tpu.dot_dimension_numbers<[1], [0], [0], [1], [0, 0, 1, 1], [], []>, transpose_lhs_hint = false} : vector<3200x128xf32>, vector<128x4xf32>, vector<3200x4xf32> -> vector<3200x4xf32>
    %mul3A = vector.broadcast %exp3A : vector<3200x1xf32> to vector<3200x4xf32>
    %mul3A_14 = arith.mulf %mul3A, %dot_general3A_13 : vector<3200x4xf32>
    %get3A_15 = arith.constant 0 : index
    %get3A_16 = arith.constant 0 : index
    %get3A_17 = vector.load %arg4[%get3A_15, %get3A_16] : memref<128x4xf32, #tpu.memory_space<vmem>>, vector<128x4xf32>
    %dot_general3A_18 = arith.constant dense<0.000000e+00> : vector<3200x128xf32>
    %dot_general3A_19 = tpu.matmul %mul3A_14, %get3A_17, %dot_general3A_18 {dimension_numbers = #tpu.dot_dimension_numbers<[1], [1], [0], [0], [0, 0, 1, 0], [], []>, transpose_lhs_hint = false} : vector<3200x4xf32>, vector<128x4xf32>, vector<3200x128xf32> -> vector<3200x128xf32>
    %mul3A_20 = arith.mulf %dot_general3A_19, %get3A_1 : vector<3200x128xf32>
    %reshape3A = vector.shape_cast %mul3A_20 : vector<3200x128xf32> to vector<200x16x128xf32>
    %reduce_sum3A = arith.constant dense<0.000000e+00> : vector<200x128xf32>
    %reduce_sum3A_21 = vector.multi_reduction <add>, %reshape3A, %reduce_sum3A [1] : vector<200x16x128xf32> to vector<200x128xf32>
    %reshape3A_22 = vector.shape_cast %exp3A : vector<3200x1xf32> to vector<200x16xf32>
    %reduce_sum3A_23 = arith.constant dense<0.000000e+00> : vector<200xf32>
    %reduce_sum3A_24 = vector.multi_reduction <add>, %reshape3A_22, %reduce_sum3A_23 [1] : vector<200x16xf32> to vector<200xf32>
    %broadcast_in_dim3A = vector.shape_cast %reduce_sum3A_24 : vector<200xf32> to vector<200x1xf32>
    %div3A = vector.broadcast %broadcast_in_dim3A : vector<200x1xf32> to vector<200x128xf32>
    %div3A_25 = arith.divf %reduce_sum3A_21, %div3A : vector<200x128xf32>
    %mul3A_26 = arith.constant 1.000000e+00 : f32
    %mul3A_27 = vector.broadcast %mul3A_26 : f32 to vector<200x128xf32>
    %mul3A_28 = arith.mulf %mul3A_27, %div3A_25 : vector<200x128xf32>
    %add3A = arith.addf %get3A_4, %mul3A_28 : vector<200x128xf32>
    %swap3A = arith.constant 0 : index
    %swap3A_29 = arith.constant 0 : index
    %swap3A_30 = vector.load %arg5[%swap3A, %swap3A_29] : memref<200x128xf32, #tpu.memory_space<vmem>>, vector<200x128xf32>
    tpu.vector_store %arg5[%swap3A, %swap3A_29], %add3A {strides = array<i32>} : memref<200x128xf32, #tpu.memory_space<vmem>>, vector<200x128xf32>,
    return
  }
  func.func @transform_0(%arg0: i32) -> (i32, i32) {
    %c0_i32 = arith.constant 0 : i32
    %c0_i32_0 = arith.constant 0 : i32
    return %arg0, %c0_i32 : i32, i32
  }
  func.func @transform_1(%arg0: i32) -> (i32, i32) {
    %c0_i32 = arith.constant 0 : i32
    %c0_i32_0 = arith.constant 0 : i32
    return %arg0, %c0_i32 : i32, i32
  }
  func.func @transform_2(%arg0: i32) -> (i32, i32) {
    %c0_i32 = arith.constant 0 : i32
    %c0_i32_0 = arith.constant 0 : i32
    %c0_i32_1 = arith.constant 0 : i32
    return %c0_i32, %c0_i32_0 : i32, i32
  }
  func.func @transform_3(%arg0: i32) -> (i32, i32) {
    %c0_i32 = arith.constant 0 : i32
    %c0_i32_0 = arith.constant 0 : i32
    %c0_i32_1 = arith.constant 0 : i32
    return %c0_i32, %c0_i32_0 : i32, i32
  }
  func.func @transform_4(%arg0: i32) -> (i32, i32) {
    %c0_i32 = arith.constant 0 : i32
    %c0_i32_0 = arith.constant 0 : i32
    return %arg0, %c0_i32 : i32, i32
  }
}

module attributes {stable_mosaic.version = 14 : i64} {
  func.func @_routing_body(%arg0: i32, %arg1: memref<3200x128xf32, #tpu.memory_space<vmem>>, %arg2: memref<200x128xf32, #tpu.memory_space<vmem>>, %arg3: memref<128x1xf32, #tpu.memory_space<vmem>>, %arg4: memref<128x4xf32, #tpu.memory_space<vmem>>, %arg5: memref<200x128xf32, #tpu.memory_space<vmem>>) attributes {dimension_semantics = [#tpu.dimension_semantics<arbitrary>], iteration_bounds = array<i64: 16>, scalar_prefetch = 0 : i64, scratch_operands = 0 : i64, tpu.core_type = #tpu.core_type<tc>, window_params = [{transform_indices = @transform_0, window_bounds = array<i64: 3200, 128>}, {transform_indices = @transform_1, window_bounds = array<i64: 200, 128>}, {pipeline_mode = #tpu.pipeline_mode<synchronous>, transform_indices = @transform_2, window_bounds = array<i64: 128, 1>}, {pipeline_mode = #tpu.pipeline_mode<synchronous>, transform_indices = @transform_3, window_bounds = array<i64: 128, 4>}, {transform_indices = @transform_4, window_bounds = array<i64: 200, 128>}]} {
    %get3A = arith.constant 0 : index
    %get3A_0 = arith.constant 0 : index
    %get3A_1 = vector.load %arg1[%get3A, %get3A_0] : memref<3200x128xf32, #tpu.memory_space<vmem>>, vector<3200x128xf32>
    %get3A_2 = arith.constant 0 : index
    %get3A_3 = arith.constant 0 : index
    %get3A_4 = vector.load %arg2[%get3A_2, %get3A_3] : memref<200x128xf32, #tpu.memory_space<vmem>>, vector<200x128xf32>
    %get3A_5 = arith.constant 0 : index
    %get3A_6 = arith.constant 0 : index
    %get3A_7 = vector.load %arg3[%get3A_5, %get3A_6] : memref<128x1xf32, #tpu.memory_space<vmem>>, vector<128x1xf32>
    %dot_general3A = arith.constant dense<0.000000e+00> : vector<3200x1xf32>
    %dot_general3A_8 = tpu.matmul %get3A_1, %get3A_7, %dot_general3A {dimension_numbers = #tpu.dot_dimension_numbers<[1], [0], [0], [1], [0, 0, 1, 1], [], []>, transpose_lhs_hint = false} : vector<3200x128xf32>, vector<128x1xf32>, vector<3200x1xf32> -> vector<3200x1xf32>
    %exp3A = math.exp %dot_general3A_8 : vector<3200x1xf32>
    %get3A_9 = arith.constant 0 : index
    %get3A_10 = arith.constant 0 : index
    %get3A_11 = vector.load %arg4[%get3A_9, %get3A_10] : memref<128x4xf32, #tpu.memory_space<vmem>>, vector<128x4xf32>
    %dot_general3A_12 = arith.constant dense<0.000000e+00> : vector<3200x4xf32>
    %dot_general3A_13 = tpu.matmul %get3A_1, %get3A_11, %dot_general3A_12 {dimension_numbers = #tpu.dot_dimension_numbers<[1], [0], [0], [1], [0, 0, 1, 1], [], []>, transpose_lhs_hint = false} : vector<3200x128xf32>, vector<128x4xf32>, vector<3200x4xf32> -> vector<3200x4xf32>
    %mul3A = vector.broadcast %exp3A : vector<3200x1xf32> to vector<3200x4xf32>
    %mul3A_14 = arith.mulf %mul3A, %dot_general3A_13 : vector<3200x4xf32>
    %get3A_15 = arith.constant 0 : index
    %get3A_16 = arith.constant 0 : index
    %get3A_17 = vector.load %arg4[%get3A_15, %get3A_16] : memref<128x4xf32, #tpu.memory_space<vmem>>, vector<128x4xf32>
    %dot_general3A_18 = arith.constant dense<0.000000e+00> : vector<3200x128xf32>
    %dot_general3A_19 = tpu.matmul %mul3A_14, %get3A_17, %dot_general3A_18 {dimension_numbers = #tpu.dot_dimension_numbers<[1], [1], [0], [0], [0, 0, 1, 0], [], []>, transpose_lhs_hint = false} : vector<3200x4xf32>, vector<128x4xf32>, vector<3200x128xf32> -> vector<3200x128xf32>
    %mul3A_20 = arith.mulf %dot_general3A_19, %get3A_1 : vector<3200x128xf32>
    %reshape3A = vector.shape_cast %mul3A_20 : vector<3200x128xf32> to vector<200x16x128xf32>
    %reduce_sum3A = arith.constant dense<0.000000e+00> : vector<200x128xf32>
    %reduce_sum3A_21 = vector.multi_reduction <add>, %reshape3A, %reduce_sum3A [1] : vector<200x16x128xf32> to vector<200x128xf32>
    %reshape3A_22 = vector.shape_cast %exp3A : vector<3200x1xf32> to vector<200x16xf32>
    %reduce_sum3A_23 = arith.constant dense<0.000000e+00> : vector<200xf32>
    %reduce_sum3A_24 = vector.multi_reduction <add>, %reshape3A_22, %reduce_sum3A_23 [1] : vector<200x16xf32> to vector<200xf32>
    %broadcast_in_dim3A = vector.shape_cast %reduce_sum3A_24 : vector<200xf32> to vector<200x1xf32>
    %div3A = vector.broadcast %broadcast_in_dim3A : vector<200x1xf32> to vector<200x128xf32>
    %div3A_25 = arith.divf %reduce_sum3A_21, %div3A : vector<200x128xf32>
    %mul3A_26 = arith.constant 1.000000e+00 : f32
    %mul3A_27 = vector.broadcast %mul3A_26 : f32 to vector<200x128xf32>
    %mul3A_28 = arith.mulf %mul3A_27, %div3A_25 : vector<200x128xf32>
    %add3A = arith.addf %get3A_4, %mul3A_28 : vector<200x128xf32>
    %swap3A = arith.constant 0 : index
    %swap3A_29 = arith.constant 0 : index
    %swap3A_30 = vector.load %arg5[%swap3A, %swap3A_29] : memref<200x128xf32, #tpu.memory_space<vmem>>, vector<200x128xf32>
    tpu.vector_store %arg5[%swap3A, %swap3A_29], %add3A {strides = array<i32>} : memref<200x128xf32, #tpu.memory_space<vmem>>, vector<200x128xf32>,
    return
  }
  func.func @transform_0(%arg0: i32) -> (i32, i32) {
    %c0_i32 = arith.constant 0 : i32
    %c0_i32_0 = arith.constant 0 : i32
    return %arg0, %c0_i32 : i32, i32
  }
  func.func @transform_1(%arg0: i32) -> (i32, i32) {
    %c0_i32 = arith.constant 0 : i32
    %c0_i32_0 = arith.constant 0 : i32
    return %arg0, %c0_i32 : i32, i32
  }
  func.func @transform_2(%arg0: i32) -> (i32, i32) {
    %c0_i32 = arith.constant 0 : i32
    %c0_i32_0 = arith.constant 0 : i32
    %c0_i32_1 = arith.constant 0 : i32
    return %c0_i32, %c0_i32_0 : i32, i32
  }
  func.func @transform_3(%arg0: i32) -> (i32, i32) {
    %c0_i32 = arith.constant 0 : i32
    %c0_i32_0 = arith.constant 0 : i32
    %c0_i32_1 = arith.constant 0 : i32
    return %c0_i32, %c0_i32_0 : i32, i32
  }
  func.func @transform_4(%arg0: i32) -> (i32, i32) {
    %c0_i32 = arith.constant 0 : i32
    %c0_i32_0 = arith.constant 0 : i32
    return %arg0, %c0_i32 : i32, i32
  }
}

module attributes {stable_mosaic.version = 14 : i64} {
  func.func @_kl_body(%arg0: i32, %arg1: memref<200x128xf32, #tpu.memory_space<vmem>>, %arg2: memref<5000x128xf32, #tpu.memory_space<vmem>>, %arg3: memref<200x5000xf32, #tpu.memory_space<vmem>>, %arg4: memref<1x1xf32, #tpu.memory_space<vmem>>) attributes {dimension_semantics = [#tpu.dimension_semantics<arbitrary>], iteration_bounds = array<i64: 25>, scalar_prefetch = 0 : i64, scratch_operands = 0 : i64, tpu.core_type = #tpu.core_type<tc>, window_params = [{transform_indices = @transform_0, window_bounds = array<i64: 200, 128>}, {pipeline_mode = #tpu.pipeline_mode<synchronous>, transform_indices = @transform_1, window_bounds = array<i64: 5000, 128>}, {transform_indices = @transform_2, window_bounds = array<i64: 200, 5000>}, {pipeline_mode = #tpu.pipeline_mode<synchronous>, transform_indices = @transform_3, window_bounds = array<i64: 1, 1>}]} {
    %get3A = arith.constant 0 : index
    %get3A_0 = arith.constant 0 : index
    %get3A_1 = vector.load %arg1[%get3A, %get3A_0] : memref<200x128xf32, #tpu.memory_space<vmem>>, vector<200x128xf32>
    %get3A_2 = arith.constant 0 : index
    %get3A_3 = arith.constant 0 : index
    %get3A_4 = vector.load %arg2[%get3A_2, %get3A_3] : memref<5000x128xf32, #tpu.memory_space<vmem>>, vector<5000x128xf32>
    %get3A_5 = arith.constant 0 : index
    %get3A_6 = arith.constant 0 : index
    %get3A_7 = vector.load %arg3[%get3A_5, %get3A_6] : memref<200x5000xf32, #tpu.memory_space<vmem>>, vector<200x5000xf32>
    %dot_general3A = arith.constant dense<0.000000e+00> : vector<200x5000xf32>
    %dot_general3A_8 = tpu.matmul %get3A_1, %get3A_4, %dot_general3A {dimension_numbers = #tpu.dot_dimension_numbers<[1], [1], [0], [0], [0, 0, 1, 0], [], []>, transpose_lhs_hint = false} : vector<200x128xf32>, vector<5000x128xf32>, vector<200x5000xf32> -> vector<200x5000xf32>
    %mul3A = arith.constant 5.000000e-01 : f32
    %mul3A_9 = vector.broadcast %mul3A : f32 to vector<200x5000xf32>
    %mul3A_10 = arith.mulf %mul3A_9, %dot_general3A_8 : vector<200x5000xf32>
    %tanh3A = math.tanh %mul3A_10 : vector<200x5000xf32>
    %mul3A_11 = arith.constant 5.000000e-01 : f32
    %mul3A_12 = vector.broadcast %mul3A_11 : f32 to vector<200x5000xf32>
    %mul3A_13 = arith.mulf %mul3A_12, %tanh3A : vector<200x5000xf32>
    %exp3A = math.exp %mul3A_13 : vector<200x5000xf32>
    %reduce_sum3A = arith.constant dense<0.000000e+00> : vector<200xf32>
    %reduce_sum3A_14 = vector.multi_reduction <add>, %exp3A, %reduce_sum3A [1] : vector<200x5000xf32> to vector<200xf32>
    %broadcast_in_dim3A = vector.shape_cast %reduce_sum3A_14 : vector<200xf32> to vector<200x1xf32>
    %log3A = math.log %broadcast_in_dim3A : vector<200x1xf32>
    %add3A = arith.constant 5.000000e-01 : f32
    %add3A_15 = vector.broadcast %add3A : f32 to vector<200x1xf32>
    %add3A_16 = arith.addf %add3A_15, %log3A : vector<200x1xf32>
    %reduce_sum3A_17 = arith.constant dense<0.000000e+00> : vector<200xf32>
    %reduce_sum3A_18 = vector.multi_reduction <add>, %get3A_7, %reduce_sum3A_17 [1] : vector<200x5000xf32> to vector<200xf32>
    %broadcast_in_dim3A_19 = vector.shape_cast %reduce_sum3A_18 : vector<200xf32> to vector<200x1xf32>
    %div3A = vector.broadcast %broadcast_in_dim3A_19 : vector<200x1xf32> to vector<200x5000xf32>
    %div3A_20 = arith.divf %get3A_7, %div3A : vector<200x5000xf32>
    %exp3A_21 = math.exp %div3A_20 : vector<200x5000xf32>
    %reduce_sum3A_22 = arith.constant dense<0.000000e+00> : vector<200xf32>
    %reduce_sum3A_23 = vector.multi_reduction <add>, %exp3A_21, %reduce_sum3A_22 [1] : vector<200x5000xf32> to vector<200xf32>
    %broadcast_in_dim3A_24 = vector.shape_cast %reduce_sum3A_23 : vector<200xf32> to vector<200x1xf32>
    %mul3A_25 = arith.mulf %exp3A_21, %div3A_20 : vector<200x5000xf32>
    %reduce_sum3A_26 = arith.constant dense<0.000000e+00> : vector<200xf32>
    %reduce_sum3A_27 = vector.multi_reduction <add>, %mul3A_25, %reduce_sum3A_26 [1] : vector<200x5000xf32> to vector<200xf32>
    %broadcast_in_dim3A_28 = vector.shape_cast %reduce_sum3A_27 : vector<200xf32> to vector<200x1xf32>
    %mul3A_29 = arith.mulf %exp3A_21, %tanh3A : vector<200x5000xf32>
    %reduce_sum3A_30 = arith.constant dense<0.000000e+00> : vector<200xf32>
    %reduce_sum3A_31 = vector.multi_reduction <add>, %mul3A_29, %reduce_sum3A_30 [1] : vector<200x5000xf32> to vector<200xf32>
    %broadcast_in_dim3A_32 = vector.shape_cast %reduce_sum3A_31 : vector<200xf32> to vector<200x1xf32>
    %mul3A_33 = arith.constant 5.000000e-01 : f32
    %mul3A_34 = vector.broadcast %mul3A_33 : f32 to vector<200x1xf32>
    %mul3A_35 = arith.mulf %mul3A_34, %broadcast_in_dim3A_32 : vector<200x1xf32>
    %sub3A = arith.subf %broadcast_in_dim3A_28, %mul3A_35 : vector<200x1xf32>
    %div3A_36 = arith.divf %sub3A, %broadcast_in_dim3A_24 : vector<200x1xf32>
    %sub3A_37 = arith.constant 5.000000e-01 : f32
    %sub3A_38 = vector.broadcast %sub3A_37 : f32 to vector<200x1xf32>
    %sub3A_39 = arith.subf %div3A_36, %sub3A_38 : vector<200x1xf32>
    %log3A_40 = math.log %broadcast_in_dim3A_24 : vector<200x1xf32>
    %sub3A_41 = arith.subf %sub3A_39, %log3A_40 : vector<200x1xf32>
    %add3A_42 = arith.addf %sub3A_41, %add3A_16 : vector<200x1xf32>
    %reduce_sum3A_43 = arith.constant dense<0.000000e+00> : vector<1xf32>
    %reduce_sum3A_44 = vector.multi_reduction <add>, %add3A_42, %reduce_sum3A_43 [0] : vector<200x1xf32> to vector<1xf32>
    %broadcast_in_dim3A_45 = vector.shape_cast %reduce_sum3A_44 : vector<1xf32> to vector<1x1xf32>
    %eq3A = arith.constant 0 : i32
    %eq3A_46 = arith.cmpi eq, %arg0, %eq3A : i32
    %convert_element_type3A = arith.extui %eq3A_46 : i1 to i32
    %cond3A = arith.constant 0 : i32
    %cond3A_47 = arith.cmpi ne, %convert_element_type3A, %cond3A : i32
    scf.if %cond3A_47 {
      %broadcast_in_dim3A_54 = arith.constant 0.000000e+00 : f32
      %broadcast_in_dim3A_55 = vector.broadcast %broadcast_in_dim3A_54 : f32 to vector<1x1xf32>
      %swap3A_56 = arith.constant 0 : index
      %swap3A_57 = arith.constant 0 : index
      %swap3A_58 = vector.load %arg4[%swap3A_56, %swap3A_57] : memref<1x1xf32, #tpu.memory_space<vmem>>, vector<1x1xf32>
      tpu.vector_store %arg4[%swap3A_56, %swap3A_57], %broadcast_in_dim3A_55 {strides = array<i32>} : memref<1x1xf32, #tpu.memory_space<vmem>>, vector<1x1xf32>,
    } else {
    }
    %get3A_48 = arith.constant 0 : index
    %get3A_49 = arith.constant 0 : index
    %get3A_50 = vector.load %arg4[%get3A_48, %get3A_49] : memref<1x1xf32, #tpu.memory_space<vmem>>, vector<1x1xf32>
    %add3A_51 = arith.addf %get3A_50, %broadcast_in_dim3A_45 : vector<1x1xf32>
    %swap3A = arith.constant 0 : index
    %swap3A_52 = arith.constant 0 : index
    %swap3A_53 = vector.load %arg4[%swap3A, %swap3A_52] : memref<1x1xf32, #tpu.memory_space<vmem>>, vector<1x1xf32>
    tpu.vector_store %arg4[%swap3A, %swap3A_52], %add3A_51 {strides = array<i32>} : memref<1x1xf32, #tpu.memory_space<vmem>>, vector<1x1xf32>,
    return
  }
  func.func @transform_0(%arg0: i32) -> (i32, i32) {
    %c0_i32 = arith.constant 0 : i32
    %c0_i32_0 = arith.constant 0 : i32
    return %arg0, %c0_i32 : i32, i32
  }
  func.func @transform_1(%arg0: i32) -> (i32, i32) {
    %c0_i32 = arith.constant 0 : i32
    %c0_i32_0 = arith.constant 0 : i32
    %c0_i32_1 = arith.constant 0 : i32
    return %c0_i32, %c0_i32_0 : i32, i32
  }
  func.func @transform_2(%arg0: i32) -> (i32, i32) {
    %c0_i32 = arith.constant 0 : i32
    %c0_i32_0 = arith.constant 0 : i32
    return %arg0, %c0_i32 : i32, i32
  }
  func.func @transform_3(%arg0: i32) -> (i32, i32) {
    %c0_i32 = arith.constant 0 : i32
    %c0_i32_0 = arith.constant 0 : i32
    %c0_i32_1 = arith.constant 0 : i32
    return %c0_i32, %c0_i32_0 : i32, i32
  }
}

module attributes {stable_mosaic.version = 14 : i64} {
  func.func @_pr_body(%arg0: memref<4096x128xf32, #tpu.memory_space<vmem>>, %arg1: memref<4096x128xf32, #tpu.memory_space<vmem>>, %arg2: memref<4096x1xf32, #tpu.memory_space<vmem>>, %arg3: memref<1x1xf32, #tpu.memory_space<vmem>>) attributes {dimension_semantics = [], scalar_prefetch = 0 : i64, scratch_operands = 0 : i64, tpu.core_type = #tpu.core_type<tc>} {
    %get3A = arith.constant 0 : index
    %get3A_0 = arith.constant 0 : index
    %get3A_1 = vector.load %arg0[%get3A, %get3A_0] : memref<4096x128xf32, #tpu.memory_space<vmem>>, vector<4096x128xf32>
    %get3A_2 = arith.constant 0 : index
    %get3A_3 = arith.constant 0 : index
    %get3A_4 = vector.load %arg1[%get3A_2, %get3A_3] : memref<4096x128xf32, #tpu.memory_space<vmem>>, vector<4096x128xf32>
    %mul3A = arith.mulf %get3A_1, %get3A_4 : vector<4096x128xf32>
    %reduce_sum3A = arith.constant dense<0.000000e+00> : vector<4096xf32>
    %reduce_sum3A_5 = vector.multi_reduction <add>, %mul3A, %reduce_sum3A [1] : vector<4096x128xf32> to vector<4096xf32>
    %broadcast_in_dim3A = vector.shape_cast %reduce_sum3A_5 : vector<4096xf32> to vector<4096x1xf32>
    %swap3A = arith.constant 0 : index
    %swap3A_6 = arith.constant 0 : index
    %swap3A_7 = vector.load %arg2[%swap3A, %swap3A_6] : memref<4096x1xf32, #tpu.memory_space<vmem>>, vector<4096x1xf32>
    tpu.vector_store %arg2[%swap3A, %swap3A_6], %broadcast_in_dim3A {strides = array<i32>} : memref<4096x1xf32, #tpu.memory_space<vmem>>, vector<4096x1xf32>,
    %min3A = arith.constant 0.000000e+00 : f32
    %min3A_8 = vector.broadcast %min3A : f32 to vector<4096x1xf32>
    %min3A_9 = arith.minimumf %broadcast_in_dim3A, %min3A_8 : vector<4096x1xf32>
    %abs3A = math.absf %broadcast_in_dim3A : vector<4096x1xf32>
    %neg3A = arith.constant 0.000000e+00 : f32
    %neg3A_10 = vector.broadcast %neg3A : f32 to vector<4096x1xf32>
    %neg3A_11 = arith.subf %neg3A_10, %abs3A : vector<4096x1xf32>
    %exp3A = math.exp %neg3A_11 : vector<4096x1xf32>
    %add3A = arith.constant 1.000000e+00 : f32
    %add3A_12 = vector.broadcast %add3A : f32 to vector<4096x1xf32>
    %add3A_13 = arith.addf %add3A_12, %exp3A : vector<4096x1xf32>
    %log3A = math.log %add3A_13 : vector<4096x1xf32>
    %sub3A = arith.subf %min3A_9, %log3A : vector<4096x1xf32>
    %reduce_sum3A_14 = arith.constant dense<0.000000e+00> : vector<1xf32>
    %reduce_sum3A_15 = vector.multi_reduction <add>, %sub3A, %reduce_sum3A_14 [0] : vector<4096x1xf32> to vector<1xf32>
    %broadcast_in_dim3A_16 = vector.shape_cast %reduce_sum3A_15 : vector<1xf32> to vector<1x1xf32>
    %div3A = arith.constant 4.096000e+03 : f32
    %div3A_17 = vector.broadcast %div3A : f32 to vector<1x1xf32>
    %div3A_18 = arith.divf %broadcast_in_dim3A_16, %div3A_17 : vector<1x1xf32>
    %swap3A_19 = arith.constant 0 : index
    %swap3A_20 = arith.constant 0 : index
    %swap3A_21 = vector.load %arg3[%swap3A_19, %swap3A_20] : memref<1x1xf32, #tpu.memory_space<vmem>>, vector<1x1xf32>
    tpu.vector_store %arg3[%swap3A_19, %swap3A_20], %div3A_18 {strides = array<i32>} : memref<1x1xf32, #tpu.memory_space<vmem>>, vector<1x1xf32>,
    return
  }
}

</mosaic_0001>

<sc_bundles>
// kernel: kernel.12.cloned.1.call-start
scs
__scs_entry_jumppad:
0x0: {  	(pc) =	sbr.rel $0x88, $3  }
0x1: {  	(tag) =	ssettag $0x0;
	lr =	simm.s32 $0x1  }
0x2: {  	[smem:$0x3F98] =	sst lr;
	_ =	strace $0xD0000000  }
0x3: {  	_ = 	snop  }
0x4: {  	_ = 	snop  }
0x5: {  	_ = 	snop  }
0x6: {  	_ = 	snop  }
0x7: {  	_ = 	snop  }
__scs_overlays_trampoline_lowered:
0x8: {  	[smem:$0x3FA7] =	sst s0  }
0x9: {  	[smem:$0x3FA8] =	sst s1  }
0xa: {  	[smem:$0x3FA9] =	sst s2  }
0xb: {  	[smem:$0x3FAA] =	sst s3  }
0xc: {  	[smem:$0x3FAB] =	sst s4  }
0xd: {  	[smem:$0x3FAC] =	sst s5  }
0xe: {  	[smem:$0x3FAD] =	sst s6  }
0xf: {  	[smem:$0x3FAE] =	sst s7  }
0x10: {  	[smem:$0x3FAF] =	sst s8  }
0x11: {  	[smem:$0x3FB0] =	sst s9;
	s0 =	simm.s32 @!p0 $0x0  }
0x12: {  	s1 =	sld [smem:$0x3F96];
	s0 =	simm.s32 @p0 $0x1  }
0x13: {  	[smem:$0x3FB1] =	sst s0;
	s0 =	simm.s32 @!p1 $0x0  }
0x14: {  	s2 =	sld [smem:$0x3F95];
	s0 =	simm.s32 @p1 $0x1  }
0x15: {  	[smem:$0x3FB2] =	sst s0;
	s0 =	simm.s32 @!p2 $0x0  }
0x16: {  	s3 =	sld [smem:$0x3FDB];
	s0 =	simm.s32 @p2 $0x1  }
0x17: {  	s4 =	simm.s32 $0x1BF5;
	[smem:$0x3FB4] =	sst s0  }
0x18: {  	s0 =	sld [smem:$0x3F97];
	_ =	swait.ge [sflag:s4], $0x0  }
0x19: {  	s7 =	sld [smem:$0x3F98]  }
0x1a: {  	s8 =	sadd.s32 $0xFFFFE003, lr  }
0x1b: {  	s9 =	sadd.s32 $0xFFFFFEF7, lr;
	s5 =	simm.s32 $0xFFFFFFFF;
	p2 =	slt.u32 s8, $0xFFFFF086  }
0x1c: {  	p1 =	slt.u32 s9, $0xF7A;
	s5 =	simm.s32 @!p2 $0x0  }
0x1d: {  	s5 =	simm.s32 @p1 $0x1;
	p0 =	seq.s32 s7, s2  }
0x1e: {  	s7 =	smul.u32 @!p0 $0xF7A, s2;
	p2 =	seq.s32 @!p0 s5, $0x0  }
0x1f: {  	s9 =	smul.u32 $0xF7A, s1;
	s8 =	simm.s32 @!p0 $0x1BF5;
	p2 =	por !p2, p0  }
0x20: {  	[sflag:s8] =	ssyncset.s32 @!p0 $0xFFFFF086;
	s6 =	sadd.s32 @!p0 s3, s7;
	s7 =	simm.s32 @!p0 $0x108  }
0x21: {  	s3 =	sadd.s32 s3, s9;
	s6 =	sadd.s32 @!p0 $0x88, s6;
	s7 =	simm.s32 @p2 $0x1082  }
0x22: {  	[simem:s7], [sflag:s8] =	dma.local @!p0 [hbm:s6], $0xF7A  }
0x23: {  	s9 =	sor.u32 $0xD0000000, s2;
	s6 =	simm.s32 $0x108;
	_ =	swait.ge @!p0 [sflag:s8], $0x0  }
0x24: {  	s3 =	sadd.s32 $0x88, s3;
	s6 =	simm.s32 @!p1 $0x1082;
	[sflag:s4] =	ssyncset.s32 $0xFFFFF086  }
0x25: {  	[simem:s6], [sflag:s4] =	dma.local [hbm:s3], $0xF7A  }
0x26: {  	[smem:$0x3F98] =	sst s1;
	(tag) =	ssettag s2;
	_ =	strace s9  }
0x27: {  	s1 =	sld [smem:$0x3FA8]  }
0x28: {  	s2 =	sld [smem:$0x3FA9]  }
0x29: {  	s4 =	sld [smem:$0x3FAB]  }
0x2a: {  	p0 =	seq.s32 s5, $0x0;
	s5 =	sld [smem:$0x3FAC]  }
0x2b: {  	s6 =	sld [smem:$0x3FAD]  }
0x2c: {  	s7 =	sld [smem:$0x3FAE]  }
0x2d: {  	s3 =	simm.s32 $0x108;
	s8 =	sld [smem:$0x3FAF]  }
0x2e: {  	s3 =	simm.s32 @!p0 $0x1082;
	s9 =	sld [smem:$0x3FB0]  }
0x2f: {  	lr =	sadd.s32 s0, s3;
	s0 =	sld [smem:$0x3FA7]  }
0x30: {  	s3 =	sld [smem:$0x3FAA]  }
0x31: {  	[smem:$0x3FB3] =	sst s10  }
0x32: {  	s10 =	sld [smem:$0x3FB1];
	_ =	sdelay $0x3  }
0x33: {  	p0 =	seq.s32 s10, $0x1;
	s10 =	sld [smem:$0x3FB3];
	_ =	sdelay $0x3  }
0x34: {  	[smem:$0x3FB3] =	sst s10  }
0x35: {  	s10 =	sld [smem:$0x3FB2];
	_ =	sdelay $0x3  }
0x36: {  	p1 =	seq.s32 s10, $0x1;
	s10 =	sld [smem:$0x3FB3];
	_ =	sdelay $0x3  }
0x37: {  	[smem:$0x3FB3] =	sst s10  }
0x38: {  	s10 =	sld [smem:$0x3FB4]  }
0x39: {  	_ = 	snop;
	(pc) =	sbr.ind lr, $3  }
0x3a: {  	_ = 	snop  }
0x3b: {  	_ = 	snop  }
0x3c: {  	p2 =	seq.s32 s10, $0x1;
	s10 =	sld [smem:$0x3FB3]  }
0x3d: {  	_ =	shalt  }
0x3e: {  	_ =	shalt  }
0x3f: {  	_ =	shalt  }
0x40: {  	_ =	shalt  }
0x41: {  	_ =	shalt  }
0x42: {  	_ =	shalt  }
0x43: {  	_ =	shalt  }
0x44: {  	_ =	shalt  }
0x45: {  	_ =	shalt  }
0x46: {  	_ =	shalt  }
0x47: {  	_ =	shalt  }
0x48: {  	_ =	shalt  }
0x49: {  	_ =	shalt  }
0x4a: {  	_ =	shalt  }
0x4b: {  	_ =	shalt  }
0x4c: {  	_ =	shalt  }
0x4d: {  	_ =	shalt  }
0x4e: {  	_ =	shalt  }
0x4f: {  	_ =	shalt  }
0x50: {  	_ =	shalt  }
0x51: {  	_ =	shalt  }
0x52: {  	_ =	shalt  }
0x53: {  	_ =	shalt  }
0x54: {  	_ =	shalt  }
0x55: {  	_ =	shalt  }
0x56: {  	_ =	shalt  }
0x57: {  	_ =	shalt  }
0x58: {  	_ =	shalt  }
0x59: {  	_ =	shalt  }
0x5a: {  	_ =	shalt  }
0x5b: {  	_ =	shalt  }
0x5c: {  	_ =	shalt  }
0x5d: {  	_ =	shalt  }
0x5e: {  	_ =	shalt  }
0x5f: {  	_ =	shalt  }
0x60: {  	_ =	shalt  }
0x61: {  	_ =	shalt  }
0x62: {  	_ =	shalt  }
0x63: {  	_ =	shalt  }
0x64: {  	_ =	shalt  }
0x65: {  	_ =	shalt  }
0x66: {  	_ =	shalt  }
0x67: {  	_ =	shalt  }
0x68: {  	_ =	shalt  }
0x69: {  	_ =	shalt  }
0x6a: {  	_ =	shalt  }
0x6b: {  	_ =	shalt  }
0x6c: {  	_ =	shalt  }
0x6d: {  	_ =	shalt  }
0x6e: {  	_ =	shalt  }
0x6f: {  	_ =	shalt  }
0x70: {  	_ =	shalt  }
0x71: {  	_ =	shalt  }
0x72: {  	_ =	shalt  }
0x73: {  	_ =	shalt  }
0x74: {  	_ =	shalt  }
0x75: {  	_ =	shalt  }
0x76: {  	_ =	shalt  }
0x77: {  	_ =	shalt  }
0x78: {  	_ =	shalt  }
0x79: {  	_ =	shalt  }
0x7a: {  	_ =	shalt  }
0x7b: {  	_ =	shalt  }
0x7c: {  	_ =	shalt  }
0x7d: {  	_ =	shalt  }
0x7e: {  	_ =	shalt  }
0x7f: {  	_ =	shalt  }
0x80: {  	_ =	shalt  }
0x81: {  	_ =	shalt  }
0x82: {  	_ =	shalt  }
0x83: {  	_ =	shalt  }
0x84: {  	_ =	shalt  }
0x85: {  	_ =	shalt  }
0x86: {  	_ =	shalt  }
0x87: {  	_ =	shalt  }
.Lfunc_end0:
.L_simem_size_0:
called_computation_lowered:
.L_overlay_start_0:
0x88: {  	s2 =	sld [smem:$0x3FD9]  }
0x89: {  	s3 =	sld [smem:$0x3FFE];
	_ =	sdelay $0x1  }
0x8a: {  	s1 =	srdreg.scid  }
0x8b: {  	s0 =	sand.u32 $0x1, s1  }
0x8c: {  	s17 =	sshll.u32 s0, $0xA;
	s2 =	sadd.s32 s3, s2  }
0x8d: {  	s2 =	sadd.s32 s2, s17  }
0x8e: {  	[smem:$0x3FBF] =	sst s2  }
0x8f: {  	_ = 	snop  }
0x90: {  	(tm) =	ssettm $0x1  }
0x91: {  	s18 =	sld [smem:$0x3FFB];
	_ =	sdelay $0x3  }
0x92: {  	_ =	strace s18  }
0x93: {  	s2 =	sld [smem:$0x3FFC];
	_ =	sdelay $0x3  }
0x94: {  	_ =	strace s2  }
0x95: {  	s2 =	sld [smem:$0x3FFD];
	_ =	sdelay $0x3  }
0x96: {  	_ =	strace s2  }
0x97: {  	_ =	strace $0x8FFFFFFF  }
0x98: {  	s19 =	sld [smem:$0x3FDB];
	_ =	sdelay $0x1  }
0x99: {  	s20 =	simm.s32 $_scs_section_size  }
0x9a: {  	s4 =	simm.s32 $_size__tile_overlayer_lowered;
	s5 =	simm.s32 $_tile_overlayer_lowered  }
0x9b: {  	s6 =	simm.s32 $0x1BFF;
	s21 =	sshll.u32 s5, $0x1;
	s3 =	sadd.s32 s20, s19  }
0x9c: {  	s22 =	simm.s32 $0x0;
	s4 =	sshll.u32 s4, $0x1;
	s5 =	sadd.s32 s21, s3  }
0x9d: {  	[timem:s22], [sflag:s6] =	dma.local [hbm:s5], s4  }
0x9e: {  	_ =	swait.ge [sflag:s6], s4  }
0x9f: {  	s4 =	ssub.s32 $0x0, s4;
	[sflag:s6] =	ssyncset.done $0x0  }
0xa0: {  	[sflag:s6] =	ssyncadd.s32 s4;
	_ =	sdelay $0x1  }
0xa1: {  	s23 =	simm.s32 $0x1B8B  }
0xa2: {  	_ =	swait.ge [sflag:s23], $0x1  }
0xa3: {  	[sflag:s23] =	ssyncset.done $0x0  }
0xa4: {  	[sflag:s23] =	ssyncadd.s32 $0xFFFFFFFF  }
0xa5: {  	s4 =	sld [smem:$0x0]  }
0xa6: {  	s5 =	sand.u32 $0xFFFFFFFE, s1  }
0xa7: {  	p0 =	sne.s32 s1, s5  }
0xa8: {  	s5 =	sshll.u32 @p0 s5, $0xE  }
0xa9: {  	s5 =	sadd.s32 @p0 $0x11B8D, s5;
	s6 =	sshll.u32 @p0 s4, $0x11  }
0xaa: {  	s5 =	sor.u32 @p0 s6, s5  }
0xab: {  	[sflag:s5] =	ssyncadd.remote.s32 @p0 $0x1;
	_ =	sdelay $0x1  }
0xac: {  	s5 =	simm.s32 @p0 $0x1B8D  }
0xad: {  	_ =	swait.eq @p0 [sflag:s5], $0x1  }
0xae: {  	[sflag:s5] =	ssyncadd.s32 @p0 $0xFFFFFFFF  }
0xaf: {  	s6 =	sshll.u32 @!p0 s1, $0xE  }
0xb0: {  	s6 =	sor.u32 @!p0 $0x4000, s6;
	s5 =	simm.s32 @!p0 $0x1B8D  }
0xb1: {  	s4 =	sshll.u32 @!p0 s4, $0x11;
	s6 =	sadd.s32 @!p0 $0x11B8D, s6;
	_ =	swait.eq @!p0 [sflag:s5], $0x1  }
0xb2: {  	s4 =	sor.u32 @!p0 s4, s6;
	[sflag:s5] =	ssyncadd.s32 @!p0 $0xFFFFFFFF  }
0xb3: {  	s25 =	simm.s32 $0x1B8E;
	s24 =	sld [smem:$0x3FFE];
	[sflag:s4] =	ssyncadd.remote.s32 @!p0 $0x1  }
0xb4: {  	s26 =	simm.s32 $execute0_lowered;
	[smem:$0x3FD2] =	sst s25  }
0xb5: {  	s5 =	sshll.u32 s26, $0x1;
	_ =	strace $0x8000004C;
	[dreg:$0x1] =	wrdreg $0xFFFFFFFF  }
0xb6: {  	s28 =	simm.s32 $_size_execute0_lowered;
	s3 =	sadd.s32 s3, s5;
	[dreg:$0x0] =	wrdreg $0x0  }
0xb7: {  	s5 =	sshll.u32 s28, $0x1;
	[dreg:$0x2] =	wrdreg s3  }
0xb8: {  	[dreg:$0x3] =	wrdreg s5  }
0xb9: {  	[dreg:$0x4] =	wrdreg $0xC0  }
0xba: {  	_ =	task [dreg:s22], $0x5FFFF  }
0xbb: {  	[dreg:$0x1] =	wrdreg $0xFFFFFFFF  }
0xbc: {  	[dreg:$0x0] =	wrdreg $0x60  }
0xbd: {  	[dreg:$0x2] =	wrdreg s24  }
0xbe: {  	[dreg:$0x3] =	wrdreg $0x9  }
0xbf: {  	_ =	task.clear_ibuf [dreg:s22], $0x4FFFF;
	_ =	strace $0x9000004C  }
0xc0: {  	s29 =	simm.s32 $0x9;
	_ =	strace $0x8000004E  }
0xc1: {  	_ =	swait.ge [sflag:s29], $0x1  }
0xc2: {  	[sflag:s29] =	ssyncadd.s32 $0xFFFFFFFF  }
0xc3: {  	_ =	strace $0x9000004E  }
0xc4: {  	_ =	sfence  }
0xc5: {  	s30 =	sld [smem:$0x0];
	_ =	sdelay $0x2  }
0xc6: {  	s31 =	sshll.u32 s1, $0xD;
	s1 =	sshrl.u32 s1, $0x2  }
0xc7: {  	s4 =	sand.u32 $0x4000, s31;
	s1 =	sadd.s32 s1, s30  }
0xc8: {  	s0 =	sor.u32 s4, s0;
	s1 =	sshll.u32 s1, $0x11  }
0xc9: {  	s0 =	sor.u32 s1, s0  }
0xca: {  	s0 =	sadd.s32 $0x8F2B, s0  }
0xcb: {  	[sflag:s0] =	ssyncadd.remote.s32 $0x1  }
0xcc: {  	_ =	sfence.sel $0xFFFF  }
0xcd: {  	[dreg:$0x0] =	wrdreg $0xFFFFFFFF;
	(pc) =	sbr.abs _section_cstart, $3  }
0xce: {  	[dreg:$0x1] =	wrdreg $0xFFFFFFFF  }
0xcf: {  	_ =	task.clear_ibuf [dreg:s22], $0x2FFFF;
	_ =	strace $0x9FFFFFFF  }
0xd0: {  	(tm) =	ssettm $0x7FFFFFFF  }
0xd1: {  	_ =	shalt  }
tec
execute0_lowered:
.L_overlay_start_1:
0x0: {  	(tag) =	ssettag $0x1  }
0x1: {  	s1 =	srdreg.scid  }
0x2: {  	s0 =	stileid.u32;
	s4 =	rddreg [dreg:$0x0]  }
0x3: {  	s2 =	simm.s32 $0x0;
	s10 =	simm.s32 $0x1A80;
	s11 =	simm.s32 $0x2E80  }
0x4: {  	s12 =	simm.s32 $0x4280;
	s13 =	simm.s32 $0x5680;
	s14 =	simm.s32 $0x1  }
0x5: {  	s15 =	simm.s32 $0x0;
	s5 =	sand.u32 $0x1, s1;
	s1 =	rddreg [dreg:$0x1]  }
0x6: {  	s3 =	sshll.u32 s0, $0x1;
	[smem:$0x7FF] =	sst s2;
	s7 =	smul.u32 $0xC800, s0  }
0x7: {  	s3 =	sor.u32 s5, s3;
	s8 =	ssub.s32 $0x2, s5;
	s5 =	smul.u32 $0x6400, s5  }
0x8: {  	_ =	strace $0x8000004D;
	s6 =	smul.u32 $0x640, s3;
	s9 =	sshrl.u32 s8, $0x1  }
0x9: {  	s3 =	sadd.s32 $0x2E00, s4;
	s7 =	sadd.s32 s7, s4;
	s31 =	ssub.s32 s8, s9  }
0xa: {  	s7 =	sadd.s32 s5, s7;
	s8 =	simm.s32 $0x28;
	s6 =	sshrl.u32 s6, $0x3  }
0xb: {  	s9 =	simm.s32 $0x680;
	s5 =	smax.u32 s31, $0x1;
	s4 =	sadd.s32 s6, s4  }
0xc: {  	s6 =	sadd.s32 $0x1D4A00, s7;
	s7 =	simm.s32 $0x2;
	s4 =	sadd.s32 $0x1D3000, s4  }
.LBB2_1:
0xd: {  	[tilespmem:s2], [sflag:$0x2] =	stream.linear.gather [hbm4b:s4+s2], $0x640, $0x38;
	[tilespmem:$0x6A80] =	vst v63  }
0xe: {  	_ =	swait.ge [sflag:s7], $0x640  }
0xf: {  	[sflag:s7] =	ssyncset.done $0x0  }
0x10: {  	s16 =	simm.s32 $0x0;
	[sflag:s7] =	ssyncadd.s32 $0xFFFFF9C0  }
0x11: {  	[tilespmem:s9], [sflag:$0x1] =	stream.indirect.gather [hbm4b:s3+s8], $0x80, s16, s8, $0xb8;
	[tilespmem:$0x6A80] =	vst v63  }
0x12: {  	s24 =	simm.s32 $0x28  }
0x13: {  	[tilespmem:s10], [sflag:$0x1] =	stream.indirect.gather [hbm4b:s3+s8], $0x80, s24, s8, $0xb8;
	[tilespmem:$0x6A80] =	vst v63  }
0x14: {  	s25 =	simm.s32 $0x50  }
0x15: {  	[tilespmem:s11], [sflag:$0x1] =	stream.indirect.gather [hbm4b:s3+s8], $0x80, s25, s8, $0xb8;
	[tilespmem:$0x6A80] =	vst v63  }
0x16: {  	s26 =	simm.s32 $0x78  }
0x17: {  	[tilespmem:s12], [sflag:$0x1] =	stream.indirect.gather [hbm4b:s3+s8], $0x80, s26, s8, $0xb8;
	[tilespmem:$0x6A80] =	vst v63  }
0x18: {  	s28 =	simm.s32 $0xA0  }
0x19: {  	[tilespmem:s13], [sflag:$0x1] =	stream.indirect.gather [hbm4b:s3+s8], $0x80, s28, s8, $0xb8;
	[tilespmem:$0x6A80] =	vst v63  }
0x1a: {  	_ =	swait.ge [sflag:s14], $0x1400  }
0x1b: {  	[sflag:s14] =	ssyncset.done $0x0  }
0x1c: {  	s29 =	sadd.s32 $0x0, s6;
	[sflag:s14] =	ssyncadd.s32 $0xFFFFEC00  }
0x1d: {  	[hbm4b:s29+s2] =	stream.linear.scatter [tilespmem:s9], [sflag:$0x2], $0x1400, $0x38;
	[tilespmem:$0x6A80] =	vst v63  }
0x1e: {  	_ =	swait.ge [sflag:s7], $0x1400  }
0x1f: {  	[sflag:s7] =	ssyncset.done $0x0  }
0x20: {  	[sflag:s7] =	ssyncadd.s32 $0xFFFFEC00  }
0x21: {  	_ =	swait.ge [sflag:s14], $0x1400  }
0x22: {  	[sflag:s14] =	ssyncset.done $0x0  }
0x23: {  	s17 =	sadd.s32 $0x280, s29;
	[sflag:s14] =	ssyncadd.s32 $0xFFFFEC00  }
0x24: {  	[hbm4b:s17+s2] =	stream.linear.scatter [tilespmem:s10], [sflag:$0x2], $0x1400, $0x38;
	[tilespmem:$0x6A80] =	vst v63  }
0x25: {  	_ =	swait.ge [sflag:s7], $0x1400  }
0x26: {  	[sflag:s7] =	ssyncset.done $0x0  }
0x27: {  	[sflag:s7] =	ssyncadd.s32 $0xFFFFEC00  }
0x28: {  	_ =	swait.ge [sflag:s14], $0x1400  }
0x29: {  	[sflag:s14] =	ssyncset.done $0x0  }
0x2a: {  	s30 =	sadd.s32 $0x500, s29;
	[sflag:s14] =	ssyncadd.s32 $0xFFFFEC00  }
0x2b: {  	[hbm4b:s30+s2] =	stream.linear.scatter [tilespmem:s11], [sflag:$0x2], $0x1400, $0x38;
	[tilespmem:$0x6A80] =	vst v63  }
0x2c: {  	_ =	swait.ge [sflag:s7], $0x1400  }
0x2d: {  	[sflag:s7] =	ssyncset.done $0x0  }
0x2e: {  	[sflag:s7] =	ssyncadd.s32 $0xFFFFEC00  }
0x2f: {  	_ =	swait.ge [sflag:s14], $0x1400  }
0x30: {  	[sflag:s14] =	ssyncset.done $0x0  }
0x31: {  	s31 =	sadd.s32 $0x780, s29;
	[sflag:s14] =	ssyncadd.s32 $0xFFFFEC00  }
0x32: {  	[hbm4b:s31+s2] =	stream.linear.scatter [tilespmem:s12], [sflag:$0x2], $0x1400, $0x38;
	[tilespmem:$0x6A80] =	vst v63  }
0x33: {  	_ =	swait.ge [sflag:s7], $0x1400  }
0x34: {  	[sflag:s7] =	ssyncset.done $0x0  }
0x35: {  	[sflag:s7] =	ssyncadd.s32 $0xFFFFEC00  }
0x36: {  	_ =	swait.ge [sflag:s14], $0x1400  }
0x37: {  	[sflag:s14] =	ssyncset.done $0x0  }
0x38: {  	s16 =	sadd.s32 $0xA00, s29;
	[sflag:s14] =	ssyncadd.s32 $0xFFFFEC00  }
0x39: {  	[hbm4b:s16+s2] =	stream.linear.scatter [tilespmem:s13], [sflag:$0x2], $0x1400, $0x38;
	[tilespmem:$0x6A80] =	vst v63  }
0x3a: {  	s18 =	simm.s32 $0x1900;
	_ =	swait.ge [sflag:s7], $0x1400  }
0x3b: {  	s17 =	simm.s32 $0x168;
	s16 =	simm.s32 $0xC80;
	[sflag:s7] =	ssyncset.done $0x0  }
.LBB2_2:
0x3c: {  	p0 =	sne.s32 s18, $0x5780;
	s19 =	sadd.s32 $0xFFFFFF60, s17;
	[sflag:s7] =	ssyncadd.s32 $0xFFFFEC00  }
0x3d: {  	[tilespmem:s9], [sflag:$0x1] =	stream.indirect.gather [hbm4b:s3+s8], $0x80, s19, s8, $0xb8;
	[tilespmem:$0x6A80] =	vst v63  }
0x3e: {  	s20 =	smov.u32 s18;
	s18 =	sadd.s32 $0xC80, s18;
	s19 =	sadd.s32 $0xFFFFFF88, s17  }
0x3f: {  	[tilespmem:s10], [sflag:$0x1] =	stream.indirect.gather [hbm4b:s3+s8], $0x80, s19, s8, $0xb8;
	[tilespmem:$0x6A80] =	vst v63  }
0x40: {  	s19 =	sadd.s32 $0xFFFFFFB0, s17  }
0x41: {  	[tilespmem:s11], [sflag:$0x1] =	stream.indirect.gather [hbm4b:s3+s8], $0x80, s19, s8, $0xb8;
	[tilespmem:$0x6A80] =	vst v63  }
0x42: {  	s19 =	sadd.s32 $0xFFFFFFD8, s17  }
0x43: {  	[tilespmem:s12], [sflag:$0x1] =	stream.indirect.gather [hbm4b:s3+s8], $0x80, s19, s8, $0xb8;
	[tilespmem:$0x6A80] =	vst v63  }
0x44: {  	_ = 	snop  }
0x45: {  	[tilespmem:s13], [sflag:$0x1] =	stream.indirect.gather [hbm4b:s3+s8], $0x80, s17, s8, $0xb8;
	[tilespmem:$0x6A80] =	vst v63  }
0x46: {  	_ =	swait.ge [sflag:s14], $0x1400  }
0x47: {  	[sflag:s14] =	ssyncset.done $0x0  }
0x48: {  	s19 =	sadd.s32 s16, s6;
	s16 =	smov.u32 s20;
	[sflag:s14] =	ssyncadd.s32 $0xFFFFEC00  }
0x49: {  	[hbm4b:s19+s2] =	stream.linear.scatter [tilespmem:s9], [sflag:$0x2], $0x1400, $0x38;
	[tilespmem:$0x6A80] =	vst v63  }
0x4a: {  	_ =	swait.ge [sflag:s7], $0x1400  }
0x4b: {  	[sflag:s7] =	ssyncset.done $0x0  }
0x4c: {  	[sflag:s7] =	ssyncadd.s32 $0xFFFFEC00  }
0x4d: {  	_ =	swait.ge [sflag:s14], $0x1400  }
0x4e: {  	[sflag:s14] =	ssyncset.done $0x0  }
0x4f: {  	s20 =	sadd.s32 $0x280, s19;
	[sflag:s14] =	ssyncadd.s32 $0xFFFFEC00  }
0x50: {  	[hbm4b:s20+s2] =	stream.linear.scatter [tilespmem:s10], [sflag:$0x2], $0x1400, $0x38;
	[tilespmem:$0x6A80] =	vst v63  }
0x51: {  	_ =	swait.ge [sflag:s7], $0x1400  }
0x52: {  	[sflag:s7] =	ssyncset.done $0x0  }
0x53: {  	[sflag:s7] =	ssyncadd.s32 $0xFFFFEC00  }
0x54: {  	_ =	swait.ge [sflag:s14], $0x1400  }
0x55: {  	[sflag:s14] =	ssyncset.done $0x0  }
0x56: {  	s20 =	sadd.s32 $0x500, s19;
	[sflag:s14] =	ssyncadd.s32 $0xFFFFEC00  }
0x57: {  	[hbm4b:s20+s2] =	stream.linear.scatter [tilespmem:s11], [sflag:$0x2], $0x1400, $0x38;
	[tilespmem:$0x6A80] =	vst v63  }
0x58: {  	_ =	swait.ge [sflag:s7], $0x1400  }
0x59: {  	[sflag:s7] =	ssyncset.done $0x0  }
0x5a: {  	[sflag:s7] =	ssyncadd.s32 $0xFFFFEC00  }
0x5b: {  	_ =	swait.ge [sflag:s14], $0x1400  }
0x5c: {  	[sflag:s14] =	ssyncset.done $0x0  }
0x5d: {  	s20 =	sadd.s32 $0x780, s19;
	[sflag:s14] =	ssyncadd.s32 $0xFFFFEC00  }
0x5e: {  	[hbm4b:s20+s2] =	stream.linear.scatter [tilespmem:s12], [sflag:$0x2], $0x1400, $0x38;
	[tilespmem:$0x6A80] =	vst v63  }
0x5f: {  	_ =	swait.ge [sflag:s7], $0x1400  }
0x60: {  	[sflag:s7] =	ssyncset.done $0x0  }
0x61: {  	[sflag:s7] =	ssyncadd.s32 $0xFFFFEC00  }
0x62: {  	_ =	swait.ge [sflag:s14], $0x1400  }
.Ltmp0:
0x63: {  	[sflag:s14] =	ssyncset.done $0x0;
	(pc) =	sbr.rel @p0 .LBB2_2-.Ltmp0, $4  }
0x64: {  	s19 =	sadd.s32 $0xA00, s19;
	[sflag:s14] =	ssyncadd.s32 $0xFFFFEC00  }
0x65: {  	[hbm4b:s19+s2] =	stream.linear.scatter [tilespmem:s13], [sflag:$0x2], $0x1400, $0x38;
	[tilespmem:$0x6A80] =	vst v63  }
0x66: {  	_ =	swait.ge [sflag:s7], $0x1400  }
0x67: {  	s17 =	sadd.s32 $0xC8, s17;
	[sflag:s7] =	ssyncset.done $0x0  }
0x68: {  	s18 =	sadd.s32 $0xFFFFFF60, s17;
	[sflag:s7] =	ssyncadd.s32 $0xFFFFEC00  }
0x69: {  	[tilespmem:s9], [sflag:$0x1] =	stream.indirect.gather [hbm4b:s3+s8], $0x80, s18, s8, $0xb8;
	[tilespmem:$0x6A80] =	vst v63  }
0x6a: {  	s25 =	sadd.s32 $0xFFFFFF88, s17  }
0x6b: {  	[tilespmem:s10], [sflag:$0x1] =	stream.indirect.gather [hbm4b:s3+s8], $0x80, s25, s8, $0xb8;
	[tilespmem:$0x6A80] =	vst v63  }
0x6c: {  	s26 =	sadd.s32 $0xFFFFFFB0, s17  }
0x6d: {  	[tilespmem:s11], [sflag:$0x1] =	stream.indirect.gather [hbm4b:s3+s8], $0x80, s26, s8, $0xb8;
	[tilespmem:$0x6A80] =	vst v63  }
0x6e: {  	s28 =	sadd.s32 $0xFFFFFFD8, s17  }
0x6f: {  	[tilespmem:s12], [sflag:$0x1] =	stream.indirect.gather [hbm4b:s3+s8], $0x80, s28, s8, $0xb8;
	[tilespmem:$0x6A80] =	vst v63  }
0x70: {  	_ = 	snop  }
0x71: {  	[tilespmem:s13], [sflag:$0x1] =	stream.indirect.gather [hbm4b:s3+s8], $0x80, s17, s8, $0xb8;
	[tilespmem:$0x6A80] =	vst v63  }
0x72: {  	_ =	swait.ge [sflag:s14], $0x1400  }
0x73: {  	[sflag:s14] =	ssyncset.done $0x0  }
0x74: {  	s16 =	sadd.s32 s16, s6;
	[sflag:s14] =	ssyncadd.s32 $0xFFFFEC00  }
0x75: {  	[hbm4b:s16+s2] =	stream.linear.scatter [tilespmem:s9], [sflag:$0x2], $0x1400, $0x38;
	[tilespmem:$0x6A80] =	vst v63  }
0x76: {  	_ =	swait.ge [sflag:s7], $0x1400  }
0x77: {  	[sflag:s7] =	ssyncset.done $0x0  }
0x78: {  	[sflag:s7] =	ssyncadd.s32 $0xFFFFEC00  }
0x79: {  	_ =	swait.ge [sflag:s14], $0x1400  }
0x7a: {  	[sflag:s14] =	ssyncset.done $0x0  }
0x7b: {  	s29 =	sadd.s32 $0x280, s16;
	[sflag:s14] =	ssyncadd.s32 $0xFFFFEC00  }
0x7c: {  	[hbm4b:s29+s2] =	stream.linear.scatter [tilespmem:s10], [sflag:$0x2], $0x1400, $0x38;
	[tilespmem:$0x6A80] =	vst v63  }
0x7d: {  	_ =	swait.ge [sflag:s7], $0x1400  }
0x7e: {  	[sflag:s7] =	ssyncset.done $0x0  }
0x7f: {  	[sflag:s7] =	ssyncadd.s32 $0xFFFFEC00  }
0x80: {  	_ =	swait.ge [sflag:s14], $0x1400  }
0x81: {  	[sflag:s14] =	ssyncset.done $0x0  }
0x82: {  	s30 =	sadd.s32 $0x500, s16;
	[sflag:s14] =	ssyncadd.s32 $0xFFFFEC00  }
0x83: {  	[hbm4b:s30+s2] =	stream.linear.scatter [tilespmem:s11], [sflag:$0x2], $0x1400, $0x38;
	[tilespmem:$0x6A80] =	vst v63  }
0x84: {  	_ =	swait.ge [sflag:s7], $0x1400  }
0x85: {  	[sflag:s7] =	ssyncset.done $0x0  }
0x86: {  	[sflag:s7] =	ssyncadd.s32 $0xFFFFEC00  }
0x87: {  	_ =	swait.ge [sflag:s14], $0x1400  }
0x88: {  	[sflag:s14] =	ssyncset.done $0x0  }
0x89: {  	s31 =	sadd.s32 $0x780, s16;
	[sflag:s14] =	ssyncadd.s32 $0xFFFFEC00  }
0x8a: {  	[hbm4b:s31+s2] =	stream.linear.scatter [tilespmem:s12], [sflag:$0x2], $0x1400, $0x38;
	[tilespmem:$0x6A80] =	vst v63  }
0x8b: {  	_ =	swait.ge [sflag:s7], $0x1400  }
0x8c: {  	[sflag:s7] =	ssyncset.done $0x0  }
0x8d: {  	[sflag:s7] =	ssyncadd.s32 $0xFFFFEC00  }
0x8e: {  	s15 =	sadd.s32 $0x1, s15;
	_ =	swait.ge [sflag:s14], $0x1400  }
0x8f: {  	p0 =	sne.s32 s15, s5;
	[sflag:s14] =	ssyncset.done $0x0  }
.Ltmp1:
0x90: {  	s16 =	sadd.s32 $0xA00, s16;
	[sflag:s14] =	ssyncadd.s32 $0xFFFFEC00;
	(pc) =	sbr.rel @p0 .LBB2_1-.Ltmp1, $4  }
0x91: {  	[hbm4b:s16+s2] =	stream.linear.scatter [tilespmem:s13], [sflag:$0x2], $0x1400, $0x38;
	[tilespmem:$0x6A80] =	vst v63  }
0x92: {  	_ =	swait.ge [sflag:s7], $0x1400  }
0x93: {  	[sflag:s7] =	ssyncset.done $0x0  }
0x94: {  	[sflag:s7] =	ssyncadd.s32 $0xFFFFEC00  }
0x95: {  	_ =	sfence.sel $0x180000  }
0x96: {  	[bflag:$0x0] =	sbarrier.arrive $0xFFFF  }
0x97: {  	p0 =	sne.s32 s0, $0x0;
	_ =	strace $0x9000004D  }
0x98: {  	s0 =	sadd.s32 @!p0 $0x100000, s1;
	[bflag:$0x2] =	sbarrier.arrive $0xFFFF  }
0x99: {  	[sflag:s0] =	ssyncadd.tile.s32 @!p0 $0x1;
	_ =	shalt  }
.Lfunc_end2:
_tile_overlayer_lowered:
.L_overlay_start_2:
0x9a: {  	(tag) =	ssettag $0x2  }
0x9b: {  	s0 =	rddreg [dreg:$0x0];
	s2 =	stileid.u32  }
0x9c: {  	s1 =	rddreg [dreg:$0x1];
	p0 =	sne.s32 s2, $0x0  }
0x9d: {  	s3 =	rddreg [dreg:$0x2];
	[bflag:$0x3] =	sbarrier.arrive $0xFFFF;
	s2 =	simm.s32 @!p0 $0x1C02  }
0x9e: {  	[timem:s3], [sflag:s2] =	dma.local @!p0 [hbm:s0], s1  }
0x9f: {  	s0 =	simm.s32 @!p0 $0x2  }
0xa0: {  	_ =	swait.ge @!p0 [sflag:s0], s1  }
0xa1: {  	s1 =	ssub.s32 @!p0 $0x0, s1;
	[sflag:s0] =	ssyncset.done @!p0 $0x0  }
0xa2: {  	[sflag:s0] =	ssyncadd.s32 @!p0 s1  }
0xa3: {  	[bflag:$0x3] =	sbarrier.arrive $0xFFFF  }
0xa4: {  	_ =	shalt  }

// kernel: kernel.15.cloned.1.call-start
scs
__scs_entry_jumppad:
0x0: {  	(pc) =	sbr.rel $0x88, $3  }
0x1: {  	(tag) =	ssettag $0x0;
	lr =	simm.s32 $0x1  }
0x2: {  	[smem:$0x3F98] =	sst lr;
	_ =	strace $0xD0000000  }
0x3: {  	_ = 	snop  }
0x4: {  	_ = 	snop  }
0x5: {  	_ = 	snop  }
0x6: {  	_ = 	snop  }
0x7: {  	_ = 	snop  }
__scs_overlays_trampoline_lowered:
0x8: {  	[smem:$0x3FA7] =	sst s0  }
0x9: {  	[smem:$0x3FA8] =	sst s1  }
0xa: {  	[smem:$0x3FA9] =	sst s2  }
0xb: {  	[smem:$0x3FAA] =	sst s3  }
0xc: {  	[smem:$0x3FAB] =	sst s4  }
0xd: {  	[smem:$0x3FAC] =	sst s5  }
0xe: {  	[smem:$0x3FAD] =	sst s6  }
0xf: {  	[smem:$0x3FAE] =	sst s7  }
0x10: {  	[smem:$0x3FAF] =	sst s8  }
0x11: {  	[smem:$0x3FB0] =	sst s9;
	s0 =	simm.s32 @!p0 $0x0  }
0x12: {  	s1 =	sld [smem:$0x3F96];
	s0 =	simm.s32 @p0 $0x1  }
0x13: {  	[smem:$0x3FB1] =	sst s0;
	s0 =	simm.s32 @!p1 $0x0  }
0x14: {  	s2 =	sld [smem:$0x3F95];
	s0 =	simm.s32 @p1 $0x1  }
0x15: {  	[smem:$0x3FB2] =	sst s0;
	s0 =	simm.s32 @!p2 $0x0  }
0x16: {  	s3 =	sld [smem:$0x3FDB];
	s0 =	simm.s32 @p2 $0x1  }
0x17: {  	s4 =	simm.s32 $0x1BF5;
	[smem:$0x3FB4] =	sst s0  }
0x18: {  	s0 =	sld [smem:$0x3F97];
	_ =	swait.ge [sflag:s4], $0x0  }
0x19: {  	s7 =	sld [smem:$0x3F98]  }
0x1a: {  	s8 =	sadd.s32 $0xFFFFE003, lr  }
0x1b: {  	s9 =	sadd.s32 $0xFFFFFEF7, lr;
	s5 =	simm.s32 $0xFFFFFFFF;
	p2 =	slt.u32 s8, $0xFFFFF086  }
0x1c: {  	p1 =	slt.u32 s9, $0xF7A;
	s5 =	simm.s32 @!p2 $0x0  }
0x1d: {  	s5 =	simm.s32 @p1 $0x1;
	p0 =	seq.s32 s7, s2  }
0x1e: {  	s7 =	smul.u32 @!p0 $0xF7A, s2;
	p2 =	seq.s32 @!p0 s5, $0x0  }
0x1f: {  	s9 =	smul.u32 $0xF7A, s1;
	s8 =	simm.s32 @!p0 $0x1BF5;
	p2 =	por !p2, p0  }
0x20: {  	[sflag:s8] =	ssyncset.s32 @!p0 $0xFFFFF086;
	s6 =	sadd.s32 @!p0 s3, s7;
	s7 =	simm.s32 @!p0 $0x108  }
0x21: {  	s3 =	sadd.s32 s3, s9;
	s6 =	sadd.s32 @!p0 $0x88, s6;
	s7 =	simm.s32 @p2 $0x1082  }
0x22: {  	[simem:s7], [sflag:s8] =	dma.local @!p0 [hbm:s6], $0xF7A  }
0x23: {  	s9 =	sor.u32 $0xD0000000, s2;
	s6 =	simm.s32 $0x108;
	_ =	swait.ge @!p0 [sflag:s8], $0x0  }
0x24: {  	s3 =	sadd.s32 $0x88, s3;
	s6 =	simm.s32 @!p1 $0x1082;
	[sflag:s4] =	ssyncset.s32 $0xFFFFF086  }
0x25: {  	[simem:s6], [sflag:s4] =	dma.local [hbm:s3], $0xF7A  }
0x26: {  	[smem:$0x3F98] =	sst s1;
	(tag) =	ssettag s2;
	_ =	strace s9  }
0x27: {  	s1 =	sld [smem:$0x3FA8]  }
0x28: {  	s2 =	sld [smem:$0x3FA9]  }
0x29: {  	s4 =	sld [smem:$0x3FAB]  }
0x2a: {  	p0 =	seq.s32 s5, $0x0;
	s5 =	sld [smem:$0x3FAC]  }
0x2b: {  	s6 =	sld [smem:$0x3FAD]  }
0x2c: {  	s7 =	sld [smem:$0x3FAE]  }
0x2d: {  	s3 =	simm.s32 $0x108;
	s8 =	sld [smem:$0x3FAF]  }
0x2e: {  	s3 =	simm.s32 @!p0 $0x1082;
	s9 =	sld [smem:$0x3FB0]  }
0x2f: {  	lr =	sadd.s32 s0, s3;
	s0 =	sld [smem:$0x3FA7]  }
0x30: {  	s3 =	sld [smem:$0x3FAA]  }
0x31: {  	[smem:$0x3FB3] =	sst s10  }
0x32: {  	s10 =	sld [smem:$0x3FB1];
	_ =	sdelay $0x3  }
0x33: {  	p0 =	seq.s32 s10, $0x1;
	s10 =	sld [smem:$0x3FB3];
	_ =	sdelay $0x3  }
0x34: {  	[smem:$0x3FB3] =	sst s10  }
0x35: {  	s10 =	sld [smem:$0x3FB2];
	_ =	sdelay $0x3  }
0x36: {  	p1 =	seq.s32 s10, $0x1;
	s10 =	sld [smem:$0x3FB3];
	_ =	sdelay $0x3  }
0x37: {  	[smem:$0x3FB3] =	sst s10  }
0x38: {  	s10 =	sld [smem:$0x3FB4]  }
0x39: {  	_ = 	snop;
	(pc) =	sbr.ind lr, $3  }
0x3a: {  	_ = 	snop  }
0x3b: {  	_ = 	snop  }
0x3c: {  	p2 =	seq.s32 s10, $0x1;
	s10 =	sld [smem:$0x3FB3]  }
0x3d: {  	_ =	shalt  }
0x3e: {  	_ =	shalt  }
0x3f: {  	_ =	shalt  }
0x40: {  	_ =	shalt  }
0x41: {  	_ =	shalt  }
0x42: {  	_ =	shalt  }
0x43: {  	_ =	shalt  }
0x44: {  	_ =	shalt  }
0x45: {  	_ =	shalt  }
0x46: {  	_ =	shalt  }
0x47: {  	_ =	shalt  }
0x48: {  	_ =	shalt  }
0x49: {  	_ =	shalt  }
0x4a: {  	_ =	shalt  }
0x4b: {  	_ =	shalt  }
0x4c: {  	_ =	shalt  }
0x4d: {  	_ =	shalt  }
0x4e: {  	_ =	shalt  }
0x4f: {  	_ =	shalt  }
0x50: {  	_ =	shalt  }
0x51: {  	_ =	shalt  }
0x52: {  	_ =	shalt  }
0x53: {  	_ =	shalt  }
0x54: {  	_ =	shalt  }
0x55: {  	_ =	shalt  }
0x56: {  	_ =	shalt  }
0x57: {  	_ =	shalt  }
0x58: {  	_ =	shalt  }
0x59: {  	_ =	shalt  }
0x5a: {  	_ =	shalt  }
0x5b: {  	_ =	shalt  }
0x5c: {  	_ =	shalt  }
0x5d: {  	_ =	shalt  }
0x5e: {  	_ =	shalt  }
0x5f: {  	_ =	shalt  }
0x60: {  	_ =	shalt  }
0x61: {  	_ =	shalt  }
0x62: {  	_ =	shalt  }
0x63: {  	_ =	shalt  }
0x64: {  	_ =	shalt  }
0x65: {  	_ =	shalt  }
0x66: {  	_ =	shalt  }
0x67: {  	_ =	shalt  }
0x68: {  	_ =	shalt  }
0x69: {  	_ =	shalt  }
0x6a: {  	_ =	shalt  }
0x6b: {  	_ =	shalt  }
0x6c: {  	_ =	shalt  }
0x6d: {  	_ =	shalt  }
0x6e: {  	_ =	shalt  }
0x6f: {  	_ =	shalt  }
0x70: {  	_ =	shalt  }
0x71: {  	_ =	shalt  }
0x72: {  	_ =	shalt  }
0x73: {  	_ =	shalt  }
0x74: {  	_ =	shalt  }
0x75: {  	_ =	shalt  }
0x76: {  	_ =	shalt  }
0x77: {  	_ =	shalt  }
0x78: {  	_ =	shalt  }
0x79: {  	_ =	shalt  }
0x7a: {  	_ =	shalt  }
0x7b: {  	_ =	shalt  }
0x7c: {  	_ =	shalt  }
0x7d: {  	_ =	shalt  }
0x7e: {  	_ =	shalt  }
0x7f: {  	_ =	shalt  }
0x80: {  	_ =	shalt  }
0x81: {  	_ =	shalt  }
0x82: {  	_ =	shalt  }
0x83: {  	_ =	shalt  }
0x84: {  	_ =	shalt  }
0x85: {  	_ =	shalt  }
0x86: {  	_ =	shalt  }
0x87: {  	_ =	shalt  }
.Lfunc_end0:
.L_simem_size_0:
called_computation.1_lowered:
.L_overlay_start_0:
0x88: {  	s2 =	sld [smem:$0x3FD9]  }
0x89: {  	s3 =	sld [smem:$0x3FFE];
	_ =	sdelay $0x1  }
0x8a: {  	s1 =	srdreg.scid  }
0x8b: {  	s0 =	sand.u32 $0x1, s1  }
0x8c: {  	s15 =	sshll.u32 s0, $0xA;
	s2 =	sadd.s32 s3, s2  }
0x8d: {  	s2 =	sadd.s32 s2, s15  }
0x8e: {  	[smem:$0x3FBF] =	sst s2  }
0x8f: {  	_ = 	snop  }
0x90: {  	s2 =	sld [smem:$0x3FD0];
	_ =	sdelay $0x2  }
0x91: {  	s16 =	simm.s32 $0xC;
	s4 =	simm.s32 $0x10  }
0x92: {  	[smem:s4], [sflag:s16] =	dma.local [hbm:s2], $0x1  }
0x93: {  	_ =	swait.eq [sflag:s16], $0x1  }
0x94: {  	[sflag:s16] =	ssyncset.done $0x0  }
0x95: {  	[sflag:s16] =	ssyncadd.s32 $0xFFFFFFFF  }
0x96: {  	s17 =	sld [smem:$0x10];
	(tm) =	ssettm $0x1  }
0x97: {  	s18 =	sld [smem:$0x3FFB];
	_ =	sdelay $0x3  }
0x98: {  	_ =	strace s18  }
0x99: {  	s2 =	sld [smem:$0x3FFC];
	_ =	sdelay $0x3  }
0x9a: {  	_ =	strace s2  }
0x9b: {  	s2 =	sld [smem:$0x3FFD];
	_ =	sdelay $0x3  }
0x9c: {  	_ =	strace s2  }
0x9d: {  	_ =	strace $0x8FFFFFFF  }
0x9e: {  	s19 =	sld [smem:$0x3FDB];
	_ =	sdelay $0x1  }
0x9f: {  	s20 =	simm.s32 $_scs_section_size  }
0xa0: {  	s5 =	simm.s32 $_size__tile_overlayer_lowered;
	s6 =	simm.s32 $_tile_overlayer_lowered  }
0xa1: {  	s7 =	simm.s32 $0x1BFF;
	s21 =	sshll.u32 s6, $0x1;
	s4 =	sadd.s32 s20, s19  }
0xa2: {  	s22 =	simm.s32 $0x0;
	s5 =	sshll.u32 s5, $0x1;
	s6 =	sadd.s32 s21, s4  }
0xa3: {  	[timem:s22], [sflag:s7] =	dma.local [hbm:s6], s5  }
0xa4: {  	_ =	swait.ge [sflag:s7], s5  }
0xa5: {  	s5 =	ssub.s32 $0x0, s5;
	[sflag:s7] =	ssyncset.done $0x0  }
0xa6: {  	[sflag:s7] =	ssyncadd.s32 s5;
	_ =	sdelay $0x1  }
0xa7: {  	s23 =	simm.s32 $0x1B8B  }
0xa8: {  	_ =	swait.ge [sflag:s23], $0x1  }
0xa9: {  	[sflag:s23] =	ssyncset.done $0x0  }
0xaa: {  	[sflag:s23] =	ssyncadd.s32 $0xFFFFFFFF  }
0xab: {  	s5 =	sld [smem:$0x0]  }
0xac: {  	s6 =	sand.u32 $0xFFFFFFFE, s1  }
0xad: {  	p0 =	sne.s32 s1, s6  }
0xae: {  	s6 =	sshll.u32 @p0 s6, $0xE  }
0xaf: {  	s6 =	sadd.s32 @p0 $0x11B8D, s6;
	s7 =	sshll.u32 @p0 s5, $0x11  }
0xb0: {  	s6 =	sor.u32 @p0 s7, s6  }
0xb1: {  	[sflag:s6] =	ssyncadd.remote.s32 @p0 $0x1;
	_ =	sdelay $0x1  }
0xb2: {  	s6 =	simm.s32 @p0 $0x1B8D  }
0xb3: {  	_ =	swait.eq @p0 [sflag:s6], $0x1  }
0xb4: {  	[sflag:s6] =	ssyncadd.s32 @p0 $0xFFFFFFFF  }
0xb5: {  	s7 =	sshll.u32 @!p0 s1, $0xE  }
0xb6: {  	s7 =	sor.u32 @!p0 $0x4000, s7;
	s6 =	simm.s32 @!p0 $0x1B8D  }
0xb7: {  	s5 =	sshll.u32 @!p0 s5, $0x11;
	s7 =	sadd.s32 @!p0 $0x11B8D, s7;
	_ =	swait.eq @!p0 [sflag:s6], $0x1  }
0xb8: {  	s5 =	sor.u32 @!p0 s5, s7;
	[sflag:s6] =	ssyncadd.s32 @!p0 $0xFFFFFFFF  }
0xb9: {  	s25 =	simm.s32 $0x1B8E;
	s24 =	sld [smem:$0x3FFE];
	[sflag:s5] =	ssyncadd.remote.s32 @!p0 $0x1  }
0xba: {  	s26 =	simm.s32 $execute0_lowered;
	[smem:$0x3FD2] =	sst s25  }
0xbb: {  	s6 =	sshll.u32 s26, $0x1;
	_ =	strace $0x80000049;
	[dreg:$0x1] =	wrdreg $0xFFFFFFFF  }
0xbc: {  	s28 =	simm.s32 $_size_execute0_lowered;
	s4 =	sadd.s32 s4, s6;
	[dreg:$0x0] =	wrdreg $0x0  }
0xbd: {  	s6 =	sshll.u32 s28, $0x1;
	[dreg:$0x2] =	wrdreg s4  }
0xbe: {  	[dreg:$0x3] =	wrdreg s6  }
0xbf: {  	[dreg:$0x4] =	wrdreg $0xC0  }
0xc0: {  	_ =	task [dreg:s22], $0x5FFFF  }
0xc1: {  	[dreg:$0x1] =	wrdreg $0xFFFFFFFF  }
0xc2: {  	[dreg:$0x0] =	wrdreg $0x60  }
0xc3: {  	[dreg:$0x2] =	wrdreg s24  }
0xc4: {  	[dreg:$0x3] =	wrdreg s17  }
0xc5: {  	[dreg:$0x4] =	wrdreg $0xA  }
0xc6: {  	_ =	task.clear_ibuf [dreg:s22], $0x5FFFF;
	_ =	strace $0x90000049  }
0xc7: {  	s29 =	simm.s32 $0xA;
	_ =	strace $0x8000004B  }
0xc8: {  	_ =	swait.ge [sflag:s29], $0x1  }
0xc9: {  	[sflag:s29] =	ssyncadd.s32 $0xFFFFFFFF  }
0xca: {  	_ =	strace $0x9000004B  }
0xcb: {  	_ =	sfence  }
0xcc: {  	s30 =	sld [smem:$0x0];
	_ =	sdelay $0x2  }
0xcd: {  	s31 =	sshll.u32 s1, $0xD;
	s1 =	sshrl.u32 s1, $0x2  }
0xce: {  	s4 =	sand.u32 $0x4000, s31;
	s1 =	sadd.s32 s1, s30  }
0xcf: {  	s0 =	sor.u32 s4, s0;
	s1 =	sshll.u32 s1, $0x11  }
0xd0: {  	s0 =	sor.u32 s1, s0  }
0xd1: {  	s0 =	sadd.s32 $0x8F2B, s0  }
0xd2: {  	[sflag:s0] =	ssyncadd.remote.s32 $0x1  }
0xd3: {  	_ =	sfence.sel $0xFFFF  }
0xd4: {  	[dreg:$0x0] =	wrdreg $0xFFFFFFFF;
	(pc) =	sbr.abs _section_cstart, $3  }
0xd5: {  	[dreg:$0x1] =	wrdreg $0xFFFFFFFF  }
0xd6: {  	_ =	task.clear_ibuf [dreg:s22], $0x2FFFF;
	_ =	strace $0x9FFFFFFF  }
0xd7: {  	(tm) =	ssettm $0x7FFFFFFF  }
tec
execute0_lowered:
.L_overlay_start_1:
0x0: {  	(tag) =	ssettag $0x1  }
0x1: {  	s4 =	rddreg [dreg:$0x0]  }
0x2: {  	s5 =	rddreg [dreg:$0x1];
	s1 =	stileid.u32  }
0x3: {  	s2 =	srdreg.scid;
	s0 =	rddreg [dreg:$0x2];
	s10 =	simm.s32 $0x1A80  }
0x4: {  	s11 =	simm.s32 $0x2E80;
	s12 =	simm.s32 $0x4280;
	s13 =	simm.s32 $0x5680  }
0x5: {  	s14 =	simm.s32 $0x1;
	s15 =	simm.s32 $0x0;
	s3 =	sand.u32 $0x1, s2  }
0x6: {  	s6 =	sshll.u32 s1, $0x1;
	s2 =	simm.s32 $0x0;
	s7 =	smul.u32 $0xC800, s1  }
0x7: {  	s6 =	sor.u32 s3, s6;
	[smem:$0x7FF] =	sst s2;
	s9 =	smul.u32 $0x6400, s3  }
0x8: {  	s8 =	ssub.s32 $0x2, s3;
	s3 =	sadd.s32 $0x2E00, s4;
	s6 =	smul.u32 $0x640, s6  }
0x9: {  	_ =	strace $0x8000004A;
	s4 =	sadd.s32 s7, s4;
	s30 =	sshrl.u32 s8, $0x1  }
0xa: {  	s7 =	ssub.s32 s8, s30;
	s31 =	sadd.s32 s9, s4;
	s6 =	sshrl.u32 s6, $0x3  }
0xb: {  	s8 =	simm.s32 $0x28;
	s9 =	simm.s32 $0x680;
	s4 =	sadd.s32 s5, s6  }
0xc: {  	s5 =	smax.u32 s7, $0x1;
	s6 =	sadd.s32 $0x10B000, s31;
	s7 =	simm.s32 $0x2  }
.LBB2_1:
0xd: {  	[tilespmem:s2], [sflag:$0x2] =	stream.linear.gather [hbm4b:s4+s2], $0x640, $0x38;
	[tilespmem:$0x6A80] =	vst v63  }
0xe: {  	_ =	swait.ge [sflag:s7], $0x640  }
0xf: {  	[sflag:s7] =	ssyncset.done $0x0  }
0x10: {  	s16 =	simm.s32 $0x0;
	[sflag:s7] =	ssyncadd.s32 $0xFFFFF9C0  }
0x11: {  	[tilespmem:s9], [sflag:$0x1] =	stream.indirect.gather [hbm4b:s3+s8], $0x80, s16, s8, $0xb8;
	[tilespmem:$0x6A80] =	vst v63  }
0x12: {  	s24 =	simm.s32 $0x28  }
0x13: {  	[tilespmem:s10], [sflag:$0x1] =	stream.indirect.gather [hbm4b:s3+s8], $0x80, s24, s8, $0xb8;
	[tilespmem:$0x6A80] =	vst v63  }
0x14: {  	s25 =	simm.s32 $0x50  }
0x15: {  	[tilespmem:s11], [sflag:$0x1] =	stream.indirect.gather [hbm4b:s3+s8], $0x80, s25, s8, $0xb8;
	[tilespmem:$0x6A80] =	vst v63  }
0x16: {  	s26 =	simm.s32 $0x78  }
0x17: {  	[tilespmem:s12], [sflag:$0x1] =	stream.indirect.gather [hbm4b:s3+s8], $0x80, s26, s8, $0xb8;
	[tilespmem:$0x6A80] =	vst v63  }
0x18: {  	s28 =	simm.s32 $0xA0  }
0x19: {  	[tilespmem:s13], [sflag:$0x1] =	stream.indirect.gather [hbm4b:s3+s8], $0x80, s28, s8, $0xb8;
	[tilespmem:$0x6A80] =	vst v63  }
0x1a: {  	_ =	swait.ge [sflag:s14], $0x1400  }
0x1b: {  	[sflag:s14] =	ssyncset.done $0x0  }
0x1c: {  	s29 =	sadd.s32 $0x0, s6;
	[sflag:s14] =	ssyncadd.s32 $0xFFFFEC00  }
0x1d: {  	[hbm4b:s29+s2] =	stream.linear.scatter [tilespmem:s9], [sflag:$0x2], $0x1400, $0x38;
	[tilespmem:$0x6A80] =	vst v63  }
0x1e: {  	_ =	swait.ge [sflag:s7], $0x1400  }
0x1f: {  	[sflag:s7] =	ssyncset.done $0x0  }
0x20: {  	[sflag:s7] =	ssyncadd.s32 $0xFFFFEC00  }
0x21: {  	_ =	swait.ge [sflag:s14], $0x1400  }
0x22: {  	[sflag:s14] =	ssyncset.done $0x0  }
0x23: {  	s17 =	sadd.s32 $0x280, s29;
	[sflag:s14] =	ssyncadd.s32 $0xFFFFEC00  }
0x24: {  	[hbm4b:s17+s2] =	stream.linear.scatter [tilespmem:s10], [sflag:$0x2], $0x1400, $0x38;
	[tilespmem:$0x6A80] =	vst v63  }
0x25: {  	_ =	swait.ge [sflag:s7], $0x1400  }
0x26: {  	[sflag:s7] =	ssyncset.done $0x0  }
0x27: {  	[sflag:s7] =	ssyncadd.s32 $0xFFFFEC00  }
0x28: {  	_ =	swait.ge [sflag:s14], $0x1400  }
0x29: {  	[sflag:s14] =	ssyncset.done $0x0  }
0x2a: {  	s30 =	sadd.s32 $0x500, s29;
	[sflag:s14] =	ssyncadd.s32 $0xFFFFEC00  }
0x2b: {  	[hbm4b:s30+s2] =	stream.linear.scatter [tilespmem:s11], [sflag:$0x2], $0x1400, $0x38;
	[tilespmem:$0x6A80] =	vst v63  }
0x2c: {  	_ =	swait.ge [sflag:s7], $0x1400  }
0x2d: {  	[sflag:s7] =	ssyncset.done $0x0  }
0x2e: {  	[sflag:s7] =	ssyncadd.s32 $0xFFFFEC00  }
0x2f: {  	_ =	swait.ge [sflag:s14], $0x1400  }
0x30: {  	[sflag:s14] =	ssyncset.done $0x0  }
0x31: {  	s31 =	sadd.s32 $0x780, s29;
	[sflag:s14] =	ssyncadd.s32 $0xFFFFEC00  }
0x32: {  	[hbm4b:s31+s2] =	stream.linear.scatter [tilespmem:s12], [sflag:$0x2], $0x1400, $0x38;
	[tilespmem:$0x6A80] =	vst v63  }
0x33: {  	_ =	swait.ge [sflag:s7], $0x1400  }
0x34: {  	[sflag:s7] =	ssyncset.done $0x0  }
0x35: {  	[sflag:s7] =	ssyncadd.s32 $0xFFFFEC00  }
0x36: {  	_ =	swait.ge [sflag:s14], $0x1400  }
0x37: {  	[sflag:s14] =	ssyncset.done $0x0  }
0x38: {  	s16 =	sadd.s32 $0xA00, s29;
	[sflag:s14] =	ssyncadd.s32 $0xFFFFEC00  }
0x39: {  	[hbm4b:s16+s2] =	stream.linear.scatter [tilespmem:s13], [sflag:$0x2], $0x1400, $0x38;
	[tilespmem:$0x6A80] =	vst v63  }
0x3a: {  	s18 =	simm.s32 $0x1900;
	_ =	swait.ge [sflag:s7], $0x1400  }
0x3b: {  	s17 =	simm.s32 $0x168;
	s16 =	simm.s32 $0xC80;
	[sflag:s7] =	ssyncset.done $0x0  }
.LBB2_2:
0x3c: {  	p0 =	sne.s32 s18, $0x5780;
	s19 =	sadd.s32 $0xFFFFFF60, s17;
	[sflag:s7] =	ssyncadd.s32 $0xFFFFEC00  }
0x3d: {  	[tilespmem:s9], [sflag:$0x1] =	stream.indirect.gather [hbm4b:s3+s8], $0x80, s19, s8, $0xb8;
	[tilespmem:$0x6A80] =	vst v63  }
0x3e: {  	s20 =	smov.u32 s18;
	s18 =	sadd.s32 $0xC80, s18;
	s19 =	sadd.s32 $0xFFFFFF88, s17  }
0x3f: {  	[tilespmem:s10], [sflag:$0x1] =	stream.indirect.gather [hbm4b:s3+s8], $0x80, s19, s8, $0xb8;
	[tilespmem:$0x6A80] =	vst v63  }
0x40: {  	s19 =	sadd.s32 $0xFFFFFFB0, s17  }
0x41: {  	[tilespmem:s11], [sflag:$0x1] =	stream.indirect.gather [hbm4b:s3+s8], $0x80, s19, s8, $0xb8;
	[tilespmem:$0x6A80] =	vst v63  }
0x42: {  	s19 =	sadd.s32 $0xFFFFFFD8, s17  }
0x43: {  	[tilespmem:s12], [sflag:$0x1] =	stream.indirect.gather [hbm4b:s3+s8], $0x80, s19, s8, $0xb8;
	[tilespmem:$0x6A80] =	vst v63  }
0x44: {  	_ = 	snop  }
0x45: {  	[tilespmem:s13], [sflag:$0x1] =	stream.indirect.gather [hbm4b:s3+s8], $0x80, s17, s8, $0xb8;
	[tilespmem:$0x6A80] =	vst v63  }
0x46: {  	_ =	swait.ge [sflag:s14], $0x1400  }
0x47: {  	[sflag:s14] =	ssyncset.done $0x0  }
0x48: {  	s19 =	sadd.s32 s16, s6;
	s16 =	smov.u32 s20;
	[sflag:s14] =	ssyncadd.s32 $0xFFFFEC00  }
0x49: {  	[hbm4b:s19+s2] =	stream.linear.scatter [tilespmem:s9], [sflag:$0x2], $0x1400, $0x38;
	[tilespmem:$0x6A80] =	vst v63  }
0x4a: {  	_ =	swait.ge [sflag:s7], $0x1400  }
0x4b: {  	[sflag:s7] =	ssyncset.done $0x0  }
0x4c: {  	[sflag:s7] =	ssyncadd.s32 $0xFFFFEC00  }
0x4d: {  	_ =	swait.ge [sflag:s14], $0x1400  }
0x4e: {  	[sflag:s14] =	ssyncset.done $0x0  }
0x4f: {  	s20 =	sadd.s32 $0x280, s19;
	[sflag:s14] =	ssyncadd.s32 $0xFFFFEC00  }
0x50: {  	[hbm4b:s20+s2] =	stream.linear.scatter [tilespmem:s10], [sflag:$0x2], $0x1400, $0x38;
	[tilespmem:$0x6A80] =	vst v63  }
0x51: {  	_ =	swait.ge [sflag:s7], $0x1400  }
0x52: {  	[sflag:s7] =	ssyncset.done $0x0  }
0x53: {  	[sflag:s7] =	ssyncadd.s32 $0xFFFFEC00  }
0x54: {  	_ =	swait.ge [sflag:s14], $0x1400  }
0x55: {  	[sflag:s14] =	ssyncset.done $0x0  }
0x56: {  	s20 =	sadd.s32 $0x500, s19;
	[sflag:s14] =	ssyncadd.s32 $0xFFFFEC00  }
0x57: {  	[hbm4b:s20+s2] =	stream.linear.scatter [tilespmem:s11], [sflag:$0x2], $0x1400, $0x38;
	[tilespmem:$0x6A80] =	vst v63  }
0x58: {  	_ =	swait.ge [sflag:s7], $0x1400  }
0x59: {  	[sflag:s7] =	ssyncset.done $0x0  }
0x5a: {  	[sflag:s7] =	ssyncadd.s32 $0xFFFFEC00  }
0x5b: {  	_ =	swait.ge [sflag:s14], $0x1400  }
0x5c: {  	[sflag:s14] =	ssyncset.done $0x0  }
0x5d: {  	s20 =	sadd.s32 $0x780, s19;
	[sflag:s14] =	ssyncadd.s32 $0xFFFFEC00  }
0x5e: {  	[hbm4b:s20+s2] =	stream.linear.scatter [tilespmem:s12], [sflag:$0x2], $0x1400, $0x38;
	[tilespmem:$0x6A80] =	vst v63  }
0x5f: {  	_ =	swait.ge [sflag:s7], $0x1400  }
0x60: {  	[sflag:s7] =	ssyncset.done $0x0  }
0x61: {  	[sflag:s7] =	ssyncadd.s32 $0xFFFFEC00  }
0x62: {  	_ =	swait.ge [sflag:s14], $0x1400  }
.Ltmp0:
0x63: {  	[sflag:s14] =	ssyncset.done $0x0;
	(pc) =	sbr.rel @p0 .LBB2_2-.Ltmp0, $4  }
0x64: {  	s19 =	sadd.s32 $0xA00, s19;
	[sflag:s14] =	ssyncadd.s32 $0xFFFFEC00  }
0x65: {  	[hbm4b:s19+s2] =	stream.linear.scatter [tilespmem:s13], [sflag:$0x2], $0x1400, $0x38;
	[tilespmem:$0x6A80] =	vst v63  }
0x66: {  	_ =	swait.ge [sflag:s7], $0x1400  }
0x67: {  	s17 =	sadd.s32 $0xC8, s17;
	[sflag:s7] =	ssyncset.done $0x0  }
0x68: {  	s18 =	sadd.s32 $0xFFFFFF60, s17;
	[sflag:s7] =	ssyncadd.s32 $0xFFFFEC00  }
0x69: {  	[tilespmem:s9], [sflag:$0x1] =	stream.indirect.gather [hbm4b:s3+s8], $0x80, s18, s8, $0xb8;
	[tilespmem:$0x6A80] =	vst v63  }
0x6a: {  	s25 =	sadd.s32 $0xFFFFFF88, s17  }
0x6b: {  	[tilespmem:s10], [sflag:$0x1] =	stream.indirect.gather [hbm4b:s3+s8], $0x80, s25, s8, $0xb8;
	[tilespmem:$0x6A80] =	vst v63  }
0x6c: {  	s26 =	sadd.s32 $0xFFFFFFB0, s17  }
0x6d: {  	[tilespmem:s11], [sflag:$0x1] =	stream.indirect.gather [hbm4b:s3+s8], $0x80, s26, s8, $0xb8;
	[tilespmem:$0x6A80] =	vst v63  }
0x6e: {  	s28 =	sadd.s32 $0xFFFFFFD8, s17  }
0x6f: {  	[tilespmem:s12], [sflag:$0x1] =	stream.indirect.gather [hbm4b:s3+s8], $0x80, s28, s8, $0xb8;
	[tilespmem:$0x6A80] =	vst v63  }
0x70: {  	_ = 	snop  }
0x71: {  	[tilespmem:s13], [sflag:$0x1] =	stream.indirect.gather [hbm4b:s3+s8], $0x80, s17, s8, $0xb8;
	[tilespmem:$0x6A80] =	vst v63  }
0x72: {  	_ =	swait.ge [sflag:s14], $0x1400  }
0x73: {  	[sflag:s14] =	ssyncset.done $0x0  }
0x74: {  	s16 =	sadd.s32 s16, s6;
	[sflag:s14] =	ssyncadd.s32 $0xFFFFEC00  }
0x75: {  	[hbm4b:s16+s2] =	stream.linear.scatter [tilespmem:s9], [sflag:$0x2], $0x1400, $0x38;
	[tilespmem:$0x6A80] =	vst v63  }
0x76: {  	_ =	swait.ge [sflag:s7], $0x1400  }
0x77: {  	[sflag:s7] =	ssyncset.done $0x0  }
0x78: {  	[sflag:s7] =	ssyncadd.s32 $0xFFFFEC00  }
0x79: {  	_ =	swait.ge [sflag:s14], $0x1400  }
0x7a: {  	[sflag:s14] =	ssyncset.done $0x0  }
0x7b: {  	s29 =	sadd.s32 $0x280, s16;
	[sflag:s14] =	ssyncadd.s32 $0xFFFFEC00  }
0x7c: {  	[hbm4b:s29+s2] =	stream.linear.scatter [tilespmem:s10], [sflag:$0x2], $0x1400, $0x38;
	[tilespmem:$0x6A80] =	vst v63  }
0x7d: {  	_ =	swait.ge [sflag:s7], $0x1400  }
0x7e: {  	[sflag:s7] =	ssyncset.done $0x0  }
0x7f: {  	[sflag:s7] =	ssyncadd.s32 $0xFFFFEC00  }
0x80: {  	_ =	swait.ge [sflag:s14], $0x1400  }
0x81: {  	[sflag:s14] =	ssyncset.done $0x0  }
0x82: {  	s30 =	sadd.s32 $0x500, s16;
	[sflag:s14] =	ssyncadd.s32 $0xFFFFEC00  }
0x83: {  	[hbm4b:s30+s2] =	stream.linear.scatter [tilespmem:s11], [sflag:$0x2], $0x1400, $0x38;
	[tilespmem:$0x6A80] =	vst v63  }
0x84: {  	_ =	swait.ge [sflag:s7], $0x1400  }
0x85: {  	[sflag:s7] =	ssyncset.done $0x0  }
0x86: {  	[sflag:s7] =	ssyncadd.s32 $0xFFFFEC00  }
0x87: {  	_ =	swait.ge [sflag:s14], $0x1400  }
0x88: {  	[sflag:s14] =	ssyncset.done $0x0  }
0x89: {  	s31 =	sadd.s32 $0x780, s16;
	[sflag:s14] =	ssyncadd.s32 $0xFFFFEC00  }
0x8a: {  	[hbm4b:s31+s2] =	stream.linear.scatter [tilespmem:s12], [sflag:$0x2], $0x1400, $0x38;
	[tilespmem:$0x6A80] =	vst v63  }
0x8b: {  	_ =	swait.ge [sflag:s7], $0x1400  }
0x8c: {  	[sflag:s7] =	ssyncset.done $0x0  }
0x8d: {  	[sflag:s7] =	ssyncadd.s32 $0xFFFFEC00  }
0x8e: {  	s15 =	sadd.s32 $0x1, s15;
	_ =	swait.ge [sflag:s14], $0x1400  }
0x8f: {  	p0 =	sne.s32 s15, s5;
	[sflag:s14] =	ssyncset.done $0x0  }
.Ltmp1:
0x90: {  	s16 =	sadd.s32 $0xA00, s16;
	[sflag:s14] =	ssyncadd.s32 $0xFFFFEC00;
	(pc) =	sbr.rel @p0 .LBB2_1-.Ltmp1, $4  }
0x91: {  	[hbm4b:s16+s2] =	stream.linear.scatter [tilespmem:s13], [sflag:$0x2], $0x1400, $0x38;
	[tilespmem:$0x6A80] =	vst v63  }
0x92: {  	_ =	swait.ge [sflag:s7], $0x1400  }
0x93: {  	[sflag:s7] =	ssyncset.done $0x0  }
0x94: {  	[sflag:s7] =	ssyncadd.s32 $0xFFFFEC00  }
0x95: {  	_ =	sfence.sel $0x180000  }
0x96: {  	[bflag:$0x0] =	sbarrier.arrive $0xFFFF  }
0x97: {  	p0 =	sne.s32 s1, $0x0;
	_ =	strace $0x9000004A  }
0x98: {  	s0 =	sadd.s32 @!p0 $0x100000, s0;
	[bflag:$0x2] =	sbarrier.arrive $0xFFFF  }
0x99: {  	[sflag:s0] =	ssyncadd.tile.s32 @!p0 $0x1;
	_ =	shalt  }
.Lfunc_end2:
_tile_overlayer_lowered:
.L_overlay_start_2:
0x9a: {  	(tag) =	ssettag $0x2  }
0x9b: {  	s0 =	rddreg [dreg:$0x0];
	s2 =	stileid.u32  }
0x9c: {  	s1 =	rddreg [dreg:$0x1];
	p0 =	sne.s32 s2, $0x0  }
0x9d: {  	s3 =	rddreg [dreg:$0x2];
	[bflag:$0x3] =	sbarrier.arrive $0xFFFF;
	s2 =	simm.s32 @!p0 $0x1C02  }
0x9e: {  	[timem:s3], [sflag:s2] =	dma.local @!p0 [hbm:s0], s1  }
0x9f: {  	s0 =	simm.s32 @!p0 $0x2  }
0xa0: {  	_ =	swait.ge @!p0 [sflag:s0], s1  }
0xa1: {  	s1 =	ssub.s32 @!p0 $0x0, s1;
	[sflag:s0] =	ssyncset.done @!p0 $0x0  }
0xa2: {  	[sflag:s0] =	ssyncadd.s32 @!p0 s1  }
0xa3: {  	[bflag:$0x3] =	sbarrier.arrive $0xFFFF  }
0xa4: {  	_ =	shalt  }

// kernel: kernel.18.cloned.1.call-start
scs
__scs_entry_jumppad:
0x0: {  	(pc) =	sbr.rel $0x88, $3  }
0x1: {  	(tag) =	ssettag $0x0;
	lr =	simm.s32 $0x1  }
0x2: {  	[smem:$0x3F98] =	sst lr;
	_ =	strace $0xD0000000  }
0x3: {  	_ = 	snop  }
0x4: {  	_ = 	snop  }
0x5: {  	_ = 	snop  }
0x6: {  	_ = 	snop  }
0x7: {  	_ = 	snop  }
__scs_overlays_trampoline_lowered:
0x8: {  	[smem:$0x3FA7] =	sst s0  }
0x9: {  	[smem:$0x3FA8] =	sst s1  }
0xa: {  	[smem:$0x3FA9] =	sst s2  }
0xb: {  	[smem:$0x3FAA] =	sst s3  }
0xc: {  	[smem:$0x3FAB] =	sst s4  }
0xd: {  	[smem:$0x3FAC] =	sst s5  }
0xe: {  	[smem:$0x3FAD] =	sst s6  }
0xf: {  	[smem:$0x3FAE] =	sst s7  }
0x10: {  	[smem:$0x3FAF] =	sst s8  }
0x11: {  	[smem:$0x3FB0] =	sst s9;
	s0 =	simm.s32 @!p0 $0x0  }
0x12: {  	s1 =	sld [smem:$0x3F96];
	s0 =	simm.s32 @p0 $0x1  }
0x13: {  	[smem:$0x3FB1] =	sst s0;
	s0 =	simm.s32 @!p1 $0x0  }
0x14: {  	s2 =	sld [smem:$0x3F95];
	s0 =	simm.s32 @p1 $0x1  }
0x15: {  	[smem:$0x3FB2] =	sst s0;
	s0 =	simm.s32 @!p2 $0x0  }
0x16: {  	s3 =	sld [smem:$0x3FDB];
	s0 =	simm.s32 @p2 $0x1  }
0x17: {  	s4 =	simm.s32 $0x1BF5;
	[smem:$0x3FB4] =	sst s0  }
0x18: {  	s0 =	sld [smem:$0x3F97];
	_ =	swait.ge [sflag:s4], $0x0  }
0x19: {  	s7 =	sld [smem:$0x3F98]  }
0x1a: {  	s8 =	sadd.s32 $0xFFFFE003, lr  }
0x1b: {  	s9 =	sadd.s32 $0xFFFFFEF7, lr;
	s5 =	simm.s32 $0xFFFFFFFF;
	p2 =	slt.u32 s8, $0xFFFFF086  }
0x1c: {  	p1 =	slt.u32 s9, $0xF7A;
	s5 =	simm.s32 @!p2 $0x0  }
0x1d: {  	s5 =	simm.s32 @p1 $0x1;
	p0 =	seq.s32 s7, s2  }
0x1e: {  	s7 =	smul.u32 @!p0 $0xF7A, s2;
	p2 =	seq.s32 @!p0 s5, $0x0  }
0x1f: {  	s9 =	smul.u32 $0xF7A, s1;
	s8 =	simm.s32 @!p0 $0x1BF5;
	p2 =	por !p2, p0  }
0x20: {  	[sflag:s8] =	ssyncset.s32 @!p0 $0xFFFFF086;
	s6 =	sadd.s32 @!p0 s3, s7;
	s7 =	simm.s32 @!p0 $0x108  }
0x21: {  	s3 =	sadd.s32 s3, s9;
	s6 =	sadd.s32 @!p0 $0x88, s6;
	s7 =	simm.s32 @p2 $0x1082  }
0x22: {  	[simem:s7], [sflag:s8] =	dma.local @!p0 [hbm:s6], $0xF7A  }
0x23: {  	s9 =	sor.u32 $0xD0000000, s2;
	s6 =	simm.s32 $0x108;
	_ =	swait.ge @!p0 [sflag:s8], $0x0  }
0x24: {  	s3 =	sadd.s32 $0x88, s3;
	s6 =	simm.s32 @!p1 $0x1082;
	[sflag:s4] =	ssyncset.s32 $0xFFFFF086  }
0x25: {  	[simem:s6], [sflag:s4] =	dma.local [hbm:s3], $0xF7A  }
0x26: {  	[smem:$0x3F98] =	sst s1;
	(tag) =	ssettag s2;
	_ =	strace s9  }
0x27: {  	s1 =	sld [smem:$0x3FA8]  }
0x28: {  	s2 =	sld [smem:$0x3FA9]  }
0x29: {  	s4 =	sld [smem:$0x3FAB]  }
0x2a: {  	p0 =	seq.s32 s5, $0x0;
	s5 =	sld [smem:$0x3FAC]  }
0x2b: {  	s6 =	sld [smem:$0x3FAD]  }
0x2c: {  	s7 =	sld [smem:$0x3FAE]  }
0x2d: {  	s3 =	simm.s32 $0x108;
	s8 =	sld [smem:$0x3FAF]  }
0x2e: {  	s3 =	simm.s32 @!p0 $0x1082;
	s9 =	sld [smem:$0x3FB0]  }
0x2f: {  	lr =	sadd.s32 s0, s3;
	s0 =	sld [smem:$0x3FA7]  }
0x30: {  	s3 =	sld [smem:$0x3FAA]  }
0x31: {  	[smem:$0x3FB3] =	sst s10  }
0x32: {  	s10 =	sld [smem:$0x3FB1];
	_ =	sdelay $0x3  }
0x33: {  	p0 =	seq.s32 s10, $0x1;
	s10 =	sld [smem:$0x3FB3];
	_ =	sdelay $0x3  }
0x34: {  	[smem:$0x3FB3] =	sst s10  }
0x35: {  	s10 =	sld [smem:$0x3FB2];
	_ =	sdelay $0x3  }
0x36: {  	p1 =	seq.s32 s10, $0x1;
	s10 =	sld [smem:$0x3FB3];
	_ =	sdelay $0x3  }
0x37: {  	[smem:$0x3FB3] =	sst s10  }
0x38: {  	s10 =	sld [smem:$0x3FB4]  }
0x39: {  	_ = 	snop;
	(pc) =	sbr.ind lr, $3  }
0x3a: {  	_ = 	snop  }
0x3b: {  	_ = 	snop  }
0x3c: {  	p2 =	seq.s32 s10, $0x1;
	s10 =	sld [smem:$0x3FB3]  }
0x3d: {  	_ =	shalt  }
0x3e: {  	_ =	shalt  }
0x3f: {  	_ =	shalt  }
0x40: {  	_ =	shalt  }
0x41: {  	_ =	shalt  }
0x42: {  	_ =	shalt  }
0x43: {  	_ =	shalt  }
0x44: {  	_ =	shalt  }
0x45: {  	_ =	shalt  }
0x46: {  	_ =	shalt  }
0x47: {  	_ =	shalt  }
0x48: {  	_ =	shalt  }
0x49: {  	_ =	shalt  }
0x4a: {  	_ =	shalt  }
0x4b: {  	_ =	shalt  }
0x4c: {  	_ =	shalt  }
0x4d: {  	_ =	shalt  }
0x4e: {  	_ =	shalt  }
0x4f: {  	_ =	shalt  }
0x50: {  	_ =	shalt  }
0x51: {  	_ =	shalt  }
0x52: {  	_ =	shalt  }
0x53: {  	_ =	shalt  }
0x54: {  	_ =	shalt  }
0x55: {  	_ =	shalt  }
0x56: {  	_ =	shalt  }
0x57: {  	_ =	shalt  }
0x58: {  	_ =	shalt  }
0x59: {  	_ =	shalt  }
0x5a: {  	_ =	shalt  }
0x5b: {  	_ =	shalt  }
0x5c: {  	_ =	shalt  }
0x5d: {  	_ =	shalt  }
0x5e: {  	_ =	shalt  }
0x5f: {  	_ =	shalt  }
0x60: {  	_ =	shalt  }
0x61: {  	_ =	shalt  }
0x62: {  	_ =	shalt  }
0x63: {  	_ =	shalt  }
0x64: {  	_ =	shalt  }
0x65: {  	_ =	shalt  }
0x66: {  	_ =	shalt  }
0x67: {  	_ =	shalt  }
0x68: {  	_ =	shalt  }
0x69: {  	_ =	shalt  }
0x6a: {  	_ =	shalt  }
0x6b: {  	_ =	shalt  }
0x6c: {  	_ =	shalt  }
0x6d: {  	_ =	shalt  }
0x6e: {  	_ =	shalt  }
0x6f: {  	_ =	shalt  }
0x70: {  	_ =	shalt  }
0x71: {  	_ =	shalt  }
0x72: {  	_ =	shalt  }
0x73: {  	_ =	shalt  }
0x74: {  	_ =	shalt  }
0x75: {  	_ =	shalt  }
0x76: {  	_ =	shalt  }
0x77: {  	_ =	shalt  }
0x78: {  	_ =	shalt  }
0x79: {  	_ =	shalt  }
0x7a: {  	_ =	shalt  }
0x7b: {  	_ =	shalt  }
0x7c: {  	_ =	shalt  }
0x7d: {  	_ =	shalt  }
0x7e: {  	_ =	shalt  }
0x7f: {  	_ =	shalt  }
0x80: {  	_ =	shalt  }
0x81: {  	_ =	shalt  }
0x82: {  	_ =	shalt  }
0x83: {  	_ =	shalt  }
0x84: {  	_ =	shalt  }
0x85: {  	_ =	shalt  }
0x86: {  	_ =	shalt  }
0x87: {  	_ =	shalt  }
.Lfunc_end0:
.L_simem_size_0:
called_computation.2_lowered:
.L_overlay_start_0:
0x88: {  	s2 =	sld [smem:$0x3FD9]  }
0x89: {  	s3 =	sld [smem:$0x3FFE];
	_ =	sdelay $0x1  }
0x8a: {  	s1 =	srdreg.scid  }
0x8b: {  	s0 =	sand.u32 $0x1, s1  }
0x8c: {  	s14 =	sshll.u32 s0, $0xA;
	s2 =	sadd.s32 s3, s2  }
0x8d: {  	s2 =	sadd.s32 s2, s14  }
0x8e: {  	[smem:$0x3FBF] =	sst s2  }
0x8f: {  	_ = 	snop  }
0x90: {  	s2 =	sld [smem:$0x3FD0];
	_ =	sdelay $0x2  }
0x91: {  	s15 =	simm.s32 $0xC;
	s4 =	simm.s32 $0x10  }
0x92: {  	[smem:s4], [sflag:s15] =	dma.local [hbm:s2], $0x1  }
0x93: {  	_ =	swait.eq [sflag:s15], $0x1  }
0x94: {  	[sflag:s15] =	ssyncset.done $0x0  }
0x95: {  	[sflag:s15] =	ssyncadd.s32 $0xFFFFFFFF  }
0x96: {  	s16 =	sld [smem:$0x11];
	(tm) =	ssettm $0x1  }
0x97: {  	s17 =	sld [smem:$0x3FFB];
	_ =	sdelay $0x3  }
0x98: {  	_ =	strace s17  }
0x99: {  	s3 =	sld [smem:$0x3FFC];
	_ =	sdelay $0x3  }
0x9a: {  	_ =	strace s3  }
0x9b: {  	s3 =	sld [smem:$0x3FFD];
	_ =	sdelay $0x3  }
0x9c: {  	_ =	strace s3  }
0x9d: {  	_ =	strace $0x8FFFFFFF  }
0x9e: {  	s18 =	sld [smem:$0x3FDB];
	_ =	sdelay $0x1  }
0x9f: {  	s19 =	simm.s32 $_scs_section_size  }
0xa0: {  	s5 =	simm.s32 $_size__tile_overlayer_lowered;
	s6 =	simm.s32 $_tile_overlayer_lowered  }
0xa1: {  	s22 =	simm.s32 $0x1BFF;
	s21 =	sshll.u32 s6, $0x1;
	s3 =	sadd.s32 s19, s18  }
0xa2: {  	s7 =	simm.s32 $0x0;
	s20 =	sshll.u32 s5, $0x1;
	s5 =	sadd.s32 s21, s3  }
0xa3: {  	[timem:s7], [sflag:s22] =	dma.local [hbm:s5], s20  }
0xa4: {  	_ =	swait.ge [sflag:s22], s20  }
0xa5: {  	s4 =	ssub.s32 $0x0, s20;
	[sflag:s22] =	ssyncset.done $0x0  }
0xa6: {  	[sflag:s22] =	ssyncadd.s32 s4;
	_ =	sdelay $0x1  }
0xa7: {  	s23 =	simm.s32 $0x1B8B  }
0xa8: {  	_ =	swait.ge [sflag:s23], $0x1  }
0xa9: {  	[sflag:s23] =	ssyncset.done $0x0  }
0xaa: {  	s25 =	simm.s32 $0x1B8E;
	s24 =	sld [smem:$0x3FFE];
	[sflag:s23] =	ssyncadd.s32 $0xFFFFFFFF  }
0xab: {  	s26 =	simm.s32 $execute0_lowered;
	[smem:$0x3FD2] =	sst s25  }
0xac: {  	s5 =	sshll.u32 s26, $0x1;
	_ =	strace $0x80000046;
	[dreg:$0x1] =	wrdreg $0xFFFFFFFF  }
0xad: {  	s28 =	simm.s32 $_size_execute0_lowered;
	s3 =	sadd.s32 s3, s5;
	[dreg:$0x0] =	wrdreg $0x0  }
0xae: {  	s5 =	sshll.u32 s28, $0x1;
	[dreg:$0x2] =	wrdreg s3  }
0xaf: {  	[dreg:$0x3] =	wrdreg s5  }
0xb0: {  	[dreg:$0x4] =	wrdreg $0xC0  }
0xb1: {  	_ =	task [dreg:s7], $0x5FFFF  }
0xb2: {  	[dreg:$0x1] =	wrdreg $0xFFFFFFFF  }
0xb3: {  	[dreg:$0x0] =	wrdreg $0x60  }
0xb4: {  	[dreg:$0x2] =	wrdreg s24  }
0xb5: {  	[dreg:$0x3] =	wrdreg s16  }
0xb6: {  	[dreg:$0x4] =	wrdreg $0xB  }
0xb7: {  	_ =	task.clear_ibuf [dreg:s7], $0x5FFFF;
	_ =	strace $0x90000046  }
0xb8: {  	s29 =	simm.s32 $0xB;
	_ =	strace $0x80000048  }
0xb9: {  	_ =	swait.ge [sflag:s29], $0x1  }
0xba: {  	[sflag:s29] =	ssyncadd.s32 $0xFFFFFFFF  }
0xbb: {  	_ =	strace $0x90000048  }
0xbc: {  	_ =	sfence  }
0xbd: {  	s30 =	sld [smem:$0x0];
	_ =	sdelay $0x2  }
0xbe: {  	s31 =	sshll.u32 s1, $0xD;
	s1 =	sshrl.u32 s1, $0x2  }
0xbf: {  	s3 =	sand.u32 $0x4000, s31;
	s1 =	sadd.s32 s1, s30  }
0xc0: {  	s0 =	sor.u32 s3, s0;
	s1 =	sshll.u32 s1, $0x11  }
0xc1: {  	s0 =	sor.u32 s1, s0  }
0xc2: {  	s0 =	sadd.s32 $0x8F2B, s0  }
0xc3: {  	[sflag:s0] =	ssyncadd.remote.s32 $0x1  }
0xc4: {  	_ =	sfence.sel $0xFFFF  }
0xc5: {  	[dreg:$0x0] =	wrdreg $0xFFFFFFFF;
	(pc) =	sbr.abs _section_cstart, $3  }
0xc6: {  	[dreg:$0x1] =	wrdreg $0xFFFFFFFF  }
0xc7: {  	_ =	task.clear_ibuf [dreg:s7], $0x2FFFF;
	_ =	strace $0x9FFFFFFF  }
0xc8: {  	(tm) =	ssettm $0x7FFFFFFF  }
0xc9: {  	_ =	shalt  }
tec
execute0_lowered:
.L_overlay_start_1:
0x0: {  	(tag) =	ssettag $0x1  }
0x1: {  	s4 =	rddreg [dreg:$0x0]  }
0x2: {  	s5 =	rddreg [dreg:$0x1];
	s1 =	stileid.u32  }
0x3: {  	s2 =	srdreg.scid;
	s0 =	rddreg [dreg:$0x2];
	s10 =	simm.s32 $0x1B80  }
0x4: {  	s11 =	simm.s32 $0x2F80;
	s12 =	simm.s32 $0x4380;
	s13 =	simm.s32 $0x5780  }
0x5: {  	s14 =	simm.s32 $0x1;
	s15 =	simm.s32 $0x0;
	s3 =	sand.u32 $0x1, s2  }
0x6: {  	s6 =	sshll.u32 s1, $0x1;
	s2 =	simm.s32 $0x0;
	s7 =	smul.u32 $0xE100, s1  }
0x7: {  	s6 =	sor.u32 s3, s6;
	[smem:$0x7FF] =	sst s2;
	s9 =	smul.u32 $0x7080, s3  }
0x8: {  	s8 =	ssub.s32 $0x2, s3;
	s3 =	sadd.s32 $0x2E00, s4;
	s6 =	smul.u32 $0x708, s6  }
0x9: {  	_ =	strace $0x80000047;
	s4 =	sadd.s32 s7, s4;
	s30 =	sshrl.u32 s8, $0x1  }
0xa: {  	s7 =	ssub.s32 s8, s30;
	s31 =	sadd.s32 s9, s4;
	s6 =	sshrl.u32 s6, $0x3  }
0xb: {  	s8 =	simm.s32 $0x28;
	s9 =	simm.s32 $0x780;
	s4 =	sadd.s32 s5, s6  }
0xc: {  	s5 =	smax.u32 s7, $0x1;
	s6 =	sadd.s32 $0x2A000, s31;
	s7 =	simm.s32 $0x2  }
.LBB2_1:
0xd: {  	[tilespmem:s2], [sflag:$0x2] =	stream.linear.gather [hbm4b:s4+s2], $0x708, $0x38;
	[tilespmem:$0x6B80] =	vst v63  }
0xe: {  	_ =	swait.ge [sflag:s7], $0x708  }
0xf: {  	[sflag:s7] =	ssyncset.done $0x0  }
0x10: {  	s16 =	simm.s32 $0x0;
	[sflag:s7] =	ssyncadd.s32 $0xFFFFF8F8  }
0x11: {  	[tilespmem:s9], [sflag:$0x1] =	stream.indirect.gather [hbm4b:s3+s8], $0x80, s16, s8, $0xb8;
	[tilespmem:$0x6B80] =	vst v63  }
0x12: {  	s24 =	simm.s32 $0x28  }
0x13: {  	[tilespmem:s10], [sflag:$0x1] =	stream.indirect.gather [hbm4b:s3+s8], $0x80, s24, s8, $0xb8;
	[tilespmem:$0x6B80] =	vst v63  }
0x14: {  	s25 =	simm.s32 $0x50  }
0x15: {  	[tilespmem:s11], [sflag:$0x1] =	stream.indirect.gather [hbm4b:s3+s8], $0x80, s25, s8, $0xb8;
	[tilespmem:$0x6B80] =	vst v63  }
0x16: {  	s26 =	simm.s32 $0x78  }
0x17: {  	[tilespmem:s12], [sflag:$0x1] =	stream.indirect.gather [hbm4b:s3+s8], $0x80, s26, s8, $0xb8;
	[tilespmem:$0x6B80] =	vst v63  }
0x18: {  	s28 =	simm.s32 $0xA0  }
0x19: {  	[tilespmem:s13], [sflag:$0x1] =	stream.indirect.gather [hbm4b:s3+s8], $0x80, s28, s8, $0xb8;
	[tilespmem:$0x6B80] =	vst v63  }
0x1a: {  	_ =	swait.ge [sflag:s14], $0x1400  }
0x1b: {  	[sflag:s14] =	ssyncset.done $0x0  }
0x1c: {  	s29 =	sadd.s32 $0x0, s6;
	[sflag:s14] =	ssyncadd.s32 $0xFFFFEC00  }
0x1d: {  	[hbm4b:s29+s2] =	stream.linear.scatter [tilespmem:s9], [sflag:$0x2], $0x1400, $0x38;
	[tilespmem:$0x6B80] =	vst v63  }
0x1e: {  	_ =	swait.ge [sflag:s7], $0x1400  }
0x1f: {  	[sflag:s7] =	ssyncset.done $0x0  }
0x20: {  	[sflag:s7] =	ssyncadd.s32 $0xFFFFEC00  }
0x21: {  	_ =	swait.ge [sflag:s14], $0x1400  }
0x22: {  	[sflag:s14] =	ssyncset.done $0x0  }
0x23: {  	s17 =	sadd.s32 $0x280, s29;
	[sflag:s14] =	ssyncadd.s32 $0xFFFFEC00  }
0x24: {  	[hbm4b:s17+s2] =	stream.linear.scatter [tilespmem:s10], [sflag:$0x2], $0x1400, $0x38;
	[tilespmem:$0x6B80] =	vst v63  }
0x25: {  	_ =	swait.ge [sflag:s7], $0x1400  }
0x26: {  	[sflag:s7] =	ssyncset.done $0x0  }
0x27: {  	[sflag:s7] =	ssyncadd.s32 $0xFFFFEC00  }
0x28: {  	_ =	swait.ge [sflag:s14], $0x1400  }
0x29: {  	[sflag:s14] =	ssyncset.done $0x0  }
0x2a: {  	s30 =	sadd.s32 $0x500, s29;
	[sflag:s14] =	ssyncadd.s32 $0xFFFFEC00  }
0x2b: {  	[hbm4b:s30+s2] =	stream.linear.scatter [tilespmem:s11], [sflag:$0x2], $0x1400, $0x38;
	[tilespmem:$0x6B80] =	vst v63  }
0x2c: {  	_ =	swait.ge [sflag:s7], $0x1400  }
0x2d: {  	[sflag:s7] =	ssyncset.done $0x0  }
0x2e: {  	[sflag:s7] =	ssyncadd.s32 $0xFFFFEC00  }
0x2f: {  	_ =	swait.ge [sflag:s14], $0x1400  }
0x30: {  	[sflag:s14] =	ssyncset.done $0x0  }
0x31: {  	s31 =	sadd.s32 $0x780, s29;
	[sflag:s14] =	ssyncadd.s32 $0xFFFFEC00  }
0x32: {  	[hbm4b:s31+s2] =	stream.linear.scatter [tilespmem:s12], [sflag:$0x2], $0x1400, $0x38;
	[tilespmem:$0x6B80] =	vst v63  }
0x33: {  	_ =	swait.ge [sflag:s7], $0x1400  }
0x34: {  	[sflag:s7] =	ssyncset.done $0x0  }
0x35: {  	[sflag:s7] =	ssyncadd.s32 $0xFFFFEC00  }
0x36: {  	_ =	swait.ge [sflag:s14], $0x1400  }
0x37: {  	[sflag:s14] =	ssyncset.done $0x0  }
0x38: {  	s16 =	sadd.s32 $0xA00, s29;
	[sflag:s14] =	ssyncadd.s32 $0xFFFFEC00  }
0x39: {  	[hbm4b:s16+s2] =	stream.linear.scatter [tilespmem:s13], [sflag:$0x2], $0x1400, $0x38;
	[tilespmem:$0x6B80] =	vst v63  }
0x3a: {  	s18 =	simm.s32 $0x1900;
	_ =	swait.ge [sflag:s7], $0x1400  }
0x3b: {  	s17 =	simm.s32 $0x168;
	s16 =	simm.s32 $0xC80;
	[sflag:s7] =	ssyncset.done $0x0  }
.LBB2_2:
0x3c: {  	p0 =	sne.s32 s18, $0x6400;
	s19 =	sadd.s32 $0xFFFFFF60, s17;
	[sflag:s7] =	ssyncadd.s32 $0xFFFFEC00  }
0x3d: {  	[tilespmem:s9], [sflag:$0x1] =	stream.indirect.gather [hbm4b:s3+s8], $0x80, s19, s8, $0xb8;
	[tilespmem:$0x6B80] =	vst v63  }
0x3e: {  	s20 =	smov.u32 s18;
	s18 =	sadd.s32 $0xC80, s18;
	s19 =	sadd.s32 $0xFFFFFF88, s17  }
0x3f: {  	[tilespmem:s10], [sflag:$0x1] =	stream.indirect.gather [hbm4b:s3+s8], $0x80, s19, s8, $0xb8;
	[tilespmem:$0x6B80] =	vst v63  }
0x40: {  	s19 =	sadd.s32 $0xFFFFFFB0, s17  }
0x41: {  	[tilespmem:s11], [sflag:$0x1] =	stream.indirect.gather [hbm4b:s3+s8], $0x80, s19, s8, $0xb8;
	[tilespmem:$0x6B80] =	vst v63  }
0x42: {  	s19 =	sadd.s32 $0xFFFFFFD8, s17  }
0x43: {  	[tilespmem:s12], [sflag:$0x1] =	stream.indirect.gather [hbm4b:s3+s8], $0x80, s19, s8, $0xb8;
	[tilespmem:$0x6B80] =	vst v63  }
0x44: {  	_ = 	snop  }
0x45: {  	[tilespmem:s13], [sflag:$0x1] =	stream.indirect.gather [hbm4b:s3+s8], $0x80, s17, s8, $0xb8;
	[tilespmem:$0x6B80] =	vst v63  }
0x46: {  	_ =	swait.ge [sflag:s14], $0x1400  }
0x47: {  	[sflag:s14] =	ssyncset.done $0x0  }
0x48: {  	s19 =	sadd.s32 s16, s6;
	s16 =	smov.u32 s20;
	[sflag:s14] =	ssyncadd.s32 $0xFFFFEC00  }
0x49: {  	[hbm4b:s19+s2] =	stream.linear.scatter [tilespmem:s9], [sflag:$0x2], $0x1400, $0x38;
	[tilespmem:$0x6B80] =	vst v63  }
0x4a: {  	_ =	swait.ge [sflag:s7], $0x1400  }
0x4b: {  	[sflag:s7] =	ssyncset.done $0x0  }
0x4c: {  	[sflag:s7] =	ssyncadd.s32 $0xFFFFEC00  }
0x4d: {  	_ =	swait.ge [sflag:s14], $0x1400  }
0x4e: {  	[sflag:s14] =	ssyncset.done $0x0  }
0x4f: {  	s20 =	sadd.s32 $0x280, s19;
	[sflag:s14] =	ssyncadd.s32 $0xFFFFEC00  }
0x50: {  	[hbm4b:s20+s2] =	stream.linear.scatter [tilespmem:s10], [sflag:$0x2], $0x1400, $0x38;
	[tilespmem:$0x6B80] =	vst v63  }
0x51: {  	_ =	swait.ge [sflag:s7], $0x1400  }
0x52: {  	[sflag:s7] =	ssyncset.done $0x0  }
0x53: {  	[sflag:s7] =	ssyncadd.s32 $0xFFFFEC00  }
0x54: {  	_ =	swait.ge [sflag:s14], $0x1400  }
0x55: {  	[sflag:s14] =	ssyncset.done $0x0  }
0x56: {  	s20 =	sadd.s32 $0x500, s19;
	[sflag:s14] =	ssyncadd.s32 $0xFFFFEC00  }
0x57: {  	[hbm4b:s20+s2] =	stream.linear.scatter [tilespmem:s11], [sflag:$0x2], $0x1400, $0x38;
	[tilespmem:$0x6B80] =	vst v63  }
0x58: {  	_ =	swait.ge [sflag:s7], $0x1400  }
0x59: {  	[sflag:s7] =	ssyncset.done $0x0  }
0x5a: {  	[sflag:s7] =	ssyncadd.s32 $0xFFFFEC00  }
0x5b: {  	_ =	swait.ge [sflag:s14], $0x1400  }
0x5c: {  	[sflag:s14] =	ssyncset.done $0x0  }
0x5d: {  	s20 =	sadd.s32 $0x780, s19;
	[sflag:s14] =	ssyncadd.s32 $0xFFFFEC00  }
0x5e: {  	[hbm4b:s20+s2] =	stream.linear.scatter [tilespmem:s12], [sflag:$0x2], $0x1400, $0x38;
	[tilespmem:$0x6B80] =	vst v63  }
0x5f: {  	_ =	swait.ge [sflag:s7], $0x1400  }
0x60: {  	[sflag:s7] =	ssyncset.done $0x0  }
0x61: {  	[sflag:s7] =	ssyncadd.s32 $0xFFFFEC00  }
0x62: {  	_ =	swait.ge [sflag:s14], $0x1400  }
.Ltmp0:
0x63: {  	[sflag:s14] =	ssyncset.done $0x0;
	(pc) =	sbr.rel @p0 .LBB2_2-.Ltmp0, $4  }
0x64: {  	s19 =	sadd.s32 $0xA00, s19;
	[sflag:s14] =	ssyncadd.s32 $0xFFFFEC00  }
0x65: {  	[hbm4b:s19+s2] =	stream.linear.scatter [tilespmem:s13], [sflag:$0x2], $0x1400, $0x38;
	[tilespmem:$0x6B80] =	vst v63  }
0x66: {  	_ =	swait.ge [sflag:s7], $0x1400  }
0x67: {  	s17 =	sadd.s32 $0xC8, s17;
	[sflag:s7] =	ssyncset.done $0x0  }
0x68: {  	s18 =	sadd.s32 $0xFFFFFF60, s17;
	[sflag:s7] =	ssyncadd.s32 $0xFFFFEC00  }
0x69: {  	[tilespmem:s9], [sflag:$0x1] =	stream.indirect.gather [hbm4b:s3+s8], $0x80, s18, s8, $0xb8;
	[tilespmem:$0x6B80] =	vst v63  }
0x6a: {  	s25 =	sadd.s32 $0xFFFFFF88, s17  }
0x6b: {  	[tilespmem:s10], [sflag:$0x1] =	stream.indirect.gather [hbm4b:s3+s8], $0x80, s25, s8, $0xb8;
	[tilespmem:$0x6B80] =	vst v63  }
0x6c: {  	s26 =	sadd.s32 $0xFFFFFFB0, s17  }
0x6d: {  	[tilespmem:s11], [sflag:$0x1] =	stream.indirect.gather [hbm4b:s3+s8], $0x80, s26, s8, $0xb8;
	[tilespmem:$0x6B80] =	vst v63  }
0x6e: {  	s28 =	sadd.s32 $0xFFFFFFD8, s17  }
0x6f: {  	[tilespmem:s12], [sflag:$0x1] =	stream.indirect.gather [hbm4b:s3+s8], $0x80, s28, s8, $0xb8;
	[tilespmem:$0x6B80] =	vst v63  }
0x70: {  	_ = 	snop  }
0x71: {  	[tilespmem:s13], [sflag:$0x1] =	stream.indirect.gather [hbm4b:s3+s8], $0x80, s17, s8, $0xb8;
	[tilespmem:$0x6B80] =	vst v63  }
0x72: {  	_ =	swait.ge [sflag:s14], $0x1400  }
0x73: {  	[sflag:s14] =	ssyncset.done $0x0  }
0x74: {  	s16 =	sadd.s32 s16, s6;
	[sflag:s14] =	ssyncadd.s32 $0xFFFFEC00  }
0x75: {  	[hbm4b:s16+s2] =	stream.linear.scatter [tilespmem:s9], [sflag:$0x2], $0x1400, $0x38;
	[tilespmem:$0x6B80] =	vst v63  }
0x76: {  	_ =	swait.ge [sflag:s7], $0x1400  }
0x77: {  	[sflag:s7] =	ssyncset.done $0x0  }
0x78: {  	[sflag:s7] =	ssyncadd.s32 $0xFFFFEC00  }
0x79: {  	_ =	swait.ge [sflag:s14], $0x1400  }
0x7a: {  	[sflag:s14] =	ssyncset.done $0x0  }
0x7b: {  	s29 =	sadd.s32 $0x280, s16;
	[sflag:s14] =	ssyncadd.s32 $0xFFFFEC00  }
0x7c: {  	[hbm4b:s29+s2] =	stream.linear.scatter [tilespmem:s10], [sflag:$0x2], $0x1400, $0x38;
	[tilespmem:$0x6B80] =	vst v63  }
0x7d: {  	_ =	swait.ge [sflag:s7], $0x1400  }
0x7e: {  	[sflag:s7] =	ssyncset.done $0x0  }
0x7f: {  	[sflag:s7] =	ssyncadd.s32 $0xFFFFEC00  }
0x80: {  	_ =	swait.ge [sflag:s14], $0x1400  }
0x81: {  	[sflag:s14] =	ssyncset.done $0x0  }
0x82: {  	s30 =	sadd.s32 $0x500, s16;
	[sflag:s14] =	ssyncadd.s32 $0xFFFFEC00  }
0x83: {  	[hbm4b:s30+s2] =	stream.linear.scatter [tilespmem:s11], [sflag:$0x2], $0x1400, $0x38;
	[tilespmem:$0x6B80] =	vst v63  }
0x84: {  	_ =	swait.ge [sflag:s7], $0x1400  }
0x85: {  	[sflag:s7] =	ssyncset.done $0x0  }
0x86: {  	[sflag:s7] =	ssyncadd.s32 $0xFFFFEC00  }
0x87: {  	_ =	swait.ge [sflag:s14], $0x1400  }
0x88: {  	[sflag:s14] =	ssyncset.done $0x0  }
0x89: {  	s31 =	sadd.s32 $0x780, s16;
	[sflag:s14] =	ssyncadd.s32 $0xFFFFEC00  }
0x8a: {  	[hbm4b:s31+s2] =	stream.linear.scatter [tilespmem:s12], [sflag:$0x2], $0x1400, $0x38;
	[tilespmem:$0x6B80] =	vst v63  }
0x8b: {  	_ =	swait.ge [sflag:s7], $0x1400  }
0x8c: {  	[sflag:s7] =	ssyncset.done $0x0  }
0x8d: {  	[sflag:s7] =	ssyncadd.s32 $0xFFFFEC00  }
0x8e: {  	s15 =	sadd.s32 $0x1, s15;
	_ =	swait.ge [sflag:s14], $0x1400  }
0x8f: {  	p0 =	sne.s32 s15, s5;
	[sflag:s14] =	ssyncset.done $0x0  }
.Ltmp1:
0x90: {  	s16 =	sadd.s32 $0xA00, s16;
	[sflag:s14] =	ssyncadd.s32 $0xFFFFEC00;
	(pc) =	sbr.rel @p0 .LBB2_1-.Ltmp1, $4  }
0x91: {  	[hbm4b:s16+s2] =	stream.linear.scatter [tilespmem:s13], [sflag:$0x2], $0x1400, $0x38;
	[tilespmem:$0x6B80] =	vst v63  }
0x92: {  	_ =	swait.ge [sflag:s7], $0x1400  }
0x93: {  	[sflag:s7] =	ssyncset.done $0x0  }
0x94: {  	[sflag:s7] =	ssyncadd.s32 $0xFFFFEC00  }
0x95: {  	_ =	sfence.sel $0x180000  }
0x96: {  	[bflag:$0x0] =	sbarrier.arrive $0xFFFF  }
0x97: {  	p0 =	sne.s32 s1, $0x0;
	_ =	strace $0x90000047  }
0x98: {  	s0 =	sadd.s32 @!p0 $0x100000, s0;
	[bflag:$0x2] =	sbarrier.arrive $0xFFFF  }
0x99: {  	[sflag:s0] =	ssyncadd.tile.s32 @!p0 $0x1;
	_ =	shalt  }
.Lfunc_end2:
_tile_overlayer_lowered:
.L_overlay_start_2:
0x9a: {  	(tag) =	ssettag $0x2  }
0x9b: {  	s0 =	rddreg [dreg:$0x0];
	s2 =	stileid.u32  }
0x9c: {  	s1 =	rddreg [dreg:$0x1];
	p0 =	sne.s32 s2, $0x0  }
0x9d: {  	s3 =	rddreg [dreg:$0x2];
	[bflag:$0x3] =	sbarrier.arrive $0xFFFF;
	s2 =	simm.s32 @!p0 $0x1C02  }
0x9e: {  	[timem:s3], [sflag:s2] =	dma.local @!p0 [hbm:s0], s1  }
0x9f: {  	s0 =	simm.s32 @!p0 $0x2  }
0xa0: {  	_ =	swait.ge @!p0 [sflag:s0], s1  }
0xa1: {  	s1 =	ssub.s32 @!p0 $0x0, s1;
	[sflag:s0] =	ssyncset.done @!p0 $0x0  }
0xa2: {  	[sflag:s0] =	ssyncadd.s32 @!p0 s1  }
0xa3: {  	[bflag:$0x3] =	sbarrier.arrive $0xFFFF  }
0xa4: {  	_ =	shalt  }

// kernel: kernel.21.cloned.1.call-start
scs
__scs_entry_jumppad:
0x0: {  	(pc) =	sbr.rel $0x88, $3  }
0x1: {  	(tag) =	ssettag $0x0;
	lr =	simm.s32 $0x1  }
0x2: {  	[smem:$0x3F98] =	sst lr;
	_ =	strace $0xD0000000  }
0x3: {  	_ = 	snop  }
0x4: {  	_ = 	snop  }
0x5: {  	_ = 	snop  }
0x6: {  	_ = 	snop  }
0x7: {  	_ = 	snop  }
__scs_overlays_trampoline_lowered:
0x8: {  	[smem:$0x3FA7] =	sst s0  }
0x9: {  	[smem:$0x3FA8] =	sst s1  }
0xa: {  	[smem:$0x3FA9] =	sst s2  }
0xb: {  	[smem:$0x3FAA] =	sst s3  }
0xc: {  	[smem:$0x3FAB] =	sst s4  }
0xd: {  	[smem:$0x3FAC] =	sst s5  }
0xe: {  	[smem:$0x3FAD] =	sst s6  }
0xf: {  	[smem:$0x3FAE] =	sst s7  }
0x10: {  	[smem:$0x3FAF] =	sst s8  }
0x11: {  	[smem:$0x3FB0] =	sst s9;
	s0 =	simm.s32 @!p0 $0x0  }
0x12: {  	s1 =	sld [smem:$0x3F96];
	s0 =	simm.s32 @p0 $0x1  }
0x13: {  	[smem:$0x3FB1] =	sst s0;
	s0 =	simm.s32 @!p1 $0x0  }
0x14: {  	s2 =	sld [smem:$0x3F95];
	s0 =	simm.s32 @p1 $0x1  }
0x15: {  	[smem:$0x3FB2] =	sst s0;
	s0 =	simm.s32 @!p2 $0x0  }
0x16: {  	s3 =	sld [smem:$0x3FDB];
	s0 =	simm.s32 @p2 $0x1  }
0x17: {  	s4 =	simm.s32 $0x1BF5;
	[smem:$0x3FB4] =	sst s0  }
0x18: {  	s0 =	sld [smem:$0x3F97];
	_ =	swait.ge [sflag:s4], $0x0  }
0x19: {  	s7 =	sld [smem:$0x3F98]  }
0x1a: {  	s8 =	sadd.s32 $0xFFFFE003, lr  }
0x1b: {  	s9 =	sadd.s32 $0xFFFFFEF7, lr;
	s5 =	simm.s32 $0xFFFFFFFF;
	p2 =	slt.u32 s8, $0xFFFFF086  }
0x1c: {  	p1 =	slt.u32 s9, $0xF7A;
	s5 =	simm.s32 @!p2 $0x0  }
0x1d: {  	s5 =	simm.s32 @p1 $0x1;
	p0 =	seq.s32 s7, s2  }
0x1e: {  	s7 =	smul.u32 @!p0 $0xF7A, s2;
	p2 =	seq.s32 @!p0 s5, $0x0  }
0x1f: {  	s9 =	smul.u32 $0xF7A, s1;
	s8 =	simm.s32 @!p0 $0x1BF5;
	p2 =	por !p2, p0  }
0x20: {  	[sflag:s8] =	ssyncset.s32 @!p0 $0xFFFFF086;
	s6 =	sadd.s32 @!p0 s3, s7;
	s7 =	simm.s32 @!p0 $0x108  }
0x21: {  	s3 =	sadd.s32 s3, s9;
	s6 =	sadd.s32 @!p0 $0x88, s6;
	s7 =	simm.s32 @p2 $0x1082  }
0x22: {  	[simem:s7], [sflag:s8] =	dma.local @!p0 [hbm:s6], $0xF7A  }
0x23: {  	s9 =	sor.u32 $0xD0000000, s2;
	s6 =	simm.s32 $0x108;
	_ =	swait.ge @!p0 [sflag:s8], $0x0  }
0x24: {  	s3 =	sadd.s32 $0x88, s3;
	s6 =	simm.s32 @!p1 $0x1082;
	[sflag:s4] =	ssyncset.s32 $0xFFFFF086  }
0x25: {  	[simem:s6], [sflag:s4] =	dma.local [hbm:s3], $0xF7A  }
0x26: {  	[smem:$0x3F98] =	sst s1;
	(tag) =	ssettag s2;
	_ =	strace s9  }
0x27: {  	s1 =	sld [smem:$0x3FA8]  }
0x28: {  	s2 =	sld [smem:$0x3FA9]  }
0x29: {  	s4 =	sld [smem:$0x3FAB]  }
0x2a: {  	p0 =	seq.s32 s5, $0x0;
	s5 =	sld [smem:$0x3FAC]  }
0x2b: {  	s6 =	sld [smem:$0x3FAD]  }
0x2c: {  	s7 =	sld [smem:$0x3FAE]  }
0x2d: {  	s3 =	simm.s32 $0x108;
	s8 =	sld [smem:$0x3FAF]  }
0x2e: {  	s3 =	simm.s32 @!p0 $0x1082;
	s9 =	sld [smem:$0x3FB0]  }
0x2f: {  	lr =	sadd.s32 s0, s3;
	s0 =	sld [smem:$0x3FA7]  }
0x30: {  	s3 =	sld [smem:$0x3FAA]  }
0x31: {  	[smem:$0x3FB3] =	sst s10  }
0x32: {  	s10 =	sld [smem:$0x3FB1];
	_ =	sdelay $0x3  }
0x33: {  	p0 =	seq.s32 s10, $0x1;
	s10 =	sld [smem:$0x3FB3];
	_ =	sdelay $0x3  }
0x34: {  	[smem:$0x3FB3] =	sst s10  }
0x35: {  	s10 =	sld [smem:$0x3FB2];
	_ =	sdelay $0x3  }
0x36: {  	p1 =	seq.s32 s10, $0x1;
	s10 =	sld [smem:$0x3FB3];
	_ =	sdelay $0x3  }
0x37: {  	[smem:$0x3FB3] =	sst s10  }
0x38: {  	s10 =	sld [smem:$0x3FB4]  }
0x39: {  	_ = 	snop;
	(pc) =	sbr.ind lr, $3  }
0x3a: {  	_ = 	snop  }
0x3b: {  	_ = 	snop  }
0x3c: {  	p2 =	seq.s32 s10, $0x1;
	s10 =	sld [smem:$0x3FB3]  }
0x3d: {  	_ =	shalt  }
0x3e: {  	_ =	shalt  }
0x3f: {  	_ =	shalt  }
0x40: {  	_ =	shalt  }
0x41: {  	_ =	shalt  }
0x42: {  	_ =	shalt  }
0x43: {  	_ =	shalt  }
0x44: {  	_ =	shalt  }
0x45: {  	_ =	shalt  }
0x46: {  	_ =	shalt  }
0x47: {  	_ =	shalt  }
0x48: {  	_ =	shalt  }
0x49: {  	_ =	shalt  }
0x4a: {  	_ =	shalt  }
0x4b: {  	_ =	shalt  }
0x4c: {  	_ =	shalt  }
0x4d: {  	_ =	shalt  }
0x4e: {  	_ =	shalt  }
0x4f: {  	_ =	shalt  }
0x50: {  	_ =	shalt  }
0x51: {  	_ =	shalt  }
0x52: {  	_ =	shalt  }
0x53: {  	_ =	shalt  }
0x54: {  	_ =	shalt  }
0x55: {  	_ =	shalt  }
0x56: {  	_ =	shalt  }
0x57: {  	_ =	shalt  }
0x58: {  	_ =	shalt  }
0x59: {  	_ =	shalt  }
0x5a: {  	_ =	shalt  }
0x5b: {  	_ =	shalt  }
0x5c: {  	_ =	shalt  }
0x5d: {  	_ =	shalt  }
0x5e: {  	_ =	shalt  }
0x5f: {  	_ =	shalt  }
0x60: {  	_ =	shalt  }
0x61: {  	_ =	shalt  }
0x62: {  	_ =	shalt  }
0x63: {  	_ =	shalt  }
0x64: {  	_ =	shalt  }
0x65: {  	_ =	shalt  }
0x66: {  	_ =	shalt  }
0x67: {  	_ =	shalt  }
0x68: {  	_ =	shalt  }
0x69: {  	_ =	shalt  }
0x6a: {  	_ =	shalt  }
0x6b: {  	_ =	shalt  }
0x6c: {  	_ =	shalt  }
0x6d: {  	_ =	shalt  }
0x6e: {  	_ =	shalt  }
0x6f: {  	_ =	shalt  }
0x70: {  	_ =	shalt  }
0x71: {  	_ =	shalt  }
0x72: {  	_ =	shalt  }
0x73: {  	_ =	shalt  }
0x74: {  	_ =	shalt  }
0x75: {  	_ =	shalt  }
0x76: {  	_ =	shalt  }
0x77: {  	_ =	shalt  }
0x78: {  	_ =	shalt  }
0x79: {  	_ =	shalt  }
0x7a: {  	_ =	shalt  }
0x7b: {  	_ =	shalt  }
0x7c: {  	_ =	shalt  }
0x7d: {  	_ =	shalt  }
0x7e: {  	_ =	shalt  }
0x7f: {  	_ =	shalt  }
0x80: {  	_ =	shalt  }
0x81: {  	_ =	shalt  }
0x82: {  	_ =	shalt  }
0x83: {  	_ =	shalt  }
0x84: {  	_ =	shalt  }
0x85: {  	_ =	shalt  }
0x86: {  	_ =	shalt  }
0x87: {  	_ =	shalt  }
.Lfunc_end0:
.L_simem_size_0:
called_computation.3_lowered:
.L_overlay_start_0:
0x88: {  	s2 =	sld [smem:$0x3FD9]  }
0x89: {  	s3 =	sld [smem:$0x3FFE];
	_ =	sdelay $0x1  }
0x8a: {  	s1 =	srdreg.scid  }
0x8b: {  	s0 =	sand.u32 $0x1, s1  }
0x8c: {  	s16 =	sshll.u32 s0, $0xA;
	s2 =	sadd.s32 s3, s2  }
0x8d: {  	s2 =	sadd.s32 s2, s16  }
0x8e: {  	[smem:$0x3FBF] =	sst s2  }
0x8f: {  	_ = 	snop  }
0x90: {  	(tm) =	ssettm $0x1  }
0x91: {  	s17 =	sld [smem:$0x3FFB];
	_ =	sdelay $0x3  }
0x92: {  	_ =	strace s17  }
0x93: {  	s2 =	sld [smem:$0x3FFC];
	_ =	sdelay $0x3  }
0x94: {  	_ =	strace s2  }
0x95: {  	s2 =	sld [smem:$0x3FFD];
	_ =	sdelay $0x3  }
0x96: {  	_ =	strace s2  }
0x97: {  	_ =	strace $0x8FFFFFFF  }
0x98: {  	s18 =	sld [smem:$0x3FDB];
	_ =	sdelay $0x1  }
0x99: {  	s19 =	simm.s32 $_scs_section_size  }
0x9a: {  	s4 =	simm.s32 $_size__tile_overlayer_lowered;
	s5 =	simm.s32 $_tile_overlayer_lowered  }
0x9b: {  	s22 =	simm.s32 $0x1BFF;
	s21 =	sshll.u32 s5, $0x1;
	s2 =	sadd.s32 s19, s18  }
0x9c: {  	s6 =	simm.s32 $0x0;
	s20 =	sshll.u32 s4, $0x1;
	s4 =	sadd.s32 s21, s2  }
0x9d: {  	[timem:s6], [sflag:s22] =	dma.local [hbm:s4], s20  }
0x9e: {  	_ =	swait.ge [sflag:s22], s20  }
0x9f: {  	s3 =	ssub.s32 $0x0, s20;
	[sflag:s22] =	ssyncset.done $0x0  }
0xa0: {  	[sflag:s22] =	ssyncadd.s32 s3;
	_ =	sdelay $0x1  }
0xa1: {  	s23 =	simm.s32 $0x1B8B  }
0xa2: {  	_ =	swait.ge [sflag:s23], $0x1  }
0xa3: {  	[sflag:s23] =	ssyncset.done $0x0  }
0xa4: {  	s25 =	simm.s32 $0x1B8E;
	s24 =	sld [smem:$0x3FFE];
	[sflag:s23] =	ssyncadd.s32 $0xFFFFFFFF  }
0xa5: {  	s26 =	simm.s32 $execute0_lowered;
	[smem:$0x3FD2] =	sst s25  }
0xa6: {  	s4 =	sshll.u32 s26, $0x1;
	_ =	strace $0x8000004F;
	[dreg:$0x1] =	wrdreg $0xFFFFFFFF  }
0xa7: {  	s28 =	simm.s32 $_size_execute0_lowered;
	s2 =	sadd.s32 s2, s4;
	[dreg:$0x0] =	wrdreg $0x0  }
0xa8: {  	s4 =	sshll.u32 s28, $0x1;
	[dreg:$0x2] =	wrdreg s2  }
0xa9: {  	[dreg:$0x3] =	wrdreg s4  }
0xaa: {  	[dreg:$0x4] =	wrdreg $0xC0  }
0xab: {  	_ =	task [dreg:s6], $0x5FFFF  }
0xac: {  	[dreg:$0x1] =	wrdreg $0xFFFFFFFF  }
0xad: {  	[dreg:$0x0] =	wrdreg $0x60  }
0xae: {  	[dreg:$0x2] =	wrdreg s24  }
0xaf: {  	[dreg:$0x3] =	wrdreg $0x9  }
0xb0: {  	_ =	task.clear_ibuf [dreg:s6], $0x4FFFF;
	_ =	strace $0x9000004F  }
0xb1: {  	s29 =	simm.s32 $0x9;
	_ =	strace $0x80000051  }
0xb2: {  	_ =	swait.ge [sflag:s29], $0x1  }
0xb3: {  	[sflag:s29] =	ssyncadd.s32 $0xFFFFFFFF  }
0xb4: {  	_ =	strace $0x90000051  }
0xb5: {  	_ =	sfence  }
0xb6: {  	s30 =	sld [smem:$0x0];
	_ =	sdelay $0x2  }
0xb7: {  	s31 =	sshll.u32 s1, $0xD;
	s1 =	sshrl.u32 s1, $0x2  }
0xb8: {  	s3 =	sand.u32 $0x4000, s31;
	s1 =	sadd.s32 s1, s30  }
0xb9: {  	s0 =	sor.u32 s3, s0;
	s1 =	sshll.u32 s1, $0x11  }
0xba: {  	s0 =	sor.u32 s1, s0  }
0xbb: {  	s0 =	sadd.s32 $0x8F2B, s0  }
0xbc: {  	[sflag:s0] =	ssyncadd.remote.s32 $0x1  }
0xbd: {  	_ =	sfence.sel $0xFFFF  }
0xbe: {  	[dreg:$0x0] =	wrdreg $0xFFFFFFFF;
	(pc) =	sbr.abs _section_cstart, $3  }
0xbf: {  	[dreg:$0x1] =	wrdreg $0xFFFFFFFF  }
0xc0: {  	_ =	task.clear_ibuf [dreg:s6], $0x2FFFF;
	_ =	strace $0x9FFFFFFF  }
0xc1: {  	(tm) =	ssettm $0x7FFFFFFF  }
tec
execute0_lowered:
.L_overlay_start_1:
0x0: {  	(tag) =	ssettag $0x1  }
0x1: {  	s1 =	srdreg.scid  }
0x2: {  	s0 =	stileid.u32;
	s30 =	sand.u32 $0x1, s1  }
0x3: {  	s26 =	sshll.u32 s0, $0x9;
	s2 =	sshll.u32 s30, $0x8  }
0x4: {  	s23 =	sor.u32 s2, s26  }
0x5: {  	s22 =	rddreg [dreg:$0x0];
	s2 =	simm.s32 $0x0;
	s3 =	sshrl.u32 s23, $0x3  }
0x6: {  	[smem:$0x7FF] =	sst s2;
	s3 =	sadd.s32 s3, s22  }
0x7: {  	_ =	strace $0x80000050;
	s4 =	sadd.s32 $0x29CA00, s3;
	s3 =	simm.s32 $0x2  }
0x8: {  	[tilespmem:s2], [sflag:$0x2] =	stream.linear.gather [hbm4b:s4+s2], $0x100, $0x38;
	[tilespmem:$0x8100] =	vst v63  }
0x9: {  	_ =	swait.ge [sflag:s3], $0x100  }
0xa: {  	s6 =	simm.s32 $0x20;
	[sflag:s3] =	ssyncset.done $0x0  }
0xb: {  	s7 =	simm.s32 $0x100;
	s5 =	sadd.s32 $0x2E00, s22;
	[sflag:s3] =	ssyncadd.s32 $0xFFFFFF00  }
0xc: {  	[tilespmem:s7], [sflag:$0x1] =	stream.indirect.gather [hbm4b:s5+s6], $0x80, s2, s6, $0xb8;
	[tilespmem:$0x8100] =	vst v63  }
0xd: {  	s8 =	simm.s32 $0x1100  }
0xe: {  	[tilespmem:s8], [sflag:$0x1] =	stream.indirect.gather [hbm4b:s5+s6], $0x80, s6, s6, $0xb8;
	[tilespmem:$0x8100] =	vst v63  }
0xf: {  	s9 =	simm.s32 $0x40;
	s10 =	simm.s32 $0x2100  }
0x10: {  	[tilespmem:s10], [sflag:$0x1] =	stream.indirect.gather [hbm4b:s5+s6], $0x80, s9, s6, $0xb8;
	[tilespmem:$0x8100] =	vst v63  }
0x11: {  	s11 =	simm.s32 $0x60;
	s12 =	simm.s32 $0x3100  }
0x12: {  	[tilespmem:s12], [sflag:$0x1] =	stream.indirect.gather [hbm4b:s5+s6], $0x80, s11, s6, $0xb8;
	[tilespmem:$0x8100] =	vst v63  }
0x13: {  	s13 =	simm.s32 $0x80;
	s14 =	simm.s32 $0x4100  }
0x14: {  	[tilespmem:s14], [sflag:$0x1] =	stream.indirect.gather [hbm4b:s5+s6], $0x80, s13, s6, $0xb8;
	[tilespmem:$0x8100] =	vst v63  }
0x15: {  	s15 =	simm.s32 $0xA0;
	s16 =	simm.s32 $0x5100  }
0x16: {  	[tilespmem:s16], [sflag:$0x1] =	stream.indirect.gather [hbm4b:s5+s6], $0x80, s15, s6, $0xb8;
	[tilespmem:$0x8100] =	vst v63  }
0x17: {  	s17 =	simm.s32 $0xC0;
	s18 =	simm.s32 $0x6100  }
0x18: {  	[tilespmem:s18], [sflag:$0x1] =	stream.indirect.gather [hbm4b:s5+s6], $0x80, s17, s6, $0xb8;
	[tilespmem:$0x8100] =	vst v63  }
0x19: {  	s19 =	simm.s32 $0xE0;
	s20 =	simm.s32 $0x7100;
	s21 =	simm.s32 $0x1  }
0x1a: {  	[tilespmem:s20], [sflag:$0x1] =	stream.indirect.gather [hbm4b:s5+s6], $0x80, s19, s6, $0xb8;
	[tilespmem:$0x8100] =	vst v63  }
0x1b: {  	s23 =	sshll.u32 s23, $0x4;
	_ =	swait.ge [sflag:s21], $0x1000  }
0x1c: {  	s31 =	sadd.s32 s23, s22;
	[sflag:s21] =	ssyncset.done $0x0  }
0x1d: {  	s22 =	sadd.s32 $0x2A000, s31;
	[sflag:s21] =	ssyncadd.s32 $0xFFFFF000  }
0x1e: {  	[hbm4b:s22+s2] =	stream.linear.scatter [tilespmem:s7], [sflag:$0x2], $0x1000, $0x38;
	[tilespmem:$0x8100] =	vst v63  }
0x1f: {  	_ =	swait.ge [sflag:s3], $0x1000  }
0x20: {  	[sflag:s3] =	ssyncset.done $0x0  }
0x21: {  	[sflag:s3] =	ssyncadd.s32 $0xFFFFF000  }
0x22: {  	_ =	swait.ge [sflag:s21], $0x1000  }
0x23: {  	[sflag:s21] =	ssyncset.done $0x0  }
0x24: {  	s23 =	sadd.s32 $0x2A200, s31;
	[sflag:s21] =	ssyncadd.s32 $0xFFFFF000  }
0x25: {  	[hbm4b:s23+s2] =	stream.linear.scatter [tilespmem:s8], [sflag:$0x2], $0x1000, $0x38;
	[tilespmem:$0x8100] =	vst v63  }
0x26: {  	_ =	swait.ge [sflag:s3], $0x1000  }
0x27: {  	[sflag:s3] =	ssyncset.done $0x0  }
0x28: {  	[sflag:s3] =	ssyncadd.s32 $0xFFFFF000  }
0x29: {  	_ =	swait.ge [sflag:s21], $0x1000  }
0x2a: {  	[sflag:s21] =	ssyncset.done $0x0  }
0x2b: {  	s24 =	sadd.s32 $0x2A400, s31;
	[sflag:s21] =	ssyncadd.s32 $0xFFFFF000  }
0x2c: {  	[hbm4b:s24+s2] =	stream.linear.scatter [tilespmem:s10], [sflag:$0x2], $0x1000, $0x38;
	[tilespmem:$0x8100] =	vst v63  }
0x2d: {  	_ =	swait.ge [sflag:s3], $0x1000  }
0x2e: {  	[sflag:s3] =	ssyncset.done $0x0  }
0x2f: {  	[sflag:s3] =	ssyncadd.s32 $0xFFFFF000  }
0x30: {  	_ =	swait.ge [sflag:s21], $0x1000  }
0x31: {  	[sflag:s21] =	ssyncset.done $0x0  }
0x32: {  	s25 =	sadd.s32 $0x2A600, s31;
	[sflag:s21] =	ssyncadd.s32 $0xFFFFF000  }
0x33: {  	[hbm4b:s25+s2] =	stream.linear.scatter [tilespmem:s12], [sflag:$0x2], $0x1000, $0x38;
	[tilespmem:$0x8100] =	vst v63  }
0x34: {  	_ =	swait.ge [sflag:s3], $0x1000  }
0x35: {  	[sflag:s3] =	ssyncset.done $0x0  }
0x36: {  	[sflag:s3] =	ssyncadd.s32 $0xFFFFF000  }
0x37: {  	_ =	swait.ge [sflag:s21], $0x1000  }
0x38: {  	[sflag:s21] =	ssyncset.done $0x0  }
0x39: {  	s26 =	sadd.s32 $0x2A800, s31;
	[sflag:s21] =	ssyncadd.s32 $0xFFFFF000  }
0x3a: {  	[hbm4b:s26+s2] =	stream.linear.scatter [tilespmem:s14], [sflag:$0x2], $0x1000, $0x38;
	[tilespmem:$0x8100] =	vst v63  }
0x3b: {  	_ =	swait.ge [sflag:s3], $0x1000  }
0x3c: {  	[sflag:s3] =	ssyncset.done $0x0  }
0x3d: {  	[sflag:s3] =	ssyncadd.s32 $0xFFFFF000  }
0x3e: {  	_ =	swait.ge [sflag:s21], $0x1000  }
0x3f: {  	[sflag:s21] =	ssyncset.done $0x0  }
0x40: {  	s28 =	sadd.s32 $0x2AA00, s31;
	[sflag:s21] =	ssyncadd.s32 $0xFFFFF000  }
0x41: {  	[hbm4b:s28+s2] =	stream.linear.scatter [tilespmem:s16], [sflag:$0x2], $0x1000, $0x38;
	[tilespmem:$0x8100] =	vst v63  }
0x42: {  	_ =	swait.ge [sflag:s3], $0x1000  }
0x43: {  	[sflag:s3] =	ssyncset.done $0x0  }
0x44: {  	[sflag:s3] =	ssyncadd.s32 $0xFFFFF000  }
0x45: {  	_ =	swait.ge [sflag:s21], $0x1000  }
0x46: {  	[sflag:s21] =	ssyncset.done $0x0  }
0x47: {  	s30 =	ssub.s32 $0x2, s30;
	s29 =	sadd.s32 $0x2AC00, s31;
	[sflag:s21] =	ssyncadd.s32 $0xFFFFF000  }
0x48: {  	[hbm4b:s29+s2] =	stream.linear.scatter [tilespmem:s18], [sflag:$0x2], $0x1000, $0x38;
	[tilespmem:$0x8100] =	vst v63  }
0x49: {  	s1 =	sshrl.u32 s30, $0x1;
	_ =	swait.ge [sflag:s3], $0x1000  }
0x4a: {  	s1 =	ssub.s32 s30, s1;
	[sflag:s3] =	ssyncset.done $0x0  }
0x4b: {  	s1 =	smax.u32 s1, $0x1;
	[sflag:s3] =	ssyncadd.s32 $0xFFFFF000  }
0x4c: {  	p0 =	sne.s32 s1, $0x1;
	_ =	swait.ge [sflag:s21], $0x1000  }
.Ltmp0:
0x4d: {  	[sflag:s21] =	ssyncset.done $0x0;
	(pc) =	sbr.rel @!p0 .LBB2_2-.Ltmp0, $4  }
0x4e: {  	s30 =	sadd.s32 $0x2AE00, s31;
	[sflag:s21] =	ssyncadd.s32 $0xFFFFF000  }
0x4f: {  	[hbm4b:s30+s2] =	stream.linear.scatter [tilespmem:s20], [sflag:$0x2], $0x1000, $0x38;
	[tilespmem:$0x8100] =	vst v63  }
0x50: {  	_ =	swait.ge [sflag:s3], $0x1000  }
0x51: {  	s31 =	sadd.s32 $0xFFFFFFFF, s1;
	[sflag:s3] =	ssyncset.done $0x0  }
.LBB2_1:
0x52: {  	p0 =	sne.s32 s31, $0x1;
	s31 =	sadd.s32 $0xFFFFFFFF, s31;
	[sflag:s3] =	ssyncadd.s32 $0xFFFFF000  }
0x53: {  	[tilespmem:s2], [sflag:$0x2] =	stream.linear.gather [hbm4b:s4+s2], $0x100, $0x38;
	[tilespmem:$0x8100] =	vst v63  }
0x54: {  	_ =	swait.ge [sflag:s3], $0x100  }
0x55: {  	[sflag:s3] =	ssyncset.done $0x0  }
0x56: {  	[sflag:s3] =	ssyncadd.s32 $0xFFFFFF00  }
0x57: {  	[tilespmem:s7], [sflag:$0x1] =	stream.indirect.gather [hbm4b:s5+s6], $0x80, s2, s6, $0xb8;
	[tilespmem:$0x8100] =	vst v63  }
0x58: {  	_ = 	snop  }
0x59: {  	[tilespmem:s8], [sflag:$0x1] =	stream.indirect.gather [hbm4b:s5+s6], $0x80, s6, s6, $0xb8;
	[tilespmem:$0x8100] =	vst v63  }
0x5a: {  	_ = 	snop  }
0x5b: {  	[tilespmem:s10], [sflag:$0x1] =	stream.indirect.gather [hbm4b:s5+s6], $0x80, s9, s6, $0xb8;
	[tilespmem:$0x8100] =	vst v63  }
0x5c: {  	_ = 	snop  }
0x5d: {  	[tilespmem:s12], [sflag:$0x1] =	stream.indirect.gather [hbm4b:s5+s6], $0x80, s11, s6, $0xb8;
	[tilespmem:$0x8100] =	vst v63  }
0x5e: {  	_ = 	snop  }
0x5f: {  	[tilespmem:s14], [sflag:$0x1] =	stream.indirect.gather [hbm4b:s5+s6], $0x80, s13, s6, $0xb8;
	[tilespmem:$0x8100] =	vst v63  }
0x60: {  	_ = 	snop  }
0x61: {  	[tilespmem:s16], [sflag:$0x1] =	stream.indirect.gather [hbm4b:s5+s6], $0x80, s15, s6, $0xb8;
	[tilespmem:$0x8100] =	vst v63  }
0x62: {  	_ = 	snop  }
0x63: {  	[tilespmem:s18], [sflag:$0x1] =	stream.indirect.gather [hbm4b:s5+s6], $0x80, s17, s6, $0xb8;
	[tilespmem:$0x8100] =	vst v63  }
0x64: {  	_ = 	snop  }
0x65: {  	[tilespmem:s20], [sflag:$0x1] =	stream.indirect.gather [hbm4b:s5+s6], $0x80, s19, s6, $0xb8;
	[tilespmem:$0x8100] =	vst v63  }
0x66: {  	_ =	swait.ge [sflag:s21], $0x1000  }
0x67: {  	[sflag:s21] =	ssyncset.done $0x0  }
0x68: {  	[sflag:s21] =	ssyncadd.s32 $0xFFFFF000  }
0x69: {  	[hbm4b:s22+s2] =	stream.linear.scatter [tilespmem:s7], [sflag:$0x2], $0x1000, $0x38;
	[tilespmem:$0x8100] =	vst v63  }
0x6a: {  	_ =	swait.ge [sflag:s3], $0x1000  }
0x6b: {  	[sflag:s3] =	ssyncset.done $0x0  }
0x6c: {  	[sflag:s3] =	ssyncadd.s32 $0xFFFFF000  }
0x6d: {  	_ =	swait.ge [sflag:s21], $0x1000  }
0x6e: {  	[sflag:s21] =	ssyncset.done $0x0  }
0x6f: {  	[sflag:s21] =	ssyncadd.s32 $0xFFFFF000  }
0x70: {  	[hbm4b:s23+s2] =	stream.linear.scatter [tilespmem:s8], [sflag:$0x2], $0x1000, $0x38;
	[tilespmem:$0x8100] =	vst v63  }
0x71: {  	_ =	swait.ge [sflag:s3], $0x1000  }
0x72: {  	[sflag:s3] =	ssyncset.done $0x0  }
0x73: {  	[sflag:s3] =	ssyncadd.s32 $0xFFFFF000  }
0x74: {  	_ =	swait.ge [sflag:s21], $0x1000  }
0x75: {  	[sflag:s21] =	ssyncset.done $0x0  }
0x76: {  	[sflag:s21] =	ssyncadd.s32 $0xFFFFF000  }
0x77: {  	[hbm4b:s24+s2] =	stream.linear.scatter [tilespmem:s10], [sflag:$0x2], $0x1000, $0x38;
	[tilespmem:$0x8100] =	vst v63  }
0x78: {  	_ =	swait.ge [sflag:s3], $0x1000  }
0x79: {  	[sflag:s3] =	ssyncset.done $0x0  }
0x7a: {  	[sflag:s3] =	ssyncadd.s32 $0xFFFFF000  }
0x7b: {  	_ =	swait.ge [sflag:s21], $0x1000  }
0x7c: {  	[sflag:s21] =	ssyncset.done $0x0  }
0x7d: {  	[sflag:s21] =	ssyncadd.s32 $0xFFFFF000  }
0x7e: {  	[hbm4b:s25+s2] =	stream.linear.scatter [tilespmem:s12], [sflag:$0x2], $0x1000, $0x38;
	[tilespmem:$0x8100] =	vst v63  }
0x7f: {  	_ =	swait.ge [sflag:s3], $0x1000  }
0x80: {  	[sflag:s3] =	ssyncset.done $0x0  }
0x81: {  	[sflag:s3] =	ssyncadd.s32 $0xFFFFF000  }
0x82: {  	_ =	swait.ge [sflag:s21], $0x1000  }
0x83: {  	[sflag:s21] =	ssyncset.done $0x0  }
0x84: {  	[sflag:s21] =	ssyncadd.s32 $0xFFFFF000  }
0x85: {  	[hbm4b:s26+s2] =	stream.linear.scatter [tilespmem:s14], [sflag:$0x2], $0x1000, $0x38;
	[tilespmem:$0x8100] =	vst v63  }
0x86: {  	_ =	swait.ge [sflag:s3], $0x1000  }
0x87: {  	[sflag:s3] =	ssyncset.done $0x0  }
0x88: {  	[sflag:s3] =	ssyncadd.s32 $0xFFFFF000  }
0x89: {  	_ =	swait.ge [sflag:s21], $0x1000  }
0x8a: {  	[sflag:s21] =	ssyncset.done $0x0  }
0x8b: {  	[sflag:s21] =	ssyncadd.s32 $0xFFFFF000  }
0x8c: {  	[hbm4b:s28+s2] =	stream.linear.scatter [tilespmem:s16], [sflag:$0x2], $0x1000, $0x38;
	[tilespmem:$0x8100] =	vst v63  }
0x8d: {  	_ =	swait.ge [sflag:s3], $0x1000  }
0x8e: {  	[sflag:s3] =	ssyncset.done $0x0  }
0x8f: {  	[sflag:s3] =	ssyncadd.s32 $0xFFFFF000  }
0x90: {  	_ =	swait.ge [sflag:s21], $0x1000  }
0x91: {  	[sflag:s21] =	ssyncset.done $0x0  }
0x92: {  	[sflag:s21] =	ssyncadd.s32 $0xFFFFF000  }
0x93: {  	[hbm4b:s29+s2] =	stream.linear.scatter [tilespmem:s18], [sflag:$0x2], $0x1000, $0x38;
	[tilespmem:$0x8100] =	vst v63  }
0x94: {  	_ =	swait.ge [sflag:s3], $0x1000  }
0x95: {  	[sflag:s3] =	ssyncset.done $0x0  }
0x96: {  	[sflag:s3] =	ssyncadd.s32 $0xFFFFF000  }
0x97: {  	_ =	swait.ge [sflag:s21], $0x1000  }
.Ltmp1:
0x98: {  	[sflag:s21] =	ssyncset.done $0x0;
	(pc) =	sbr.rel @p0 .LBB2_1-.Ltmp1, $4  }
0x99: {  	[sflag:s21] =	ssyncadd.s32 $0xFFFFF000  }
0x9a: {  	[hbm4b:s30+s2] =	stream.linear.scatter [tilespmem:s20], [sflag:$0x2], $0x1000, $0x38;
	[tilespmem:$0x8100] =	vst v63  }
0x9b: {  	_ =	swait.ge [sflag:s3], $0x1000  }
0x9c: {  	[sflag:s3] =	ssyncset.done $0x0  }
.LBB2_2:
0x9d: {  	[sflag:s3] =	ssyncadd.s32 $0xFFFFF000  }
0x9e: {  	_ =	sfence.sel $0x180000  }
0x9f: {  	[bflag:$0x0] =	sbarrier.arrive $0xFFFF  }
0xa0: {  	_ =	strace $0x90000050  }
0xa1: {  	[bflag:$0x2] =	sbarrier.arrive $0xFFFF  }
0xa2: {  	p0 =	sne.s32 s0, $0x0;
	s0 =	rddreg [dreg:$0x1]  }
0xa3: {  	s0 =	sadd.s32 @!p0 $0x100000, s0  }
0xa4: {  	[sflag:s0] =	ssyncadd.tile.s32 @!p0 $0x1;
	_ =	shalt  }
.Lfunc_end2:
_tile_overlayer_lowered:
.L_overlay_start_2:
0xa5: {  	(tag) =	ssettag $0x2  }
0xa6: {  	s0 =	rddreg [dreg:$0x0];
	s2 =	stileid.u32  }
0xa7: {  	s1 =	rddreg [dreg:$0x1];
	p0 =	sne.s32 s2, $0x0  }
0xa8: {  	s3 =	rddreg [dreg:$0x2];
	[bflag:$0x3] =	sbarrier.arrive $0xFFFF;
	s2 =	simm.s32 @!p0 $0x1C02  }
0xa9: {  	[timem:s3], [sflag:s2] =	dma.local @!p0 [hbm:s0], s1  }
0xaa: {  	s0 =	simm.s32 @!p0 $0x2  }
0xab: {  	_ =	swait.ge @!p0 [sflag:s0], s1  }
0xac: {  	s1 =	ssub.s32 @!p0 $0x0, s1;
	[sflag:s0] =	ssyncset.done @!p0 $0x0  }
0xad: {  	[sflag:s0] =	ssyncadd.s32 @!p0 s1  }
0xae: {  	[bflag:$0x3] =	sbarrier.arrive $0xFFFF  }
0xaf: {  	_ =	shalt  }

</sc_bundles>
